<compile_context>
chip_gen: v7x
topology: tpu7x:2x2x1
jax: 0.10.2.dev20260603
libtpu: 0.0.44.dev20260713+nightly
codegen_flags: <defaults>
</compile_context>

<pallas_src>
import jax
import jax.numpy as jnp
from jax import lax
from jax.experimental import pallas as pl
from jax.experimental.pallas import tpu as pltpu
from jax.experimental.pallas import tpu_sc as plsc

_NODE_NUM = 100000
_REL_NUM = 1000
_D = 128
_K = 20
_P = 16384
_NS = 2 * _P
_NE = 2 * _NS
_MARGIN = 1.0

_NW = 32
_HG = 8
_NHG = _NE // _HG
_HGPW = _NHG // _NW
_NROWS = _HG * _K
_GROWS = _NROWS + _HG
_STRIDE = 176
_IBATCH = 64
_NBATCH = _HGPW // _IBATCH
_NSLOT = 4
_RPW = _NS // _NW
_RCHUNKS = _RPW // 128


def _sc_body(idx5_hbm, relidx_hbm, node_hbm, rel_hbm,
             out_enc, out_rel,
             idx0, idx1, nb0, nb1, nb2, nb3, ob0, ob1, ob2, ob3, relidx_v,
             sg0, sg1, sg2, sg3, so0, so1, so2, so3, semI, semR0, semR1):
    c = lax.axis_index("c")
    s = lax.axis_index("s")
    w = s * 2 + c
    hbase = w * _HGPW
    ibase = w * (_HGPW * _STRIDE)

    nbufs = [nb0, nb1, nb2, nb3]
    obufs = [ob0, ob1, ob2, ob3]
    gsems = [sg0, sg1, sg2, sg3]
    osems = [so0, so1, so2, so3]

    def stage_idx(bi, ibuf):
        return pltpu.async_copy(
            idx5_hbm.at[pl.ds(ibase + bi * (_IBATCH * _STRIDE),
                              _IBATCH * _STRIDE)], ibuf, semI)

    def issue(H, k):
        off = lax.rem(H, _IBATCH) * _STRIDE
        par = lax.rem(lax.div(H, _IBATCH), 2)

        @pl.when(par == 0)
        def _():
            pltpu.async_copy(node_hbm.at[idx0.at[pl.ds(off, _GROWS)]],
                             nbufs[k].at[pl.ds(0, _GROWS)], gsems[k])

        @pl.when(par == 1)
        def _():
            pltpu.async_copy(node_hbm.at[idx1.at[pl.ds(off, _GROWS)]],
                             nbufs[k].at[pl.ds(0, _GROWS)], gsems[k])

    def wait_gather(k):
        pltpu.make_async_copy(node_hbm.at[idx0.at[pl.ds(0, _GROWS)]],
                              nbufs[k].at[pl.ds(0, _GROWS)], gsems[k]).wait()

    def wait_out(k):
        pltpu.make_async_copy(obufs[k], out_enc.at[pl.ds(0, _HG)],
                              osems[k]).wait()

    def sum_group(k):
        nbuf, obuf = nbufs[k], obufs[k]

        def sample_body(i, carry2):
            base = i * _K
            acc = tuple(nbuf[base, pl.ds(j * 16, 16)] for j in range(8))

            def kbody(kk, accs):
                accs = tuple(accs[j] + nbuf[base + 2 * kk + 1,
                                            pl.ds(j * 16, 16)]
                             for j in range(8))
                return tuple(accs[j] + nbuf[base + 2 * kk + 2,
                                            pl.ds(j * 16, 16)]
                             for j in range(8))

            acc = lax.fori_loop(0, 9, kbody, acc)
            acc = tuple(acc[j] + nbuf[base + 19, pl.ds(j * 16, 16)]
                        for j in range(8))
            for j in range(8):
                obuf[i, pl.ds(_D + j * 16, 16)] = acc[j]
                obuf[i, pl.ds(j * 16, 16)] = nbuf[_NROWS + i,
                                                  pl.ds(j * 16, 16)]
            return carry2

        lax.fori_loop(0, _HG, sample_body, 0)

    stage_idx(0, idx0).wait()
    stage_idx(1, idx1)
    for k in range(_NSLOT - 1):
        issue(jnp.int32(k), k)

    def ring_body(t, carry):
        for k in range(_NSLOT):
            hcons = _NSLOT * t + k
            wait_gather(k)

            hpre = hcons + (_NSLOT - 1)
            mod = lax.rem(hpre, _IBATCH)
            bb = lax.div(hpre, _IBATCH)

            @pl.when(jnp.logical_and(mod == 0, hpre < _HGPW))
            def _():
                pltpu.make_async_copy(
                    idx5_hbm.at[pl.ds(0, _IBATCH * _STRIDE)], idx0,
                    semI).wait()

            @pl.when(hpre < _HGPW)
            def _():
                issue(hpre, (k + _NSLOT - 1) % _NSLOT)

            @pl.when(jnp.logical_and(mod == 2, bb + 1 <= _NBATCH - 1))
            def _():
                @pl.when(lax.rem(bb + 1, 2) == 0)
                def _():
                    stage_idx(bb + 1, idx0)

                @pl.when(lax.rem(bb + 1, 2) == 1)
                def _():
                    stage_idx(bb + 1, idx1)

            @pl.when(t > 0)
            def _():
                wait_out(k)

            sum_group(k)
            pltpu.async_copy(
                obufs[k],
                out_enc.at[pl.ds((hbase + hcons) * _HG, _HG)], osems[k])
        return carry

    lax.fori_loop(0, _HGPW // _NSLOT, ring_body, 0)
    for k in range(_NSLOT):
        wait_out(k)

    pltpu.async_copy(relidx_hbm.at[pl.ds(w * _RCHUNKS, _RCHUNKS)],
                     relidx_v, semI).wait()
    pltpu.async_copy(rel_hbm.at[relidx_v.at[0]],
                     nb0.at[pl.ds(0, 128)], semR0)

    def rel_chunk(t, carry):
        @pl.when(t + 1 < _RCHUNKS)
        def _():
            @pl.when(lax.rem(t, 2) == 0)
            def _():
                pltpu.async_copy(rel_hbm.at[relidx_v.at[t + 1]],
                                 nb1.at[pl.ds(0, 128)], semR1)

            @pl.when(lax.rem(t, 2) == 1)
            def _():
                pltpu.async_copy(rel_hbm.at[relidx_v.at[t + 1]],
                                 nb0.at[pl.ds(0, 128)], semR0)

        @pl.when(lax.rem(t, 2) == 0)
        def _():
            pltpu.make_async_copy(rel_hbm.at[relidx_v.at[0]],
                                  nb0.at[pl.ds(0, 128)], semR0).wait()
            pltpu.sync_copy(nb0.at[pl.ds(0, 128)],
                            out_rel.at[pl.ds(w * _RPW + t * 128, 128)])

        @pl.when(lax.rem(t, 2) == 1)
        def _():
            pltpu.make_async_copy(rel_hbm.at[relidx_v.at[0]],
                                  nb1.at[pl.ds(0, 128)], semR1).wait()
            pltpu.sync_copy(nb1.at[pl.ds(0, 128)],
                            out_rel.at[pl.ds(w * _RPW + t * 128, 128)])
        return carry

    lax.fori_loop(0, _RCHUNKS, rel_chunk, 0)


def _sc_gather(idx5, relidx, node_emb, rel_emb):
    mesh = plsc.VectorSubcoreMesh(core_axis_name="c", subcore_axis_name="s")
    return pl.kernel(
        _sc_body,
        out_type=(
            jax.ShapeDtypeStruct((_NE, 2 * _D), jnp.float32),
            jax.ShapeDtypeStruct((_NS, _D), jnp.float32),
        ),
        mesh=mesh,
        scratch_types=[
            pltpu.VMEM((_IBATCH * _STRIDE,), jnp.int32),
            pltpu.VMEM((_IBATCH * _STRIDE,), jnp.int32),
            pltpu.VMEM((_GROWS, _D), jnp.float32),
            pltpu.VMEM((_GROWS, _D), jnp.float32),
            pltpu.VMEM((_GROWS, _D), jnp.float32),
            pltpu.VMEM((_GROWS, _D), jnp.float32),
            pltpu.VMEM((_HG, 2 * _D), jnp.float32),
            pltpu.VMEM((_HG, 2 * _D), jnp.float32),
            pltpu.VMEM((_HG, 2 * _D), jnp.float32),
            pltpu.VMEM((_HG, 2 * _D), jnp.float32),
            pltpu.VMEM((_RCHUNKS, 128), jnp.int32),
            pltpu.SemaphoreType.DMA,
            pltpu.SemaphoreType.DMA,
            pltpu.SemaphoreType.DMA,
            pltpu.SemaphoreType.DMA,
            pltpu.SemaphoreType.DMA,
            pltpu.SemaphoreType.DMA,
            pltpu.SemaphoreType.DMA,
            pltpu.SemaphoreType.DMA,
            pltpu.SemaphoreType.DMA,
            pltpu.SemaphoreType.DMA,
            pltpu.SemaphoreType.DMA,
        ],
    )(idx5, relidx, node_emb, rel_emb)


_BP = 1024
_NBLK = _P // _BP


def _tc_body(enc_sp, enc_sn, enc_dp, enc_dn,
             rel_p, rel_n, wf, bvec, out):
    i = pl.program_id(0)

    def enc(x):
        h = lax.dot_general(x[...], wf[...], (((1,), (0,)), ((), ())),
                            preferred_element_type=jnp.float32)
        return jnp.maximum(h + bvec[...], 0.0)

    hsp = enc(enc_sp)
    hsn = enc(enc_sn)
    hdp = enc(enc_dp)
    hdn = enc(enc_dn)
    dp = hsp + rel_p[...] - hdp
    dn = hsn + rel_n[...] - hdn
    sp = -jnp.sqrt(jnp.sum(dp * dp, axis=1) + 1e-12)
    sn = -jnp.sqrt(jnp.sum(dn * dn, axis=1) + 1e-12)
    part = jnp.sum(jnp.maximum(0.0, sn - sp + _MARGIN)) * (1.0 / _P)

    @pl.when(i == 0)
    def _():
        out[0, 0] = 0.0

    out[0, 0] += part


def _tc_dense(out_enc, out_rel, wf, bvec):
    enc_spec = lambda off: pl.BlockSpec((_BP, 2 * _D),
                                        lambda i, o=off: (i + o, 0))
    rel_spec = lambda off: pl.BlockSpec((_BP, _D),
                                        lambda i, o=off: (i + o, 0))
    loss = pl.pallas_call(
        _tc_body,
        grid=(_NBLK,),
        in_specs=[
            enc_spec(0), enc_spec(_NBLK), enc_spec(2 * _NBLK),
            enc_spec(3 * _NBLK),
            rel_spec(0), rel_spec(_NBLK),
            pl.BlockSpec((2 * _D, _D), lambda i: (0, 0)),
            pl.BlockSpec((1, _D), lambda i: (0, 0)),
        ],
        out_specs=pl.BlockSpec((1, 1), lambda i: (0, 0),
                               memory_space=pltpu.SMEM),
        out_shape=jax.ShapeDtypeStruct((1, 1), jnp.float32),
        compiler_params=pltpu.CompilerParams(
            dimension_semantics=("arbitrary",)),
    )(out_enc, out_enc, out_enc, out_enc,
      out_rel, out_rel, wf, bvec)
    return loss[0, 0]


def kernel(train_pos, train_neg, ngh_idx_src, ngh_idx_dst,
           node_emb, rel_emb, W, b):
    alls = jnp.concatenate([train_pos, train_neg], axis=0).astype(jnp.int32)
    src = alls[:, 0] % _NODE_NUM
    dst = alls[:, 1] % _NODE_NUM
    rel = alls[:, 2] % _REL_NUM

    selfidx = jnp.concatenate([src, dst]).reshape(_NHG, _HG)
    nghidx = jnp.concatenate(
        [ngh_idx_src, ngh_idx_dst], axis=0).astype(jnp.int32).reshape(
            _NHG, _NROWS)
    pad = jnp.zeros((_NHG, _STRIDE - _GROWS), dtype=jnp.int32)
    idx5 = jnp.concatenate([nghidx, selfidx, pad], axis=1).reshape(-1)
    relidx = rel.reshape(_NS // 128, 128)

    out_enc, out_rel = _sc_gather(idx5, relidx, node_emb, rel_emb)

    wf = jnp.concatenate([W[:_D], W[_D:] * (1.0 / _K)], axis=0)
    bvec = b.reshape(1, _D)
    return _tc_dense(out_enc, out_rel, wf, bvec)

# --- scband reference (transcript-rebuilt; emitter-appended) ---
"""Pipeline reference for scband-model-6485400617576 (READ-ONLY COPY).

The authoritative reference and input builder live on the scoring server;
editing this copy changes nothing except your own understanding.
"""

import jax, jax.numpy as jnp
import numpy as np

NODE_NUM = 100000
REL_NUM = 1000
EMB_DIM = 128
NUM_NEIGHBORS = 20
P = 16384
NEG_FACTOR = 1
MARGIN = 1.0


def setup_inputs(seed: int = 0) -> dict:
    key = jax.random.key(seed)
    ks = jax.random.split(key, 8)
    train_pos = jax.random.randint(ks[0], (P, 4), 0, NODE_NUM)
    train_neg = jax.random.randint(ks[1], (P, 4), 0, NODE_NUM)
    ngh_idx_src = jax.random.randint(ks[2], (2 * P, NUM_NEIGHBORS), 0, NODE_NUM)
    ngh_idx_dst = jax.random.randint(ks[3], (2 * P, NUM_NEIGHBORS), 0, NODE_NUM)
    node_emb = jax.random.normal(ks[4], (NODE_NUM, EMB_DIM), dtype=jnp.float32) * 0.02
    rel_emb = jax.random.normal(ks[5], (REL_NUM, EMB_DIM), dtype=jnp.float32) * 0.02
    W = jax.random.normal(ks[6], (2 * EMB_DIM, EMB_DIM), dtype=jnp.float32) * 0.05
    b = jnp.zeros((EMB_DIM,), dtype=jnp.float32)
    return {
        "train_pos": train_pos,
        "train_neg": train_neg,
        "ngh_idx_src": ngh_idx_src,
        "ngh_idx_dst": ngh_idx_dst,
        "node_emb": node_emb,
        "rel_emb": rel_emb,
        "W": W,
        "b": b,
    }


def _encode(idx, ngh_idx, node_emb, W, b):
    # simplified one-hop TGAT encoder: self embedding + mean-aggregated
    # sampled-neighbor embeddings, fused through a linear layer + ReLU.
    self_e = jnp.take(node_emb, idx, axis=0)                      # [N, D] gather
    ngh_e = jnp.take(node_emb, ngh_idx, axis=0)                   # [N, K, D] gather
    ngh_agg = jnp.mean(ngh_e, axis=1)                             # [N, D]
    h = jnp.concatenate([self_e, ngh_agg], axis=-1)               # [N, 2D]
    return jax.nn.relu(h @ W + b)


def reference(train_pos, train_neg, ngh_idx_src, ngh_idx_dst, node_emb, rel_emb, W, b):
    all_samples = jnp.concatenate([train_pos, train_neg], axis=0)  # [2P, 4]
    src_idx = all_samples[:, 0] % NODE_NUM
    dst_idx = all_samples[:, 1] % NODE_NUM
    rel_idx = all_samples[:, 2] % REL_NUM

    src_embed = _encode(src_idx, ngh_idx_src, node_emb, W, b)
    dst_embed = _encode(dst_idx, ngh_idx_dst, node_emb, W, b)
    rel_embed = jnp.take(rel_emb, rel_idx, axis=0)

    # TransE score
    diff = src_embed + rel_embed - dst_embed
    score = -jnp.sqrt(jnp.sum(diff * diff, axis=1) + 1e-12)

    positive_score = score[:P]
    negative_score = score[P:]
    positive_score = jnp.tile(positive_score, NEG_FACTOR)
    y = jnp.ones((P * NEG_FACTOR,), dtype=jnp.float32)
    # margin ranking loss with y=1: mean(max(0, -(pos - neg) + margin))
    loss = jnp.mean(jnp.maximum(0.0, -y * (positive_score - negative_score) + MARGIN))
    return loss

if __name__ == "__main__":
    import jax
    _d = setup_inputs()
    print(jax.jit(kernel)(*tuple(_d.values())))

</pallas_src>

<mosaic_0001>
#map = affine_map<(d0, d1) -> (0)>
#map1 = affine_map<(d0, d1) -> (0, 0)>
module attributes {stable_mosaic.version = 14 : i64} {
  func.func @_sc_body(%arg0: i32, %arg1: i32, %arg2: memref<1441792xi32, #tpu.memory_space<hbm>>, %arg3: memref<256x128xi32, #tpu.memory_space<hbm>>, %arg4: memref<100000x128xf32, #tpu.memory_space<hbm>>, %arg5: memref<1000x128xf32, #tpu.memory_space<hbm>>, %arg6: memref<65536x256xf32, #tpu.memory_space<hbm>>, %arg7: memref<32768x128xf32, #tpu.memory_space<hbm>>, %arg8: memref<11264xi32, #tpu.memory_space<vmem>>, %arg9: memref<11264xi32, #tpu.memory_space<vmem>>, %arg10: memref<168x128xf32, #tpu.memory_space<vmem>>, %arg11: memref<168x128xf32, #tpu.memory_space<vmem>>, %arg12: memref<168x128xf32, #tpu.memory_space<vmem>>, %arg13: memref<168x128xf32, #tpu.memory_space<vmem>>, %arg14: memref<8x256xf32, #tpu.memory_space<vmem>>, %arg15: memref<8x256xf32, #tpu.memory_space<vmem>>, %arg16: memref<8x256xf32, #tpu.memory_space<vmem>>, %arg17: memref<8x256xf32, #tpu.memory_space<vmem>>, %arg18: memref<8x128xi32, #tpu.memory_space<vmem>>, %arg19: memref<!tpu.dma_semaphore, #tpu.memory_space<semaphore_mem>>, %arg20: memref<!tpu.dma_semaphore, #tpu.memory_space<semaphore_mem>>, %arg21: memref<!tpu.dma_semaphore, #tpu.memory_space<semaphore_mem>>, %arg22: memref<!tpu.dma_semaphore, #tpu.memory_space<semaphore_mem>>, %arg23: memref<!tpu.dma_semaphore, #tpu.memory_space<semaphore_mem>>, %arg24: memref<!tpu.dma_semaphore, #tpu.memory_space<semaphore_mem>>, %arg25: memref<!tpu.dma_semaphore, #tpu.memory_space<semaphore_mem>>, %arg26: memref<!tpu.dma_semaphore, #tpu.memory_space<semaphore_mem>>, %arg27: memref<!tpu.dma_semaphore, #tpu.memory_space<semaphore_mem>>, %arg28: memref<!tpu.dma_semaphore, #tpu.memory_space<semaphore_mem>>, %arg29: memref<!tpu.dma_semaphore, #tpu.memory_space<semaphore_mem>>) attributes {dimension_semantics = [#tpu.dimension_semantics<core_parallel>, #tpu.dimension_semantics<subcore_parallel>], iteration_bounds = array<i64: 2, 16>, scalar_prefetch = 0 : i64, scratch_operands = 22 : i64, tpu.core_type = #tpu.core_type<sc_vector_subcore>, window_params = [{transform_indices = #map}, {transform_indices = #map1}, {transform_indices = #map1}, {transform_indices = #map1}, {transform_indices = #map1}, {transform_indices = #map1}]} {
    %mul3A = arith.constant 2 : i32
    %mul3A_0 = arith.muli %arg1, %mul3A : i32
    %add3A = arith.addi %mul3A_0, %arg0 : i32
    %mul3A_1 = arith.constant 256 : i32
    %mul3A_2 = arith.muli %add3A, %mul3A_1 : i32
    %mul3A_3 = arith.constant 45056 : i32
    %mul3A_4 = arith.muli %add3A, %mul3A_3 : i32
    %add3A_5 = arith.constant 0 : i32
    %add3A_6 = arith.addi %mul3A_4, %add3A_5 : i32
    %dma_start3A = tpu.memref_slice %arg2[%add3A_6] : memref<1441792xi32, #tpu.memory_space<hbm>> -> memref<11264xi32, #tpu.memory_space<hbm>>
    %dma_start3A_7 = tpu.memref_slice %arg2[%add3A_6] : memref<1441792xi32, #tpu.memory_space<hbm>> -> memref<11264xi32, #tpu.memory_space<hbm>>
    tpu.enqueue_dma source(%dma_start3A_7 : memref<11264xi32, #tpu.memory_space<hbm>>) target(%arg8 : memref<11264xi32, #tpu.memory_space<vmem>>) target_semaphore(%arg27 : memref<!tpu.dma_semaphore, #tpu.memory_space<semaphore_mem>>)
    %dma_wait3A = tpu.memref_slice %arg2[%add3A_6] : memref<1441792xi32, #tpu.memory_space<hbm>> -> memref<11264xi32, #tpu.memory_space<hbm>>
    %dma_wait3A_8 = tpu.memref_slice %arg2[%add3A_6] : memref<1441792xi32, #tpu.memory_space<hbm>> -> memref<11264xi32, #tpu.memory_space<hbm>>
    tpu.wait_dma2 semaphore(%arg27 : memref<!tpu.dma_semaphore, #tpu.memory_space<semaphore_mem>>) src(%dma_wait3A_8 : memref<11264xi32, #tpu.memory_space<hbm>>) dst(%arg8 : memref<11264xi32, #tpu.memory_space<vmem>>)
    %add3A_9 = arith.constant 11264 : i32
    %add3A_10 = arith.addi %mul3A_4, %add3A_9 : i32
    %dma_start3A_11 = tpu.memref_slice %arg2[%add3A_10] : memref<1441792xi32, #tpu.memory_space<hbm>> -> memref<11264xi32, #tpu.memory_space<hbm>>
    %dma_start3A_12 = tpu.memref_slice %arg2[%add3A_10] : memref<1441792xi32, #tpu.memory_space<hbm>> -> memref<11264xi32, #tpu.memory_space<hbm>>
    tpu.enqueue_dma source(%dma_start3A_12 : memref<11264xi32, #tpu.memory_space<hbm>>) target(%arg9 : memref<11264xi32, #tpu.memory_space<vmem>>) target_semaphore(%arg27 : memref<!tpu.dma_semaphore, #tpu.memory_space<semaphore_mem>>)
    %rem3A = arith.constant 0 : i32
    %rem3A_13 = arith.constant 64 : i32
    %rem3A_14 = arith.remsi %rem3A, %rem3A_13 : i32
    %mul3A_15 = arith.constant 176 : i32
    %mul3A_16 = arith.muli %rem3A_14, %mul3A_15 : i32
    %div3A = arith.constant 0 : i32
    %div3A_17 = arith.constant 64 : i32
    %div3A_18 = arith.divsi %div3A, %div3A_17 : i32
    %rem3A_19 = arith.constant 2 : i32
    %rem3A_20 = arith.remsi %div3A_18, %rem3A_19 : i32
    %eq3A = arith.constant 0 : i32
    %eq3A_21 = arith.cmpi eq, %rem3A_20, %eq3A : i32
    %convert_element_type3A = arith.extui %eq3A_21 : i1 to i32
    %cond3A = arith.constant 0 : i32
    %cond3A_22 = arith.cmpi ne, %convert_element_type3A, %cond3A : i32
    scf.if %cond3A_22 {
      %dma_start3A_123 = arith.constant 0 : i32
      %dma_start3A_124 = arith.constant 0 : i32
      %dma_start3A_125 = tpu.memref_slice %arg10[%dma_start3A_123, %dma_start3A_124] : memref<168x128xf32, #tpu.memory_space<vmem>> -> memref<168x128xf32, #tpu.memory_space<vmem>>
      %dma_start3A_126 = tpu.memref_slice %arg8[%mul3A_16] : memref<11264xi32, #tpu.memory_space<vmem>> -> memref<168xi32, #tpu.memory_space<vmem>>
      %dma_start3A_127 = arith.constant 0 : i32
      %dma_start3A_128 = arith.constant 0 : i32
      %dma_start3A_129 = tpu.memref_slice %arg4[%dma_start3A_127, %dma_start3A_128] : memref<100000x128xf32, #tpu.memory_space<hbm>> -> memref<100000x128xf32, #tpu.memory_space<hbm>>
      tpu.enqueue_indirect_dma source(%dma_start3A_129 : memref<100000x128xf32, #tpu.memory_space<hbm>>) target(%dma_start3A_125 : memref<168x128xf32, #tpu.memory_space<vmem>>) offsets(%dma_start3A_126 : memref<168xi32, #tpu.memory_space<vmem>>) semaphore(%arg19 : memref<!tpu.dma_semaphore, #tpu.memory_space<semaphore_mem>>)
    } else {
    }
    %eq3A_23 = arith.constant 1 : i32
    %eq3A_24 = arith.cmpi eq, %rem3A_20, %eq3A_23 : i32
    %convert_element_type3A_25 = arith.extui %eq3A_24 : i1 to i32
    %cond3A_26 = arith.constant 0 : i32
    %cond3A_27 = arith.cmpi ne, %convert_element_type3A_25, %cond3A_26 : i32
    scf.if %cond3A_27 {
      %dma_start3A_123 = arith.constant 0 : i32
      %dma_start3A_124 = arith.constant 0 : i32
      %dma_start3A_125 = tpu.memref_slice %arg10[%dma_start3A_123, %dma_start3A_124] : memref<168x128xf32, #tpu.memory_space<vmem>> -> memref<168x128xf32, #tpu.memory_space<vmem>>
      %dma_start3A_126 = tpu.memref_slice %arg9[%mul3A_16] : memref<11264xi32, #tpu.memory_space<vmem>> -> memref<168xi32, #tpu.memory_space<vmem>>
      %dma_start3A_127 = arith.constant 0 : i32
      %dma_start3A_128 = arith.constant 0 : i32
      %dma_start3A_129 = tpu.memref_slice %arg4[%dma_start3A_127, %dma_start3A_128] : memref<100000x128xf32, #tpu.memory_space<hbm>> -> memref<100000x128xf32, #tpu.memory_space<hbm>>
      tpu.enqueue_indirect_dma source(%dma_start3A_129 : memref<100000x128xf32, #tpu.memory_space<hbm>>) target(%dma_start3A_125 : memref<168x128xf32, #tpu.memory_space<vmem>>) offsets(%dma_start3A_126 : memref<168xi32, #tpu.memory_space<vmem>>) semaphore(%arg19 : memref<!tpu.dma_semaphore, #tpu.memory_space<semaphore_mem>>)
    } else {
    }
    %rem3A_28 = arith.constant 1 : i32
    %rem3A_29 = arith.constant 64 : i32
    %rem3A_30 = arith.remsi %rem3A_28, %rem3A_29 : i32
    %mul3A_31 = arith.constant 176 : i32
    %mul3A_32 = arith.muli %rem3A_30, %mul3A_31 : i32
    %div3A_33 = arith.constant 1 : i32
    %div3A_34 = arith.constant 64 : i32
    %div3A_35 = arith.divsi %div3A_33, %div3A_34 : i32
    %rem3A_36 = arith.constant 2 : i32
    %rem3A_37 = arith.remsi %div3A_35, %rem3A_36 : i32
    %eq3A_38 = arith.constant 0 : i32
    %eq3A_39 = arith.cmpi eq, %rem3A_37, %eq3A_38 : i32
    %convert_element_type3A_40 = arith.extui %eq3A_39 : i1 to i32
    %cond3A_41 = arith.constant 0 : i32
    %cond3A_42 = arith.cmpi ne, %convert_element_type3A_40, %cond3A_41 : i32
    scf.if %cond3A_42 {
      %dma_start3A_123 = arith.constant 0 : i32
      %dma_start3A_124 = arith.constant 0 : i32
      %dma_start3A_125 = tpu.memref_slice %arg11[%dma_start3A_123, %dma_start3A_124] : memref<168x128xf32, #tpu.memory_space<vmem>> -> memref<168x128xf32, #tpu.memory_space<vmem>>
      %dma_start3A_126 = tpu.memref_slice %arg8[%mul3A_32] : memref<11264xi32, #tpu.memory_space<vmem>> -> memref<168xi32, #tpu.memory_space<vmem>>
      %dma_start3A_127 = arith.constant 0 : i32
      %dma_start3A_128 = arith.constant 0 : i32
      %dma_start3A_129 = tpu.memref_slice %arg4[%dma_start3A_127, %dma_start3A_128] : memref<100000x128xf32, #tpu.memory_space<hbm>> -> memref<100000x128xf32, #tpu.memory_space<hbm>>
      tpu.enqueue_indirect_dma source(%dma_start3A_129 : memref<100000x128xf32, #tpu.memory_space<hbm>>) target(%dma_start3A_125 : memref<168x128xf32, #tpu.memory_space<vmem>>) offsets(%dma_start3A_126 : memref<168xi32, #tpu.memory_space<vmem>>) semaphore(%arg20 : memref<!tpu.dma_semaphore, #tpu.memory_space<semaphore_mem>>)
    } else {
    }
    %eq3A_43 = arith.constant 1 : i32
    %eq3A_44 = arith.cmpi eq, %rem3A_37, %eq3A_43 : i32
    %convert_element_type3A_45 = arith.extui %eq3A_44 : i1 to i32
    %cond3A_46 = arith.constant 0 : i32
    %cond3A_47 = arith.cmpi ne, %convert_element_type3A_45, %cond3A_46 : i32
    scf.if %cond3A_47 {
      %dma_start3A_123 = arith.constant 0 : i32
      %dma_start3A_124 = arith.constant 0 : i32
      %dma_start3A_125 = tpu.memref_slice %arg11[%dma_start3A_123, %dma_start3A_124] : memref<168x128xf32, #tpu.memory_space<vmem>> -> memref<168x128xf32, #tpu.memory_space<vmem>>
      %dma_start3A_126 = tpu.memref_slice %arg9[%mul3A_32] : memref<11264xi32, #tpu.memory_space<vmem>> -> memref<168xi32, #tpu.memory_space<vmem>>
      %dma_start3A_127 = arith.constant 0 : i32
      %dma_start3A_128 = arith.constant 0 : i32
      %dma_start3A_129 = tpu.memref_slice %arg4[%dma_start3A_127, %dma_start3A_128] : memref<100000x128xf32, #tpu.memory_space<hbm>> -> memref<100000x128xf32, #tpu.memory_space<hbm>>
      tpu.enqueue_indirect_dma source(%dma_start3A_129 : memref<100000x128xf32, #tpu.memory_space<hbm>>) target(%dma_start3A_125 : memref<168x128xf32, #tpu.memory_space<vmem>>) offsets(%dma_start3A_126 : memref<168xi32, #tpu.memory_space<vmem>>) semaphore(%arg20 : memref<!tpu.dma_semaphore, #tpu.memory_space<semaphore_mem>>)
    } else {
    }
    %rem3A_48 = arith.constant 2 : i32
    %rem3A_49 = arith.constant 64 : i32
    %rem3A_50 = arith.remsi %rem3A_48, %rem3A_49 : i32
    %mul3A_51 = arith.constant 176 : i32
    %mul3A_52 = arith.muli %rem3A_50, %mul3A_51 : i32
    %div3A_53 = arith.constant 2 : i32
    %div3A_54 = arith.constant 64 : i32
    %div3A_55 = arith.divsi %div3A_53, %div3A_54 : i32
    %rem3A_56 = arith.constant 2 : i32
    %rem3A_57 = arith.remsi %div3A_55, %rem3A_56 : i32
    %eq3A_58 = arith.constant 0 : i32
    %eq3A_59 = arith.cmpi eq, %rem3A_57, %eq3A_58 : i32
    %convert_element_type3A_60 = arith.extui %eq3A_59 : i1 to i32
    %cond3A_61 = arith.constant 0 : i32
    %cond3A_62 = arith.cmpi ne, %convert_element_type3A_60, %cond3A_61 : i32
    scf.if %cond3A_62 {
      %dma_start3A_123 = arith.constant 0 : i32
      %dma_start3A_124 = arith.constant 0 : i32
      %dma_start3A_125 = tpu.memref_slice %arg12[%dma_start3A_123, %dma_start3A_124] : memref<168x128xf32, #tpu.memory_space<vmem>> -> memref<168x128xf32, #tpu.memory_space<vmem>>
      %dma_start3A_126 = tpu.memref_slice %arg8[%mul3A_52] : memref<11264xi32, #tpu.memory_space<vmem>> -> memref<168xi32, #tpu.memory_space<vmem>>
      %dma_start3A_127 = arith.constant 0 : i32
      %dma_start3A_128 = arith.constant 0 : i32
      %dma_start3A_129 = tpu.memref_slice %arg4[%dma_start3A_127, %dma_start3A_128] : memref<100000x128xf32, #tpu.memory_space<hbm>> -> memref<100000x128xf32, #tpu.memory_space<hbm>>
      tpu.enqueue_indirect_dma source(%dma_start3A_129 : memref<100000x128xf32, #tpu.memory_space<hbm>>) target(%dma_start3A_125 : memref<168x128xf32, #tpu.memory_space<vmem>>) offsets(%dma_start3A_126 : memref<168xi32, #tpu.memory_space<vmem>>) semaphore(%arg21 : memref<!tpu.dma_semaphore, #tpu.memory_space<semaphore_mem>>)
    } else {
    }
    %eq3A_63 = arith.constant 1 : i32
    %eq3A_64 = arith.cmpi eq, %rem3A_57, %eq3A_63 : i32
    %convert_element_type3A_65 = arith.extui %eq3A_64 : i1 to i32
    %cond3A_66 = arith.constant 0 : i32
    %cond3A_67 = arith.cmpi ne, %convert_element_type3A_65, %cond3A_66 : i32
    scf.if %cond3A_67 {
      %dma_start3A_123 = arith.constant 0 : i32
      %dma_start3A_124 = arith.constant 0 : i32
      %dma_start3A_125 = tpu.memref_slice %arg12[%dma_start3A_123, %dma_start3A_124] : memref<168x128xf32, #tpu.memory_space<vmem>> -> memref<168x128xf32, #tpu.memory_space<vmem>>
      %dma_start3A_126 = tpu.memref_slice %arg9[%mul3A_52] : memref<11264xi32, #tpu.memory_space<vmem>> -> memref<168xi32, #tpu.memory_space<vmem>>
      %dma_start3A_127 = arith.constant 0 : i32
      %dma_start3A_128 = arith.constant 0 : i32
      %dma_start3A_129 = tpu.memref_slice %arg4[%dma_start3A_127, %dma_start3A_128] : memref<100000x128xf32, #tpu.memory_space<hbm>> -> memref<100000x128xf32, #tpu.memory_space<hbm>>
      tpu.enqueue_indirect_dma source(%dma_start3A_129 : memref<100000x128xf32, #tpu.memory_space<hbm>>) target(%dma_start3A_125 : memref<168x128xf32, #tpu.memory_space<vmem>>) offsets(%dma_start3A_126 : memref<168xi32, #tpu.memory_space<vmem>>) semaphore(%arg21 : memref<!tpu.dma_semaphore, #tpu.memory_space<semaphore_mem>>)
    } else {
    }
    %scan3A = arith.constant 0 : i32
    %scan3A_68 = arith.constant 0 : i32
    %scan3A_69 = arith.constant 64 : i32
    %scan3A_70 = arith.addi %scan3A_68, %scan3A_69 : i32
    %scan3A_71 = arith.constant 1 : i32
    scf.for %scan3A_123 = %scan3A_68 to %scan3A_70 step %scan3A_71  : i32 {
      %mul3A_124 = arith.constant 4 : i32
      %mul3A_125 = arith.muli %mul3A_124, %scan3A_123 : i32
      %add3A_126 = arith.constant 0 : i32
      %add3A_127 = arith.addi %mul3A_125, %add3A_126 : i32
      %dma_wait3A_128 = arith.constant 0 : i32
      %dma_wait3A_129 = arith.constant 0 : i32
      %dma_wait3A_130 = tpu.memref_slice %arg10[%dma_wait3A_128, %dma_wait3A_129] : memref<168x128xf32, #tpu.memory_space<vmem>> -> memref<168x128xf32, #tpu.memory_space<vmem>>
      %dma_wait3A_131 = arith.constant 0 : i32
      %dma_wait3A_132 = tpu.memref_slice %arg8[%dma_wait3A_131] : memref<11264xi32, #tpu.memory_space<vmem>> -> memref<168xi32, #tpu.memory_space<vmem>>
      %dma_wait3A_133 = arith.constant 0 : i32
      %dma_wait3A_134 = arith.constant 0 : i32
      %dma_wait3A_135 = tpu.memref_slice %arg4[%dma_wait3A_133, %dma_wait3A_134] : memref<100000x128xf32, #tpu.memory_space<hbm>> -> memref<100000x128xf32, #tpu.memory_space<hbm>>
      tpu.wait_indirect_dma semaphore(%arg19 : memref<!tpu.dma_semaphore, #tpu.memory_space<semaphore_mem>>) src(%dma_wait3A_135 : memref<100000x128xf32, #tpu.memory_space<hbm>>) dst(%dma_wait3A_130 : memref<168x128xf32, #tpu.memory_space<vmem>>)
      %add3A_136 = arith.constant 3 : i32
      %add3A_137 = arith.addi %add3A_127, %add3A_136 : i32
      %rem3A_138 = arith.constant 64 : i32
      %rem3A_139 = arith.remsi %add3A_137, %rem3A_138 : i32
      %div3A_140 = arith.constant 64 : i32
      %div3A_141 = arith.divsi %add3A_137, %div3A_140 : i32
      %eq3A_142 = arith.constant 0 : i32
      %eq3A_143 = arith.cmpi eq, %rem3A_139, %eq3A_142 : i32
      %lt3A = arith.constant 256 : i32
      %lt3A_144 = arith.cmpi slt, %add3A_137, %lt3A : i32
      %and3A = arith.andi %eq3A_143, %lt3A_144 : i1
      %convert_element_type3A_145 = arith.extui %and3A : i1 to i32
      %cond3A_146 = arith.constant 0 : i32
      %cond3A_147 = arith.cmpi ne, %convert_element_type3A_145, %cond3A_146 : i32
      scf.if %cond3A_147 {
        %dma_wait3A_356 = arith.constant 0 : i32
        %dma_wait3A_357 = tpu.memref_slice %arg2[%dma_wait3A_356] : memref<1441792xi32, #tpu.memory_space<hbm>> -> memref<11264xi32, #tpu.memory_space<hbm>>
        %dma_wait3A_358 = arith.constant 0 : i32
        %dma_wait3A_359 = tpu.memref_slice %arg2[%dma_wait3A_358] : memref<1441792xi32, #tpu.memory_space<hbm>> -> memref<11264xi32, #tpu.memory_space<hbm>>
        tpu.wait_dma2 semaphore(%arg27 : memref<!tpu.dma_semaphore, #tpu.memory_space<semaphore_mem>>) src(%dma_wait3A_359 : memref<11264xi32, #tpu.memory_space<hbm>>) dst(%arg8 : memref<11264xi32, #tpu.memory_space<vmem>>)
      } else {
      }
      %lt3A_148 = arith.constant 256 : i32
      %lt3A_149 = arith.cmpi slt, %add3A_137, %lt3A_148 : i32
      %convert_element_type3A_150 = arith.extui %lt3A_149 : i1 to i32
      %cond3A_151 = arith.constant 0 : i32
      %cond3A_152 = arith.cmpi ne, %convert_element_type3A_150, %cond3A_151 : i32
      scf.if %cond3A_152 {
        %rem3A_356 = arith.constant 64 : i32
        %rem3A_357 = arith.remsi %add3A_137, %rem3A_356 : i32
        %mul3A_358 = arith.constant 176 : i32
        %mul3A_359 = arith.muli %rem3A_357, %mul3A_358 : i32
        %div3A_360 = arith.constant 64 : i32
        %div3A_361 = arith.divsi %add3A_137, %div3A_360 : i32
        %rem3A_362 = arith.constant 2 : i32
        %rem3A_363 = arith.remsi %div3A_361, %rem3A_362 : i32
        %eq3A_364 = arith.constant 0 : i32
        %eq3A_365 = arith.cmpi eq, %rem3A_363, %eq3A_364 : i32
        %convert_element_type3A_366 = arith.extui %eq3A_365 : i1 to i32
        %cond3A_367 = arith.constant 0 : i32
        %cond3A_368 = arith.cmpi ne, %convert_element_type3A_366, %cond3A_367 : i32
        scf.if %cond3A_368 {
          %dma_start3A_374 = arith.constant 0 : i32
          %dma_start3A_375 = arith.constant 0 : i32
          %dma_start3A_376 = tpu.memref_slice %arg13[%dma_start3A_374, %dma_start3A_375] : memref<168x128xf32, #tpu.memory_space<vmem>> -> memref<168x128xf32, #tpu.memory_space<vmem>>
          %dma_start3A_377 = tpu.memref_slice %arg8[%mul3A_359] : memref<11264xi32, #tpu.memory_space<vmem>> -> memref<168xi32, #tpu.memory_space<vmem>>
          %dma_start3A_378 = arith.constant 0 : i32
          %dma_start3A_379 = arith.constant 0 : i32
          %dma_start3A_380 = tpu.memref_slice %arg4[%dma_start3A_378, %dma_start3A_379] : memref<100000x128xf32, #tpu.memory_space<hbm>> -> memref<100000x128xf32, #tpu.memory_space<hbm>>
          tpu.enqueue_indirect_dma source(%dma_start3A_380 : memref<100000x128xf32, #tpu.memory_space<hbm>>) target(%dma_start3A_376 : memref<168x128xf32, #tpu.memory_space<vmem>>) offsets(%dma_start3A_377 : memref<168xi32, #tpu.memory_space<vmem>>) semaphore(%arg22 : memref<!tpu.dma_semaphore, #tpu.memory_space<semaphore_mem>>)
        } else {
        }
        %eq3A_369 = arith.constant 1 : i32
        %eq3A_370 = arith.cmpi eq, %rem3A_363, %eq3A_369 : i32
        %convert_element_type3A_371 = arith.extui %eq3A_370 : i1 to i32
        %cond3A_372 = arith.constant 0 : i32
        %cond3A_373 = arith.cmpi ne, %convert_element_type3A_371, %cond3A_372 : i32
        scf.if %cond3A_373 {
          %dma_start3A_374 = arith.constant 0 : i32
          %dma_start3A_375 = arith.constant 0 : i32
          %dma_start3A_376 = tpu.memref_slice %arg13[%dma_start3A_374, %dma_start3A_375] : memref<168x128xf32, #tpu.memory_space<vmem>> -> memref<168x128xf32, #tpu.memory_space<vmem>>
          %dma_start3A_377 = tpu.memref_slice %arg9[%mul3A_359] : memref<11264xi32, #tpu.memory_space<vmem>> -> memref<168xi32, #tpu.memory_space<vmem>>
          %dma_start3A_378 = arith.constant 0 : i32
          %dma_start3A_379 = arith.constant 0 : i32
          %dma_start3A_380 = tpu.memref_slice %arg4[%dma_start3A_378, %dma_start3A_379] : memref<100000x128xf32, #tpu.memory_space<hbm>> -> memref<100000x128xf32, #tpu.memory_space<hbm>>
          tpu.enqueue_indirect_dma source(%dma_start3A_380 : memref<100000x128xf32, #tpu.memory_space<hbm>>) target(%dma_start3A_376 : memref<168x128xf32, #tpu.memory_space<vmem>>) offsets(%dma_start3A_377 : memref<168xi32, #tpu.memory_space<vmem>>) semaphore(%arg22 : memref<!tpu.dma_semaphore, #tpu.memory_space<semaphore_mem>>)
        } else {
        }
      } else {
      }
      %eq3A_153 = arith.constant 2 : i32
      %eq3A_154 = arith.cmpi eq, %rem3A_139, %eq3A_153 : i32
      %add3A_155 = arith.constant 1 : i32
      %add3A_156 = arith.addi %div3A_141, %add3A_155 : i32
      %le3A = arith.constant 3 : i32
      %le3A_157 = arith.cmpi sle, %add3A_156, %le3A : i32
      %and3A_158 = arith.andi %eq3A_154, %le3A_157 : i1
      %convert_element_type3A_159 = arith.extui %and3A_158 : i1 to i32
      %cond3A_160 = arith.constant 0 : i32
      %cond3A_161 = arith.cmpi ne, %convert_element_type3A_159, %cond3A_160 : i32
      scf.if %cond3A_161 {
        %add3A_356 = arith.constant 1 : i32
        %add3A_357 = arith.addi %div3A_141, %add3A_356 : i32
        %rem3A_358 = arith.constant 2 : i32
        %rem3A_359 = arith.remsi %add3A_357, %rem3A_358 : i32
        %eq3A_360 = arith.constant 0 : i32
        %eq3A_361 = arith.cmpi eq, %rem3A_359, %eq3A_360 : i32
        %convert_element_type3A_362 = arith.extui %eq3A_361 : i1 to i32
        %cond3A_363 = arith.constant 0 : i32
        %cond3A_364 = arith.cmpi ne, %convert_element_type3A_362, %cond3A_363 : i32
        scf.if %cond3A_364 {
          %add3A_374 = arith.constant 1 : i32
          %add3A_375 = arith.addi %div3A_141, %add3A_374 : i32
          %mul3A_376 = arith.constant 11264 : i32
          %mul3A_377 = arith.muli %add3A_375, %mul3A_376 : i32
          %add3A_378 = arith.addi %mul3A_4, %mul3A_377 : i32
          %dma_start3A_379 = tpu.memref_slice %arg2[%add3A_378] : memref<1441792xi32, #tpu.memory_space<hbm>> -> memref<11264xi32, #tpu.memory_space<hbm>>
          %dma_start3A_380 = tpu.memref_slice %arg2[%add3A_378] : memref<1441792xi32, #tpu.memory_space<hbm>> -> memref<11264xi32, #tpu.memory_space<hbm>>
          tpu.enqueue_dma source(%dma_start3A_380 : memref<11264xi32, #tpu.memory_space<hbm>>) target(%arg8 : memref<11264xi32, #tpu.memory_space<vmem>>) target_semaphore(%arg27 : memref<!tpu.dma_semaphore, #tpu.memory_space<semaphore_mem>>)
        } else {
        }
        %add3A_365 = arith.constant 1 : i32
        %add3A_366 = arith.addi %div3A_141, %add3A_365 : i32
        %rem3A_367 = arith.constant 2 : i32
        %rem3A_368 = arith.remsi %add3A_366, %rem3A_367 : i32
        %eq3A_369 = arith.constant 1 : i32
        %eq3A_370 = arith.cmpi eq, %rem3A_368, %eq3A_369 : i32
        %convert_element_type3A_371 = arith.extui %eq3A_370 : i1 to i32
        %cond3A_372 = arith.constant 0 : i32
        %cond3A_373 = arith.cmpi ne, %convert_element_type3A_371, %cond3A_372 : i32
        scf.if %cond3A_373 {
          %add3A_374 = arith.constant 1 : i32
          %add3A_375 = arith.addi %div3A_141, %add3A_374 : i32
          %mul3A_376 = arith.constant 11264 : i32
          %mul3A_377 = arith.muli %add3A_375, %mul3A_376 : i32
          %add3A_378 = arith.addi %mul3A_4, %mul3A_377 : i32
          %dma_start3A_379 = tpu.memref_slice %arg2[%add3A_378] : memref<1441792xi32, #tpu.memory_space<hbm>> -> memref<11264xi32, #tpu.memory_space<hbm>>
          %dma_start3A_380 = tpu.memref_slice %arg2[%add3A_378] : memref<1441792xi32, #tpu.memory_space<hbm>> -> memref<11264xi32, #tpu.memory_space<hbm>>
          tpu.enqueue_dma source(%dma_start3A_380 : memref<11264xi32, #tpu.memory_space<hbm>>) target(%arg9 : memref<11264xi32, #tpu.memory_space<vmem>>) target_semaphore(%arg27 : memref<!tpu.dma_semaphore, #tpu.memory_space<semaphore_mem>>)
        } else {
        }
      } else {
      }
      %gt3A = arith.constant 0 : i32
      %gt3A_162 = arith.cmpi sgt, %scan3A_123, %gt3A : i32
      %convert_element_type3A_163 = arith.extui %gt3A_162 : i1 to i32
      %cond3A_164 = arith.constant 0 : i32
      %cond3A_165 = arith.cmpi ne, %convert_element_type3A_163, %cond3A_164 : i32
      scf.if %cond3A_165 {
        %dma_wait3A_356 = arith.constant 0 : i32
        %dma_wait3A_357 = arith.constant 0 : i32
        %dma_wait3A_358 = tpu.memref_slice %arg6[%dma_wait3A_356, %dma_wait3A_357] : memref<65536x256xf32, #tpu.memory_space<hbm>> -> memref<8x256xf32, #tpu.memory_space<hbm>>
        %dma_wait3A_359 = arith.constant 0 : i32
        %dma_wait3A_360 = arith.constant 0 : i32
        %dma_wait3A_361 = tpu.memref_slice %arg6[%dma_wait3A_359, %dma_wait3A_360] : memref<65536x256xf32, #tpu.memory_space<hbm>> -> memref<8x256xf32, #tpu.memory_space<hbm>>
        tpu.wait_dma2 semaphore(%arg23 : memref<!tpu.dma_semaphore, #tpu.memory_space<semaphore_mem>>) src(%arg14 : memref<8x256xf32, #tpu.memory_space<vmem>>) dst(%dma_wait3A_361 : memref<8x256xf32, #tpu.memory_space<hbm>>)
      } else {
      }
      %scan3A_166 = arith.constant 0 : i32
      %scan3A_167 = arith.constant 0 : i32
      %scan3A_168 = arith.constant 8 : i32
      %scan3A_169 = arith.addi %scan3A_167, %scan3A_168 : i32
      %scan3A_170 = arith.constant 1 : i32
      scf.for %scan3A_356 = %scan3A_167 to %scan3A_169 step %scan3A_170  : i32 {
        %mul3A_357 = arith.constant 20 : i32
        %mul3A_358 = arith.muli %scan3A_356, %mul3A_357 : i32
        %get3A = arith.index_cast %mul3A_358 : i32 to index
        %get3A_359 = arith.constant 0 : index
        %get3A_360 = tpu.vector_load %arg10[%get3A, %get3A_359] {strides = array<i32>} : memref<168x128xf32, #tpu.memory_space<vmem>>, vector<1x16xf32>,
        %get3A_361 = vector.shape_cast %get3A_360 : vector<1x16xf32> to vector<16xf32>
        %get3A_362 = arith.index_cast %mul3A_358 : i32 to index
        %get3A_363 = arith.constant 16 : index
        %get3A_364 = tpu.vector_load %arg10[%get3A_362, %get3A_363] {strides = array<i32>} : memref<168x128xf32, #tpu.memory_space<vmem>>, vector<1x16xf32>,
        %get3A_365 = vector.shape_cast %get3A_364 : vector<1x16xf32> to vector<16xf32>
        %get3A_366 = arith.index_cast %mul3A_358 : i32 to index
        %get3A_367 = arith.constant 32 : index
        %get3A_368 = tpu.vector_load %arg10[%get3A_366, %get3A_367] {strides = array<i32>} : memref<168x128xf32, #tpu.memory_space<vmem>>, vector<1x16xf32>,
        %get3A_369 = vector.shape_cast %get3A_368 : vector<1x16xf32> to vector<16xf32>
        %get3A_370 = arith.index_cast %mul3A_358 : i32 to index
        %get3A_371 = arith.constant 48 : index
        %get3A_372 = tpu.vector_load %arg10[%get3A_370, %get3A_371] {strides = array<i32>} : memref<168x128xf32, #tpu.memory_space<vmem>>, vector<1x16xf32>,
        %get3A_373 = vector.shape_cast %get3A_372 : vector<1x16xf32> to vector<16xf32>
        %get3A_374 = arith.index_cast %mul3A_358 : i32 to index
        %get3A_375 = arith.constant 64 : index
        %get3A_376 = tpu.vector_load %arg10[%get3A_374, %get3A_375] {strides = array<i32>} : memref<168x128xf32, #tpu.memory_space<vmem>>, vector<1x16xf32>,
        %get3A_377 = vector.shape_cast %get3A_376 : vector<1x16xf32> to vector<16xf32>
        %get3A_378 = arith.index_cast %mul3A_358 : i32 to index
        %get3A_379 = arith.constant 80 : index
        %get3A_380 = tpu.vector_load %arg10[%get3A_378, %get3A_379] {strides = array<i32>} : memref<168x128xf32, #tpu.memory_space<vmem>>, vector<1x16xf32>,
        %get3A_381 = vector.shape_cast %get3A_380 : vector<1x16xf32> to vector<16xf32>
        %get3A_382 = arith.index_cast %mul3A_358 : i32 to index
        %get3A_383 = arith.constant 96 : index
        %get3A_384 = tpu.vector_load %arg10[%get3A_382, %get3A_383] {strides = array<i32>} : memref<168x128xf32, #tpu.memory_space<vmem>>, vector<1x16xf32>,
        %get3A_385 = vector.shape_cast %get3A_384 : vector<1x16xf32> to vector<16xf32>
        %get3A_386 = arith.index_cast %mul3A_358 : i32 to index
        %get3A_387 = arith.constant 112 : index
        %get3A_388 = tpu.vector_load %arg10[%get3A_386, %get3A_387] {strides = array<i32>} : memref<168x128xf32, #tpu.memory_space<vmem>>, vector<1x16xf32>,
        %get3A_389 = vector.shape_cast %get3A_388 : vector<1x16xf32> to vector<16xf32>
        %scan3A_390 = arith.constant 0 : i32
        %scan3A_391 = arith.constant 9 : i32
        %scan3A_392 = arith.addi %scan3A_390, %scan3A_391 : i32
        %scan3A_393 = arith.constant 1 : i32
        %scan3A_394:8 = scf.for %scan3A_579 = %scan3A_390 to %scan3A_392 step %scan3A_393 iter_args(%scan3A_580 = %get3A_361, %scan3A_581 = %get3A_365, %scan3A_582 = %get3A_369, %scan3A_583 = %get3A_373, %scan3A_584 = %get3A_377, %scan3A_585 = %get3A_381, %scan3A_586 = %get3A_385, %scan3A_587 = %get3A_389) -> (vector<16xf32>, vector<16xf32>, vector<16xf32>, vector<16xf32>, vector<16xf32>, vector<16xf32>, vector<16xf32>, vector<16xf32>)  : i32 {
          %mul3A_588 = arith.constant 2 : i32
          %mul3A_589 = arith.muli %mul3A_588, %scan3A_579 : i32
          %add3A_590 = arith.addi %mul3A_358, %mul3A_589 : i32
          %add3A_591 = arith.constant 1 : i32
          %add3A_592 = arith.addi %add3A_590, %add3A_591 : i32
          %get3A_593 = arith.index_cast %add3A_592 : i32 to index
          %get3A_594 = arith.constant 0 : index
          %get3A_595 = tpu.vector_load %arg10[%get3A_593, %get3A_594] {strides = array<i32>} : memref<168x128xf32, #tpu.memory_space<vmem>>, vector<1x16xf32>,
          %get3A_596 = vector.shape_cast %get3A_595 : vector<1x16xf32> to vector<16xf32>
          %add3A_597 = arith.addf %scan3A_580, %get3A_596 : vector<16xf32>
          %mul3A_598 = arith.constant 2 : i32
          %mul3A_599 = arith.muli %mul3A_598, %scan3A_579 : i32
          %add3A_600 = arith.addi %mul3A_358, %mul3A_599 : i32
          %add3A_601 = arith.constant 1 : i32
          %add3A_602 = arith.addi %add3A_600, %add3A_601 : i32
          %get3A_603 = arith.index_cast %add3A_602 : i32 to index
          %get3A_604 = arith.constant 16 : index
          %get3A_605 = tpu.vector_load %arg10[%get3A_603, %get3A_604] {strides = array<i32>} : memref<168x128xf32, #tpu.memory_space<vmem>>, vector<1x16xf32>,
          %get3A_606 = vector.shape_cast %get3A_605 : vector<1x16xf32> to vector<16xf32>
          %add3A_607 = arith.addf %scan3A_581, %get3A_606 : vector<16xf32>
          %mul3A_608 = arith.constant 2 : i32
          %mul3A_609 = arith.muli %mul3A_608, %scan3A_579 : i32
          %add3A_610 = arith.addi %mul3A_358, %mul3A_609 : i32
          %add3A_611 = arith.constant 1 : i32
          %add3A_612 = arith.addi %add3A_610, %add3A_611 : i32
          %get3A_613 = arith.index_cast %add3A_612 : i32 to index
          %get3A_614 = arith.constant 32 : index
          %get3A_615 = tpu.vector_load %arg10[%get3A_613, %get3A_614] {strides = array<i32>} : memref<168x128xf32, #tpu.memory_space<vmem>>, vector<1x16xf32>,
          %get3A_616 = vector.shape_cast %get3A_615 : vector<1x16xf32> to vector<16xf32>
          %add3A_617 = arith.addf %scan3A_582, %get3A_616 : vector<16xf32>
          %mul3A_618 = arith.constant 2 : i32
          %mul3A_619 = arith.muli %mul3A_618, %scan3A_579 : i32
          %add3A_620 = arith.addi %mul3A_358, %mul3A_619 : i32
          %add3A_621 = arith.constant 1 : i32
          %add3A_622 = arith.addi %add3A_620, %add3A_621 : i32
          %get3A_623 = arith.index_cast %add3A_622 : i32 to index
          %get3A_624 = arith.constant 48 : index
          %get3A_625 = tpu.vector_load %arg10[%get3A_623, %get3A_624] {strides = array<i32>} : memref<168x128xf32, #tpu.memory_space<vmem>>, vector<1x16xf32>,
          %get3A_626 = vector.shape_cast %get3A_625 : vector<1x16xf32> to vector<16xf32>
          %add3A_627 = arith.addf %scan3A_583, %get3A_626 : vector<16xf32>
          %mul3A_628 = arith.constant 2 : i32
          %mul3A_629 = arith.muli %mul3A_628, %scan3A_579 : i32
          %add3A_630 = arith.addi %mul3A_358, %mul3A_629 : i32
          %add3A_631 = arith.constant 1 : i32
          %add3A_632 = arith.addi %add3A_630, %add3A_631 : i32
          %get3A_633 = arith.index_cast %add3A_632 : i32 to index
          %get3A_634 = arith.constant 64 : index
          %get3A_635 = tpu.vector_load %arg10[%get3A_633, %get3A_634] {strides = array<i32>} : memref<168x128xf32, #tpu.memory_space<vmem>>, vector<1x16xf32>,
          %get3A_636 = vector.shape_cast %get3A_635 : vector<1x16xf32> to vector<16xf32>
          %add3A_637 = arith.addf %scan3A_584, %get3A_636 : vector<16xf32>
          %mul3A_638 = arith.constant 2 : i32
          %mul3A_639 = arith.muli %mul3A_638, %scan3A_579 : i32
          %add3A_640 = arith.addi %mul3A_358, %mul3A_639 : i32
          %add3A_641 = arith.constant 1 : i32
          %add3A_642 = arith.addi %add3A_640, %add3A_641 : i32
          %get3A_643 = arith.index_cast %add3A_642 : i32 to index
          %get3A_644 = arith.constant 80 : index
          %get3A_645 = tpu.vector_load %arg10[%get3A_643, %get3A_644] {strides = array<i32>} : memref<168x128xf32, #tpu.memory_space<vmem>>, vector<1x16xf32>,
          %get3A_646 = vector.shape_cast %get3A_645 : vector<1x16xf32> to vector<16xf32>
          %add3A_647 = arith.addf %scan3A_585, %get3A_646 : vector<16xf32>
          %mul3A_648 = arith.constant 2 : i32
          %mul3A_649 = arith.muli %mul3A_648, %scan3A_579 : i32
          %add3A_650 = arith.addi %mul3A_358, %mul3A_649 : i32
          %add3A_651 = arith.constant 1 : i32
          %add3A_652 = arith.addi %add3A_650, %add3A_651 : i32
          %get3A_653 = arith.index_cast %add3A_652 : i32 to index
          %get3A_654 = arith.constant 96 : index
          %get3A_655 = tpu.vector_load %arg10[%get3A_653, %get3A_654] {strides = array<i32>} : memref<168x128xf32, #tpu.memory_space<vmem>>, vector<1x16xf32>,
          %get3A_656 = vector.shape_cast %get3A_655 : vector<1x16xf32> to vector<16xf32>
          %add3A_657 = arith.addf %scan3A_586, %get3A_656 : vector<16xf32>
          %mul3A_658 = arith.constant 2 : i32
          %mul3A_659 = arith.muli %mul3A_658, %scan3A_579 : i32
          %add3A_660 = arith.addi %mul3A_358, %mul3A_659 : i32
          %add3A_661 = arith.constant 1 : i32
          %add3A_662 = arith.addi %add3A_660, %add3A_661 : i32
          %get3A_663 = arith.index_cast %add3A_662 : i32 to index
          %get3A_664 = arith.constant 112 : index
          %get3A_665 = tpu.vector_load %arg10[%get3A_663, %get3A_664] {strides = array<i32>} : memref<168x128xf32, #tpu.memory_space<vmem>>, vector<1x16xf32>,
          %get3A_666 = vector.shape_cast %get3A_665 : vector<1x16xf32> to vector<16xf32>
          %add3A_667 = arith.addf %scan3A_587, %get3A_666 : vector<16xf32>
          %mul3A_668 = arith.constant 2 : i32
          %mul3A_669 = arith.muli %mul3A_668, %scan3A_579 : i32
          %add3A_670 = arith.addi %mul3A_358, %mul3A_669 : i32
          %add3A_671 = arith.constant 2 : i32
          %add3A_672 = arith.addi %add3A_670, %add3A_671 : i32
          %get3A_673 = arith.index_cast %add3A_672 : i32 to index
          %get3A_674 = arith.constant 0 : index
          %get3A_675 = tpu.vector_load %arg10[%get3A_673, %get3A_674] {strides = array<i32>} : memref<168x128xf32, #tpu.memory_space<vmem>>, vector<1x16xf32>,
          %get3A_676 = vector.shape_cast %get3A_675 : vector<1x16xf32> to vector<16xf32>
          %add3A_677 = arith.addf %add3A_597, %get3A_676 : vector<16xf32>
          %mul3A_678 = arith.constant 2 : i32
          %mul3A_679 = arith.muli %mul3A_678, %scan3A_579 : i32
          %add3A_680 = arith.addi %mul3A_358, %mul3A_679 : i32
          %add3A_681 = arith.constant 2 : i32
          %add3A_682 = arith.addi %add3A_680, %add3A_681 : i32
          %get3A_683 = arith.index_cast %add3A_682 : i32 to index
          %get3A_684 = arith.constant 16 : index
          %get3A_685 = tpu.vector_load %arg10[%get3A_683, %get3A_684] {strides = array<i32>} : memref<168x128xf32, #tpu.memory_space<vmem>>, vector<1x16xf32>,
          %get3A_686 = vector.shape_cast %get3A_685 : vector<1x16xf32> to vector<16xf32>
          %add3A_687 = arith.addf %add3A_607, %get3A_686 : vector<16xf32>
          %mul3A_688 = arith.constant 2 : i32
          %mul3A_689 = arith.muli %mul3A_688, %scan3A_579 : i32
          %add3A_690 = arith.addi %mul3A_358, %mul3A_689 : i32
          %add3A_691 = arith.constant 2 : i32
          %add3A_692 = arith.addi %add3A_690, %add3A_691 : i32
          %get3A_693 = arith.index_cast %add3A_692 : i32 to index
          %get3A_694 = arith.constant 32 : index
          %get3A_695 = tpu.vector_load %arg10[%get3A_693, %get3A_694] {strides = array<i32>} : memref<168x128xf32, #tpu.memory_space<vmem>>, vector<1x16xf32>,
          %get3A_696 = vector.shape_cast %get3A_695 : vector<1x16xf32> to vector<16xf32>
          %add3A_697 = arith.addf %add3A_617, %get3A_696 : vector<16xf32>
          %mul3A_698 = arith.constant 2 : i32
          %mul3A_699 = arith.muli %mul3A_698, %scan3A_579 : i32
          %add3A_700 = arith.addi %mul3A_358, %mul3A_699 : i32
          %add3A_701 = arith.constant 2 : i32
          %add3A_702 = arith.addi %add3A_700, %add3A_701 : i32
          %get3A_703 = arith.index_cast %add3A_702 : i32 to index
          %get3A_704 = arith.constant 48 : index
          %get3A_705 = tpu.vector_load %arg10[%get3A_703, %get3A_704] {strides = array<i32>} : memref<168x128xf32, #tpu.memory_space<vmem>>, vector<1x16xf32>,
          %get3A_706 = vector.shape_cast %get3A_705 : vector<1x16xf32> to vector<16xf32>
          %add3A_707 = arith.addf %add3A_627, %get3A_706 : vector<16xf32>
          %mul3A_708 = arith.constant 2 : i32
          %mul3A_709 = arith.muli %mul3A_708, %scan3A_579 : i32
          %add3A_710 = arith.addi %mul3A_358, %mul3A_709 : i32
          %add3A_711 = arith.constant 2 : i32
          %add3A_712 = arith.addi %add3A_710, %add3A_711 : i32
          %get3A_713 = arith.index_cast %add3A_712 : i32 to index
          %get3A_714 = arith.constant 64 : index
          %get3A_715 = tpu.vector_load %arg10[%get3A_713, %get3A_714] {strides = array<i32>} : memref<168x128xf32, #tpu.memory_space<vmem>>, vector<1x16xf32>,
          %get3A_716 = vector.shape_cast %get3A_715 : vector<1x16xf32> to vector<16xf32>
          %add3A_717 = arith.addf %add3A_637, %get3A_716 : vector<16xf32>
          %mul3A_718 = arith.constant 2 : i32
          %mul3A_719 = arith.muli %mul3A_718, %scan3A_579 : i32
          %add3A_720 = arith.addi %mul3A_358, %mul3A_719 : i32
          %add3A_721 = arith.constant 2 : i32
          %add3A_722 = arith.addi %add3A_720, %add3A_721 : i32
          %get3A_723 = arith.index_cast %add3A_722 : i32 to index
          %get3A_724 = arith.constant 80 : index
          %get3A_725 = tpu.vector_load %arg10[%get3A_723, %get3A_724] {strides = array<i32>} : memref<168x128xf32, #tpu.memory_space<vmem>>, vector<1x16xf32>,
          %get3A_726 = vector.shape_cast %get3A_725 : vector<1x16xf32> to vector<16xf32>
          %add3A_727 = arith.addf %add3A_647, %get3A_726 : vector<16xf32>
          %mul3A_728 = arith.constant 2 : i32
          %mul3A_729 = arith.muli %mul3A_728, %scan3A_579 : i32
          %add3A_730 = arith.addi %mul3A_358, %mul3A_729 : i32
          %add3A_731 = arith.constant 2 : i32
          %add3A_732 = arith.addi %add3A_730, %add3A_731 : i32
          %get3A_733 = arith.index_cast %add3A_732 : i32 to index
          %get3A_734 = arith.constant 96 : index
          %get3A_735 = tpu.vector_load %arg10[%get3A_733, %get3A_734] {strides = array<i32>} : memref<168x128xf32, #tpu.memory_space<vmem>>, vector<1x16xf32>,
          %get3A_736 = vector.shape_cast %get3A_735 : vector<1x16xf32> to vector<16xf32>
          %add3A_737 = arith.addf %add3A_657, %get3A_736 : vector<16xf32>
          %mul3A_738 = arith.constant 2 : i32
          %mul3A_739 = arith.muli %mul3A_738, %scan3A_579 : i32
          %add3A_740 = arith.addi %mul3A_358, %mul3A_739 : i32
          %add3A_741 = arith.constant 2 : i32
          %add3A_742 = arith.addi %add3A_740, %add3A_741 : i32
          %get3A_743 = arith.index_cast %add3A_742 : i32 to index
          %get3A_744 = arith.constant 112 : index
          %get3A_745 = tpu.vector_load %arg10[%get3A_743, %get3A_744] {strides = array<i32>} : memref<168x128xf32, #tpu.memory_space<vmem>>, vector<1x16xf32>,
          %get3A_746 = vector.shape_cast %get3A_745 : vector<1x16xf32> to vector<16xf32>
          %add3A_747 = arith.addf %add3A_667, %get3A_746 : vector<16xf32>
          scf.yield %add3A_677, %add3A_687, %add3A_697, %add3A_707, %add3A_717, %add3A_727, %add3A_737, %add3A_747 : vector<16xf32>, vector<16xf32>, vector<16xf32>, vector<16xf32>, vector<16xf32>, vector<16xf32>, vector<16xf32>, vector<16xf32>
        }
        %scan3A_395 = arith.constant 9 : i32
        %add3A_396 = arith.constant 19 : i32
        %add3A_397 = arith.addi %mul3A_358, %add3A_396 : i32
        %get3A_398 = arith.index_cast %add3A_397 : i32 to index
        %get3A_399 = arith.constant 0 : index
        %get3A_400 = tpu.vector_load %arg10[%get3A_398, %get3A_399] {strides = array<i32>} : memref<168x128xf32, #tpu.memory_space<vmem>>, vector<1x16xf32>,
        %get3A_401 = vector.shape_cast %get3A_400 : vector<1x16xf32> to vector<16xf32>
        %add3A_402 = arith.addf %scan3A_394#0, %get3A_401 : vector<16xf32>
        %add3A_403 = arith.constant 19 : i32
        %add3A_404 = arith.addi %mul3A_358, %add3A_403 : i32
        %get3A_405 = arith.index_cast %add3A_404 : i32 to index
        %get3A_406 = arith.constant 16 : index
        %get3A_407 = tpu.vector_load %arg10[%get3A_405, %get3A_406] {strides = array<i32>} : memref<168x128xf32, #tpu.memory_space<vmem>>, vector<1x16xf32>,
        %get3A_408 = vector.shape_cast %get3A_407 : vector<1x16xf32> to vector<16xf32>
        %add3A_409 = arith.addf %scan3A_394#1, %get3A_408 : vector<16xf32>
        %add3A_410 = arith.constant 19 : i32
        %add3A_411 = arith.addi %mul3A_358, %add3A_410 : i32
        %get3A_412 = arith.index_cast %add3A_411 : i32 to index
        %get3A_413 = arith.constant 32 : index
        %get3A_414 = tpu.vector_load %arg10[%get3A_412, %get3A_413] {strides = array<i32>} : memref<168x128xf32, #tpu.memory_space<vmem>>, vector<1x16xf32>,
        %get3A_415 = vector.shape_cast %get3A_414 : vector<1x16xf32> to vector<16xf32>
        %add3A_416 = arith.addf %scan3A_394#2, %get3A_415 : vector<16xf32>
        %add3A_417 = arith.constant 19 : i32
        %add3A_418 = arith.addi %mul3A_358, %add3A_417 : i32
        %get3A_419 = arith.index_cast %add3A_418 : i32 to index
        %get3A_420 = arith.constant 48 : index
        %get3A_421 = tpu.vector_load %arg10[%get3A_419, %get3A_420] {strides = array<i32>} : memref<168x128xf32, #tpu.memory_space<vmem>>, vector<1x16xf32>,
        %get3A_422 = vector.shape_cast %get3A_421 : vector<1x16xf32> to vector<16xf32>
        %add3A_423 = arith.addf %scan3A_394#3, %get3A_422 : vector<16xf32>
        %add3A_424 = arith.constant 19 : i32
        %add3A_425 = arith.addi %mul3A_358, %add3A_424 : i32
        %get3A_426 = arith.index_cast %add3A_425 : i32 to index
        %get3A_427 = arith.constant 64 : index
        %get3A_428 = tpu.vector_load %arg10[%get3A_426, %get3A_427] {strides = array<i32>} : memref<168x128xf32, #tpu.memory_space<vmem>>, vector<1x16xf32>,
        %get3A_429 = vector.shape_cast %get3A_428 : vector<1x16xf32> to vector<16xf32>
        %add3A_430 = arith.addf %scan3A_394#4, %get3A_429 : vector<16xf32>
        %add3A_431 = arith.constant 19 : i32
        %add3A_432 = arith.addi %mul3A_358, %add3A_431 : i32
        %get3A_433 = arith.index_cast %add3A_432 : i32 to index
        %get3A_434 = arith.constant 80 : index
        %get3A_435 = tpu.vector_load %arg10[%get3A_433, %get3A_434] {strides = array<i32>} : memref<168x128xf32, #tpu.memory_space<vmem>>, vector<1x16xf32>,
        %get3A_436 = vector.shape_cast %get3A_435 : vector<1x16xf32> to vector<16xf32>
        %add3A_437 = arith.addf %scan3A_394#5, %get3A_436 : vector<16xf32>
        %add3A_438 = arith.constant 19 : i32
        %add3A_439 = arith.addi %mul3A_358, %add3A_438 : i32
        %get3A_440 = arith.index_cast %add3A_439 : i32 to index
        %get3A_441 = arith.constant 96 : index
        %get3A_442 = tpu.vector_load %arg10[%get3A_440, %get3A_441] {strides = array<i32>} : memref<168x128xf32, #tpu.memory_space<vmem>>, vector<1x16xf32>,
        %get3A_443 = vector.shape_cast %get3A_442 : vector<1x16xf32> to vector<16xf32>
        %add3A_444 = arith.addf %scan3A_394#6, %get3A_443 : vector<16xf32>
        %add3A_445 = arith.constant 19 : i32
        %add3A_446 = arith.addi %mul3A_358, %add3A_445 : i32
        %get3A_447 = arith.index_cast %add3A_446 : i32 to index
        %get3A_448 = arith.constant 112 : index
        %get3A_449 = tpu.vector_load %arg10[%get3A_447, %get3A_448] {strides = array<i32>} : memref<168x128xf32, #tpu.memory_space<vmem>>, vector<1x16xf32>,
        %get3A_450 = vector.shape_cast %get3A_449 : vector<1x16xf32> to vector<16xf32>
        %add3A_451 = arith.addf %scan3A_394#7, %get3A_450 : vector<16xf32>
        %swap3A = arith.index_cast %scan3A_356 : i32 to index
        %swap3A_452 = arith.constant 128 : index
        %swap3A_453 = tpu.vector_load %arg14[%swap3A, %swap3A_452] {strides = array<i32>} : memref<8x256xf32, #tpu.memory_space<vmem>>, vector<1x16xf32>,
        %swap3A_454 = vector.shape_cast %swap3A_453 : vector<1x16xf32> to vector<16xf32>
        %swap3A_455 = vector.shape_cast %add3A_402 : vector<16xf32> to vector<1x16xf32>
        tpu.vector_store %arg14[%swap3A, %swap3A_452], %swap3A_455 {strides = array<i32>} : memref<8x256xf32, #tpu.memory_space<vmem>>, vector<1x16xf32>,
        %add3A_456 = arith.constant 160 : i32
        %add3A_457 = arith.addi %add3A_456, %scan3A_356 : i32
        %get3A_458 = arith.index_cast %add3A_457 : i32 to index
        %get3A_459 = arith.constant 0 : index
        %get3A_460 = tpu.vector_load %arg10[%get3A_458, %get3A_459] {strides = array<i32>} : memref<168x128xf32, #tpu.memory_space<vmem>>, vector<1x16xf32>,
        %get3A_461 = vector.shape_cast %get3A_460 : vector<1x16xf32> to vector<16xf32>
        %swap3A_462 = arith.index_cast %scan3A_356 : i32 to index
        %swap3A_463 = arith.constant 0 : index
        %swap3A_464 = tpu.vector_load %arg14[%swap3A_462, %swap3A_463] {strides = array<i32>} : memref<8x256xf32, #tpu.memory_space<vmem>>, vector<1x16xf32>,
        %swap3A_465 = vector.shape_cast %swap3A_464 : vector<1x16xf32> to vector<16xf32>
        %swap3A_466 = vector.shape_cast %get3A_461 : vector<16xf32> to vector<1x16xf32>
        tpu.vector_store %arg14[%swap3A_462, %swap3A_463], %swap3A_466 {strides = array<i32>} : memref<8x256xf32, #tpu.memory_space<vmem>>, vector<1x16xf32>,
        %swap3A_467 = arith.index_cast %scan3A_356 : i32 to index
        %swap3A_468 = arith.constant 144 : index
        %swap3A_469 = tpu.vector_load %arg14[%swap3A_467, %swap3A_468] {strides = array<i32>} : memref<8x256xf32, #tpu.memory_space<vmem>>, vector<1x16xf32>,
        %swap3A_470 = vector.shape_cast %swap3A_469 : vector<1x16xf32> to vector<16xf32>
        %swap3A_471 = vector.shape_cast %add3A_409 : vector<16xf32> to vector<1x16xf32>
        tpu.vector_store %arg14[%swap3A_467, %swap3A_468], %swap3A_471 {strides = array<i32>} : memref<8x256xf32, #tpu.memory_space<vmem>>, vector<1x16xf32>,
        %add3A_472 = arith.constant 160 : i32
        %add3A_473 = arith.addi %add3A_472, %scan3A_356 : i32
        %get3A_474 = arith.index_cast %add3A_473 : i32 to index
        %get3A_475 = arith.constant 16 : index
        %get3A_476 = tpu.vector_load %arg10[%get3A_474, %get3A_475] {strides = array<i32>} : memref<168x128xf32, #tpu.memory_space<vmem>>, vector<1x16xf32>,
        %get3A_477 = vector.shape_cast %get3A_476 : vector<1x16xf32> to vector<16xf32>
        %swap3A_478 = arith.index_cast %scan3A_356 : i32 to index
        %swap3A_479 = arith.constant 16 : index
        %swap3A_480 = tpu.vector_load %arg14[%swap3A_478, %swap3A_479] {strides = array<i32>} : memref<8x256xf32, #tpu.memory_space<vmem>>, vector<1x16xf32>,
        %swap3A_481 = vector.shape_cast %swap3A_480 : vector<1x16xf32> to vector<16xf32>
        %swap3A_482 = vector.shape_cast %get3A_477 : vector<16xf32> to vector<1x16xf32>
        tpu.vector_store %arg14[%swap3A_478, %swap3A_479], %swap3A_482 {strides = array<i32>} : memref<8x256xf32, #tpu.memory_space<vmem>>, vector<1x16xf32>,
        %swap3A_483 = arith.index_cast %scan3A_356 : i32 to index
        %swap3A_484 = arith.constant 160 : index
        %swap3A_485 = tpu.vector_load %arg14[%swap3A_483, %swap3A_484] {strides = array<i32>} : memref<8x256xf32, #tpu.memory_space<vmem>>, vector<1x16xf32>,
        %swap3A_486 = vector.shape_cast %swap3A_485 : vector<1x16xf32> to vector<16xf32>
        %swap3A_487 = vector.shape_cast %add3A_416 : vector<16xf32> to vector<1x16xf32>
        tpu.vector_store %arg14[%swap3A_483, %swap3A_484], %swap3A_487 {strides = array<i32>} : memref<8x256xf32, #tpu.memory_space<vmem>>, vector<1x16xf32>,
        %add3A_488 = arith.constant 160 : i32
        %add3A_489 = arith.addi %add3A_488, %scan3A_356 : i32
        %get3A_490 = arith.index_cast %add3A_489 : i32 to index
        %get3A_491 = arith.constant 32 : index
        %get3A_492 = tpu.vector_load %arg10[%get3A_490, %get3A_491] {strides = array<i32>} : memref<168x128xf32, #tpu.memory_space<vmem>>, vector<1x16xf32>,
        %get3A_493 = vector.shape_cast %get3A_492 : vector<1x16xf32> to vector<16xf32>
        %swap3A_494 = arith.index_cast %scan3A_356 : i32 to index
        %swap3A_495 = arith.constant 32 : index
        %swap3A_496 = tpu.vector_load %arg14[%swap3A_494, %swap3A_495] {strides = array<i32>} : memref<8x256xf32, #tpu.memory_space<vmem>>, vector<1x16xf32>,
        %swap3A_497 = vector.shape_cast %swap3A_496 : vector<1x16xf32> to vector<16xf32>
        %swap3A_498 = vector.shape_cast %get3A_493 : vector<16xf32> to vector<1x16xf32>
        tpu.vector_store %arg14[%swap3A_494, %swap3A_495], %swap3A_498 {strides = array<i32>} : memref<8x256xf32, #tpu.memory_space<vmem>>, vector<1x16xf32>,
        %swap3A_499 = arith.index_cast %scan3A_356 : i32 to index
        %swap3A_500 = arith.constant 176 : index
        %swap3A_501 = tpu.vector_load %arg14[%swap3A_499, %swap3A_500] {strides = array<i32>} : memref<8x256xf32, #tpu.memory_space<vmem>>, vector<1x16xf32>,
        %swap3A_502 = vector.shape_cast %swap3A_501 : vector<1x16xf32> to vector<16xf32>
        %swap3A_503 = vector.shape_cast %add3A_423 : vector<16xf32> to vector<1x16xf32>
        tpu.vector_store %arg14[%swap3A_499, %swap3A_500], %swap3A_503 {strides = array<i32>} : memref<8x256xf32, #tpu.memory_space<vmem>>, vector<1x16xf32>,
        %add3A_504 = arith.constant 160 : i32
        %add3A_505 = arith.addi %add3A_504, %scan3A_356 : i32
        %get3A_506 = arith.index_cast %add3A_505 : i32 to index
        %get3A_507 = arith.constant 48 : index
        %get3A_508 = tpu.vector_load %arg10[%get3A_506, %get3A_507] {strides = array<i32>} : memref<168x128xf32, #tpu.memory_space<vmem>>, vector<1x16xf32>,
        %get3A_509 = vector.shape_cast %get3A_508 : vector<1x16xf32> to vector<16xf32>
        %swap3A_510 = arith.index_cast %scan3A_356 : i32 to index
        %swap3A_511 = arith.constant 48 : index
        %swap3A_512 = tpu.vector_load %arg14[%swap3A_510, %swap3A_511] {strides = array<i32>} : memref<8x256xf32, #tpu.memory_space<vmem>>, vector<1x16xf32>,
        %swap3A_513 = vector.shape_cast %swap3A_512 : vector<1x16xf32> to vector<16xf32>
        %swap3A_514 = vector.shape_cast %get3A_509 : vector<16xf32> to vector<1x16xf32>
        tpu.vector_store %arg14[%swap3A_510, %swap3A_511], %swap3A_514 {strides = array<i32>} : memref<8x256xf32, #tpu.memory_space<vmem>>, vector<1x16xf32>,
        %swap3A_515 = arith.index_cast %scan3A_356 : i32 to index
        %swap3A_516 = arith.constant 192 : index
        %swap3A_517 = tpu.vector_load %arg14[%swap3A_515, %swap3A_516] {strides = array<i32>} : memref<8x256xf32, #tpu.memory_space<vmem>>, vector<1x16xf32>,
        %swap3A_518 = vector.shape_cast %swap3A_517 : vector<1x16xf32> to vector<16xf32>
        %swap3A_519 = vector.shape_cast %add3A_430 : vector<16xf32> to vector<1x16xf32>
        tpu.vector_store %arg14[%swap3A_515, %swap3A_516], %swap3A_519 {strides = array<i32>} : memref<8x256xf32, #tpu.memory_space<vmem>>, vector<1x16xf32>,
        %add3A_520 = arith.constant 160 : i32
        %add3A_521 = arith.addi %add3A_520, %scan3A_356 : i32
        %get3A_522 = arith.index_cast %add3A_521 : i32 to index
        %get3A_523 = arith.constant 64 : index
        %get3A_524 = tpu.vector_load %arg10[%get3A_522, %get3A_523] {strides = array<i32>} : memref<168x128xf32, #tpu.memory_space<vmem>>, vector<1x16xf32>,
        %get3A_525 = vector.shape_cast %get3A_524 : vector<1x16xf32> to vector<16xf32>
        %swap3A_526 = arith.index_cast %scan3A_356 : i32 to index
        %swap3A_527 = arith.constant 64 : index
        %swap3A_528 = tpu.vector_load %arg14[%swap3A_526, %swap3A_527] {strides = array<i32>} : memref<8x256xf32, #tpu.memory_space<vmem>>, vector<1x16xf32>,
        %swap3A_529 = vector.shape_cast %swap3A_528 : vector<1x16xf32> to vector<16xf32>
        %swap3A_530 = vector.shape_cast %get3A_525 : vector<16xf32> to vector<1x16xf32>
        tpu.vector_store %arg14[%swap3A_526, %swap3A_527], %swap3A_530 {strides = array<i32>} : memref<8x256xf32, #tpu.memory_space<vmem>>, vector<1x16xf32>,
        %swap3A_531 = arith.index_cast %scan3A_356 : i32 to index
        %swap3A_532 = arith.constant 208 : index
        %swap3A_533 = tpu.vector_load %arg14[%swap3A_531, %swap3A_532] {strides = array<i32>} : memref<8x256xf32, #tpu.memory_space<vmem>>, vector<1x16xf32>,
        %swap3A_534 = vector.shape_cast %swap3A_533 : vector<1x16xf32> to vector<16xf32>
        %swap3A_535 = vector.shape_cast %add3A_437 : vector<16xf32> to vector<1x16xf32>
        tpu.vector_store %arg14[%swap3A_531, %swap3A_532], %swap3A_535 {strides = array<i32>} : memref<8x256xf32, #tpu.memory_space<vmem>>, vector<1x16xf32>,
        %add3A_536 = arith.constant 160 : i32
        %add3A_537 = arith.addi %add3A_536, %scan3A_356 : i32
        %get3A_538 = arith.index_cast %add3A_537 : i32 to index
        %get3A_539 = arith.constant 80 : index
        %get3A_540 = tpu.vector_load %arg10[%get3A_538, %get3A_539] {strides = array<i32>} : memref<168x128xf32, #tpu.memory_space<vmem>>, vector<1x16xf32>,
        %get3A_541 = vector.shape_cast %get3A_540 : vector<1x16xf32> to vector<16xf32>
        %swap3A_542 = arith.index_cast %scan3A_356 : i32 to index
        %swap3A_543 = arith.constant 80 : index
        %swap3A_544 = tpu.vector_load %arg14[%swap3A_542, %swap3A_543] {strides = array<i32>} : memref<8x256xf32, #tpu.memory_space<vmem>>, vector<1x16xf32>,
        %swap3A_545 = vector.shape_cast %swap3A_544 : vector<1x16xf32> to vector<16xf32>
        %swap3A_546 = vector.shape_cast %get3A_541 : vector<16xf32> to vector<1x16xf32>
        tpu.vector_store %arg14[%swap3A_542, %swap3A_543], %swap3A_546 {strides = array<i32>} : memref<8x256xf32, #tpu.memory_space<vmem>>, vector<1x16xf32>,
        %swap3A_547 = arith.index_cast %scan3A_356 : i32 to index
        %swap3A_548 = arith.constant 224 : index
        %swap3A_549 = tpu.vector_load %arg14[%swap3A_547, %swap3A_548] {strides = array<i32>} : memref<8x256xf32, #tpu.memory_space<vmem>>, vector<1x16xf32>,
        %swap3A_550 = vector.shape_cast %swap3A_549 : vector<1x16xf32> to vector<16xf32>
        %swap3A_551 = vector.shape_cast %add3A_444 : vector<16xf32> to vector<1x16xf32>
        tpu.vector_store %arg14[%swap3A_547, %swap3A_548], %swap3A_551 {strides = array<i32>} : memref<8x256xf32, #tpu.memory_space<vmem>>, vector<1x16xf32>,
        %add3A_552 = arith.constant 160 : i32
        %add3A_553 = arith.addi %add3A_552, %scan3A_356 : i32
        %get3A_554 = arith.index_cast %add3A_553 : i32 to index
        %get3A_555 = arith.constant 96 : index
        %get3A_556 = tpu.vector_load %arg10[%get3A_554, %get3A_555] {strides = array<i32>} : memref<168x128xf32, #tpu.memory_space<vmem>>, vector<1x16xf32>,
        %get3A_557 = vector.shape_cast %get3A_556 : vector<1x16xf32> to vector<16xf32>
        %swap3A_558 = arith.index_cast %scan3A_356 : i32 to index
        %swap3A_559 = arith.constant 96 : index
        %swap3A_560 = tpu.vector_load %arg14[%swap3A_558, %swap3A_559] {strides = array<i32>} : memref<8x256xf32, #tpu.memory_space<vmem>>, vector<1x16xf32>,
        %swap3A_561 = vector.shape_cast %swap3A_560 : vector<1x16xf32> to vector<16xf32>
        %swap3A_562 = vector.shape_cast %get3A_557 : vector<16xf32> to vector<1x16xf32>
        tpu.vector_store %arg14[%swap3A_558, %swap3A_559], %swap3A_562 {strides = array<i32>} : memref<8x256xf32, #tpu.memory_space<vmem>>, vector<1x16xf32>,
        %swap3A_563 = arith.index_cast %scan3A_356 : i32 to index
        %swap3A_564 = arith.constant 240 : index
        %swap3A_565 = tpu.vector_load %arg14[%swap3A_563, %swap3A_564] {strides = array<i32>} : memref<8x256xf32, #tpu.memory_space<vmem>>, vector<1x16xf32>,
        %swap3A_566 = vector.shape_cast %swap3A_565 : vector<1x16xf32> to vector<16xf32>
        %swap3A_567 = vector.shape_cast %add3A_451 : vector<16xf32> to vector<1x16xf32>
        tpu.vector_store %arg14[%swap3A_563, %swap3A_564], %swap3A_567 {strides = array<i32>} : memref<8x256xf32, #tpu.memory_space<vmem>>, vector<1x16xf32>,
        %add3A_568 = arith.constant 160 : i32
        %add3A_569 = arith.addi %add3A_568, %scan3A_356 : i32
        %get3A_570 = arith.index_cast %add3A_569 : i32 to index
        %get3A_571 = arith.constant 112 : index
        %get3A_572 = tpu.vector_load %arg10[%get3A_570, %get3A_571] {strides = array<i32>} : memref<168x128xf32, #tpu.memory_space<vmem>>, vector<1x16xf32>,
        %get3A_573 = vector.shape_cast %get3A_572 : vector<1x16xf32> to vector<16xf32>
        %swap3A_574 = arith.index_cast %scan3A_356 : i32 to index
        %swap3A_575 = arith.constant 112 : index
        %swap3A_576 = tpu.vector_load %arg14[%swap3A_574, %swap3A_575] {strides = array<i32>} : memref<8x256xf32, #tpu.memory_space<vmem>>, vector<1x16xf32>,
        %swap3A_577 = vector.shape_cast %swap3A_576 : vector<1x16xf32> to vector<16xf32>
        %swap3A_578 = vector.shape_cast %get3A_573 : vector<16xf32> to vector<1x16xf32>
        tpu.vector_store %arg14[%swap3A_574, %swap3A_575], %swap3A_578 {strides = array<i32>} : memref<8x256xf32, #tpu.memory_space<vmem>>, vector<1x16xf32>,
      }
      %scan3A_171 = arith.constant 8 : i32
      %add3A_172 = arith.addi %mul3A_2, %add3A_127 : i32
      %mul3A_173 = arith.constant 8 : i32
      %mul3A_174 = arith.muli %add3A_172, %mul3A_173 : i32
      %dma_start3A_175 = arith.constant 0 : i32
      %dma_start3A_176 = tpu.memref_slice %arg6[%mul3A_174, %dma_start3A_175] : memref<65536x256xf32, #tpu.memory_space<hbm>> -> memref<8x256xf32, #tpu.memory_space<hbm>>
      %dma_start3A_177 = arith.constant 0 : i32
      %dma_start3A_178 = tpu.memref_slice %arg6[%mul3A_174, %dma_start3A_177] : memref<65536x256xf32, #tpu.memory_space<hbm>> -> memref<8x256xf32, #tpu.memory_space<hbm>>
      tpu.enqueue_dma source(%arg14 : memref<8x256xf32, #tpu.memory_space<vmem>>) target(%dma_start3A_178 : memref<8x256xf32, #tpu.memory_space<hbm>>) target_semaphore(%arg23 : memref<!tpu.dma_semaphore, #tpu.memory_space<semaphore_mem>>)
      %mul3A_179 = arith.constant 4 : i32
      %mul3A_180 = arith.muli %mul3A_179, %scan3A_123 : i32
      %add3A_181 = arith.constant 1 : i32
      %add3A_182 = arith.addi %mul3A_180, %add3A_181 : i32
      %dma_wait3A_183 = arith.constant 0 : i32
      %dma_wait3A_184 = arith.constant 0 : i32
      %dma_wait3A_185 = tpu.memref_slice %arg11[%dma_wait3A_183, %dma_wait3A_184] : memref<168x128xf32, #tpu.memory_space<vmem>> -> memref<168x128xf32, #tpu.memory_space<vmem>>
      %dma_wait3A_186 = arith.constant 0 : i32
      %dma_wait3A_187 = tpu.memref_slice %arg8[%dma_wait3A_186] : memref<11264xi32, #tpu.memory_space<vmem>> -> memref<168xi32, #tpu.memory_space<vmem>>
      %dma_wait3A_188 = arith.constant 0 : i32
      %dma_wait3A_189 = arith.constant 0 : i32
      %dma_wait3A_190 = tpu.memref_slice %arg4[%dma_wait3A_188, %dma_wait3A_189] : memref<100000x128xf32, #tpu.memory_space<hbm>> -> memref<100000x128xf32, #tpu.memory_space<hbm>>
      tpu.wait_indirect_dma semaphore(%arg20 : memref<!tpu.dma_semaphore, #tpu.memory_space<semaphore_mem>>) src(%dma_wait3A_190 : memref<100000x128xf32, #tpu.memory_space<hbm>>) dst(%dma_wait3A_185 : memref<168x128xf32, #tpu.memory_space<vmem>>)
      %add3A_191 = arith.constant 3 : i32
      %add3A_192 = arith.addi %add3A_182, %add3A_191 : i32
      %rem3A_193 = arith.constant 64 : i32
      %rem3A_194 = arith.remsi %add3A_192, %rem3A_193 : i32
      %div3A_195 = arith.constant 64 : i32
      %div3A_196 = arith.divsi %add3A_192, %div3A_195 : i32
      %eq3A_197 = arith.constant 0 : i32
      %eq3A_198 = arith.cmpi eq, %rem3A_194, %eq3A_197 : i32
      %lt3A_199 = arith.constant 256 : i32
      %lt3A_200 = arith.cmpi slt, %add3A_192, %lt3A_199 : i32
      %and3A_201 = arith.andi %eq3A_198, %lt3A_200 : i1
      %convert_element_type3A_202 = arith.extui %and3A_201 : i1 to i32
      %cond3A_203 = arith.constant 0 : i32
      %cond3A_204 = arith.cmpi ne, %convert_element_type3A_202, %cond3A_203 : i32
      scf.if %cond3A_204 {
        %dma_wait3A_356 = arith.constant 0 : i32
        %dma_wait3A_357 = tpu.memref_slice %arg2[%dma_wait3A_356] : memref<1441792xi32, #tpu.memory_space<hbm>> -> memref<11264xi32, #tpu.memory_space<hbm>>
        %dma_wait3A_358 = arith.constant 0 : i32
        %dma_wait3A_359 = tpu.memref_slice %arg2[%dma_wait3A_358] : memref<1441792xi32, #tpu.memory_space<hbm>> -> memref<11264xi32, #tpu.memory_space<hbm>>
        tpu.wait_dma2 semaphore(%arg27 : memref<!tpu.dma_semaphore, #tpu.memory_space<semaphore_mem>>) src(%dma_wait3A_359 : memref<11264xi32, #tpu.memory_space<hbm>>) dst(%arg8 : memref<11264xi32, #tpu.memory_space<vmem>>)
      } else {
      }
      %lt3A_205 = arith.constant 256 : i32
      %lt3A_206 = arith.cmpi slt, %add3A_192, %lt3A_205 : i32
      %convert_element_type3A_207 = arith.extui %lt3A_206 : i1 to i32
      %cond3A_208 = arith.constant 0 : i32
      %cond3A_209 = arith.cmpi ne, %convert_element_type3A_207, %cond3A_208 : i32
      scf.if %cond3A_209 {
        %rem3A_356 = arith.constant 64 : i32
        %rem3A_357 = arith.remsi %add3A_192, %rem3A_356 : i32
        %mul3A_358 = arith.constant 176 : i32
        %mul3A_359 = arith.muli %rem3A_357, %mul3A_358 : i32
        %div3A_360 = arith.constant 64 : i32
        %div3A_361 = arith.divsi %add3A_192, %div3A_360 : i32
        %rem3A_362 = arith.constant 2 : i32
        %rem3A_363 = arith.remsi %div3A_361, %rem3A_362 : i32
        %eq3A_364 = arith.constant 0 : i32
        %eq3A_365 = arith.cmpi eq, %rem3A_363, %eq3A_364 : i32
        %convert_element_type3A_366 = arith.extui %eq3A_365 : i1 to i32
        %cond3A_367 = arith.constant 0 : i32
        %cond3A_368 = arith.cmpi ne, %convert_element_type3A_366, %cond3A_367 : i32
        scf.if %cond3A_368 {
          %dma_start3A_374 = arith.constant 0 : i32
          %dma_start3A_375 = arith.constant 0 : i32
          %dma_start3A_376 = tpu.memref_slice %arg10[%dma_start3A_374, %dma_start3A_375] : memref<168x128xf32, #tpu.memory_space<vmem>> -> memref<168x128xf32, #tpu.memory_space<vmem>>
          %dma_start3A_377 = tpu.memref_slice %arg8[%mul3A_359] : memref<11264xi32, #tpu.memory_space<vmem>> -> memref<168xi32, #tpu.memory_space<vmem>>
          %dma_start3A_378 = arith.constant 0 : i32
          %dma_start3A_379 = arith.constant 0 : i32
          %dma_start3A_380 = tpu.memref_slice %arg4[%dma_start3A_378, %dma_start3A_379] : memref<100000x128xf32, #tpu.memory_space<hbm>> -> memref<100000x128xf32, #tpu.memory_space<hbm>>
          tpu.enqueue_indirect_dma source(%dma_start3A_380 : memref<100000x128xf32, #tpu.memory_space<hbm>>) target(%dma_start3A_376 : memref<168x128xf32, #tpu.memory_space<vmem>>) offsets(%dma_start3A_377 : memref<168xi32, #tpu.memory_space<vmem>>) semaphore(%arg19 : memref<!tpu.dma_semaphore, #tpu.memory_space<semaphore_mem>>)
        } else {
        }
        %eq3A_369 = arith.constant 1 : i32
        %eq3A_370 = arith.cmpi eq, %rem3A_363, %eq3A_369 : i32
        %convert_element_type3A_371 = arith.extui %eq3A_370 : i1 to i32
        %cond3A_372 = arith.constant 0 : i32
        %cond3A_373 = arith.cmpi ne, %convert_element_type3A_371, %cond3A_372 : i32
        scf.if %cond3A_373 {
          %dma_start3A_374 = arith.constant 0 : i32
          %dma_start3A_375 = arith.constant 0 : i32
          %dma_start3A_376 = tpu.memref_slice %arg10[%dma_start3A_374, %dma_start3A_375] : memref<168x128xf32, #tpu.memory_space<vmem>> -> memref<168x128xf32, #tpu.memory_space<vmem>>
          %dma_start3A_377 = tpu.memref_slice %arg9[%mul3A_359] : memref<11264xi32, #tpu.memory_space<vmem>> -> memref<168xi32, #tpu.memory_space<vmem>>
          %dma_start3A_378 = arith.constant 0 : i32
          %dma_start3A_379 = arith.constant 0 : i32
          %dma_start3A_380 = tpu.memref_slice %arg4[%dma_start3A_378, %dma_start3A_379] : memref<100000x128xf32, #tpu.memory_space<hbm>> -> memref<100000x128xf32, #tpu.memory_space<hbm>>
          tpu.enqueue_indirect_dma source(%dma_start3A_380 : memref<100000x128xf32, #tpu.memory_space<hbm>>) target(%dma_start3A_376 : memref<168x128xf32, #tpu.memory_space<vmem>>) offsets(%dma_start3A_377 : memref<168xi32, #tpu.memory_space<vmem>>) semaphore(%arg19 : memref<!tpu.dma_semaphore, #tpu.memory_space<semaphore_mem>>)
        } else {
        }
      } else {
      }
      %eq3A_210 = arith.constant 2 : i32
      %eq3A_211 = arith.cmpi eq, %rem3A_194, %eq3A_210 : i32
      %add3A_212 = arith.constant 1 : i32
      %add3A_213 = arith.addi %div3A_196, %add3A_212 : i32
      %le3A_214 = arith.constant 3 : i32
      %le3A_215 = arith.cmpi sle, %add3A_213, %le3A_214 : i32
      %and3A_216 = arith.andi %eq3A_211, %le3A_215 : i1
      %convert_element_type3A_217 = arith.extui %and3A_216 : i1 to i32
      %cond3A_218 = arith.constant 0 : i32
      %cond3A_219 = arith.cmpi ne, %convert_element_type3A_217, %cond3A_218 : i32
      scf.if %cond3A_219 {
        %add3A_356 = arith.constant 1 : i32
        %add3A_357 = arith.addi %div3A_196, %add3A_356 : i32
        %rem3A_358 = arith.constant 2 : i32
        %rem3A_359 = arith.remsi %add3A_357, %rem3A_358 : i32
        %eq3A_360 = arith.constant 0 : i32
        %eq3A_361 = arith.cmpi eq, %rem3A_359, %eq3A_360 : i32
        %convert_element_type3A_362 = arith.extui %eq3A_361 : i1 to i32
        %cond3A_363 = arith.constant 0 : i32
        %cond3A_364 = arith.cmpi ne, %convert_element_type3A_362, %cond3A_363 : i32
        scf.if %cond3A_364 {
          %add3A_374 = arith.constant 1 : i32
          %add3A_375 = arith.addi %div3A_196, %add3A_374 : i32
          %mul3A_376 = arith.constant 11264 : i32
          %mul3A_377 = arith.muli %add3A_375, %mul3A_376 : i32
          %add3A_378 = arith.addi %mul3A_4, %mul3A_377 : i32
          %dma_start3A_379 = tpu.memref_slice %arg2[%add3A_378] : memref<1441792xi32, #tpu.memory_space<hbm>> -> memref<11264xi32, #tpu.memory_space<hbm>>
          %dma_start3A_380 = tpu.memref_slice %arg2[%add3A_378] : memref<1441792xi32, #tpu.memory_space<hbm>> -> memref<11264xi32, #tpu.memory_space<hbm>>
          tpu.enqueue_dma source(%dma_start3A_380 : memref<11264xi32, #tpu.memory_space<hbm>>) target(%arg8 : memref<11264xi32, #tpu.memory_space<vmem>>) target_semaphore(%arg27 : memref<!tpu.dma_semaphore, #tpu.memory_space<semaphore_mem>>)
        } else {
        }
        %add3A_365 = arith.constant 1 : i32
        %add3A_366 = arith.addi %div3A_196, %add3A_365 : i32
        %rem3A_367 = arith.constant 2 : i32
        %rem3A_368 = arith.remsi %add3A_366, %rem3A_367 : i32
        %eq3A_369 = arith.constant 1 : i32
        %eq3A_370 = arith.cmpi eq, %rem3A_368, %eq3A_369 : i32
        %convert_element_type3A_371 = arith.extui %eq3A_370 : i1 to i32
        %cond3A_372 = arith.constant 0 : i32
        %cond3A_373 = arith.cmpi ne, %convert_element_type3A_371, %cond3A_372 : i32
        scf.if %cond3A_373 {
          %add3A_374 = arith.constant 1 : i32
          %add3A_375 = arith.addi %div3A_196, %add3A_374 : i32
          %mul3A_376 = arith.constant 11264 : i32
          %mul3A_377 = arith.muli %add3A_375, %mul3A_376 : i32
          %add3A_378 = arith.addi %mul3A_4, %mul3A_377 : i32
          %dma_start3A_379 = tpu.memref_slice %arg2[%add3A_378] : memref<1441792xi32, #tpu.memory_space<hbm>> -> memref<11264xi32, #tpu.memory_space<hbm>>
          %dma_start3A_380 = tpu.memref_slice %arg2[%add3A_378] : memref<1441792xi32, #tpu.memory_space<hbm>> -> memref<11264xi32, #tpu.memory_space<hbm>>
          tpu.enqueue_dma source(%dma_start3A_380 : memref<11264xi32, #tpu.memory_space<hbm>>) target(%arg9 : memref<11264xi32, #tpu.memory_space<vmem>>) target_semaphore(%arg27 : memref<!tpu.dma_semaphore, #tpu.memory_space<semaphore_mem>>)
        } else {
        }
      } else {
      }
      %gt3A_220 = arith.constant 0 : i32
      %gt3A_221 = arith.cmpi sgt, %scan3A_123, %gt3A_220 : i32
      %convert_element_type3A_222 = arith.extui %gt3A_221 : i1 to i32
      %cond3A_223 = arith.constant 0 : i32
      %cond3A_224 = arith.cmpi ne, %convert_element_type3A_222, %cond3A_223 : i32
      scf.if %cond3A_224 {
        %dma_wait3A_356 = arith.constant 0 : i32
        %dma_wait3A_357 = arith.constant 0 : i32
        %dma_wait3A_358 = tpu.memref_slice %arg6[%dma_wait3A_356, %dma_wait3A_357] : memref<65536x256xf32, #tpu.memory_space<hbm>> -> memref<8x256xf32, #tpu.memory_space<hbm>>
        %dma_wait3A_359 = arith.constant 0 : i32
        %dma_wait3A_360 = arith.constant 0 : i32
        %dma_wait3A_361 = tpu.memref_slice %arg6[%dma_wait3A_359, %dma_wait3A_360] : memref<65536x256xf32, #tpu.memory_space<hbm>> -> memref<8x256xf32, #tpu.memory_space<hbm>>
        tpu.wait_dma2 semaphore(%arg24 : memref<!tpu.dma_semaphore, #tpu.memory_space<semaphore_mem>>) src(%arg15 : memref<8x256xf32, #tpu.memory_space<vmem>>) dst(%dma_wait3A_361 : memref<8x256xf32, #tpu.memory_space<hbm>>)
      } else {
      }
      %scan3A_225 = arith.constant 0 : i32
      %scan3A_226 = arith.constant 0 : i32
      %scan3A_227 = arith.constant 8 : i32
      %scan3A_228 = arith.addi %scan3A_226, %scan3A_227 : i32
      %scan3A_229 = arith.constant 1 : i32
      scf.for %scan3A_356 = %scan3A_226 to %scan3A_228 step %scan3A_229  : i32 {
        %mul3A_357 = arith.constant 20 : i32
        %mul3A_358 = arith.muli %scan3A_356, %mul3A_357 : i32
        %get3A = arith.index_cast %mul3A_358 : i32 to index
        %get3A_359 = arith.constant 0 : index
        %get3A_360 = tpu.vector_load %arg11[%get3A, %get3A_359] {strides = array<i32>} : memref<168x128xf32, #tpu.memory_space<vmem>>, vector<1x16xf32>,
        %get3A_361 = vector.shape_cast %get3A_360 : vector<1x16xf32> to vector<16xf32>
        %get3A_362 = arith.index_cast %mul3A_358 : i32 to index
        %get3A_363 = arith.constant 16 : index
        %get3A_364 = tpu.vector_load %arg11[%get3A_362, %get3A_363] {strides = array<i32>} : memref<168x128xf32, #tpu.memory_space<vmem>>, vector<1x16xf32>,
        %get3A_365 = vector.shape_cast %get3A_364 : vector<1x16xf32> to vector<16xf32>
        %get3A_366 = arith.index_cast %mul3A_358 : i32 to index
        %get3A_367 = arith.constant 32 : index
        %get3A_368 = tpu.vector_load %arg11[%get3A_366, %get3A_367] {strides = array<i32>} : memref<168x128xf32, #tpu.memory_space<vmem>>, vector<1x16xf32>,
        %get3A_369 = vector.shape_cast %get3A_368 : vector<1x16xf32> to vector<16xf32>
        %get3A_370 = arith.index_cast %mul3A_358 : i32 to index
        %get3A_371 = arith.constant 48 : index
        %get3A_372 = tpu.vector_load %arg11[%get3A_370, %get3A_371] {strides = array<i32>} : memref<168x128xf32, #tpu.memory_space<vmem>>, vector<1x16xf32>,
        %get3A_373 = vector.shape_cast %get3A_372 : vector<1x16xf32> to vector<16xf32>
        %get3A_374 = arith.index_cast %mul3A_358 : i32 to index
        %get3A_375 = arith.constant 64 : index
        %get3A_376 = tpu.vector_load %arg11[%get3A_374, %get3A_375] {strides = array<i32>} : memref<168x128xf32, #tpu.memory_space<vmem>>, vector<1x16xf32>,
        %get3A_377 = vector.shape_cast %get3A_376 : vector<1x16xf32> to vector<16xf32>
        %get3A_378 = arith.index_cast %mul3A_358 : i32 to index
        %get3A_379 = arith.constant 80 : index
        %get3A_380 = tpu.vector_load %arg11[%get3A_378, %get3A_379] {strides = array<i32>} : memref<168x128xf32, #tpu.memory_space<vmem>>, vector<1x16xf32>,
        %get3A_381 = vector.shape_cast %get3A_380 : vector<1x16xf32> to vector<16xf32>
        %get3A_382 = arith.index_cast %mul3A_358 : i32 to index
        %get3A_383 = arith.constant 96 : index
        %get3A_384 = tpu.vector_load %arg11[%get3A_382, %get3A_383] {strides = array<i32>} : memref<168x128xf32, #tpu.memory_space<vmem>>, vector<1x16xf32>,
        %get3A_385 = vector.shape_cast %get3A_384 : vector<1x16xf32> to vector<16xf32>
        %get3A_386 = arith.index_cast %mul3A_358 : i32 to index
        %get3A_387 = arith.constant 112 : index
        %get3A_388 = tpu.vector_load %arg11[%get3A_386, %get3A_387] {strides = array<i32>} : memref<168x128xf32, #tpu.memory_space<vmem>>, vector<1x16xf32>,
        %get3A_389 = vector.shape_cast %get3A_388 : vector<1x16xf32> to vector<16xf32>
        %scan3A_390 = arith.constant 0 : i32
        %scan3A_391 = arith.constant 9 : i32
        %scan3A_392 = arith.addi %scan3A_390, %scan3A_391 : i32
        %scan3A_393 = arith.constant 1 : i32
        %scan3A_394:8 = scf.for %scan3A_579 = %scan3A_390 to %scan3A_392 step %scan3A_393 iter_args(%scan3A_580 = %get3A_361, %scan3A_581 = %get3A_365, %scan3A_582 = %get3A_369, %scan3A_583 = %get3A_373, %scan3A_584 = %get3A_377, %scan3A_585 = %get3A_381, %scan3A_586 = %get3A_385, %scan3A_587 = %get3A_389) -> (vector<16xf32>, vector<16xf32>, vector<16xf32>, vector<16xf32>, vector<16xf32>, vector<16xf32>, vector<16xf32>, vector<16xf32>)  : i32 {
          %mul3A_588 = arith.constant 2 : i32
          %mul3A_589 = arith.muli %mul3A_588, %scan3A_579 : i32
          %add3A_590 = arith.addi %mul3A_358, %mul3A_589 : i32
          %add3A_591 = arith.constant 1 : i32
          %add3A_592 = arith.addi %add3A_590, %add3A_591 : i32
          %get3A_593 = arith.index_cast %add3A_592 : i32 to index
          %get3A_594 = arith.constant 0 : index
          %get3A_595 = tpu.vector_load %arg11[%get3A_593, %get3A_594] {strides = array<i32>} : memref<168x128xf32, #tpu.memory_space<vmem>>, vector<1x16xf32>,
          %get3A_596 = vector.shape_cast %get3A_595 : vector<1x16xf32> to vector<16xf32>
          %add3A_597 = arith.addf %scan3A_580, %get3A_596 : vector<16xf32>
          %mul3A_598 = arith.constant 2 : i32
          %mul3A_599 = arith.muli %mul3A_598, %scan3A_579 : i32
          %add3A_600 = arith.addi %mul3A_358, %mul3A_599 : i32
          %add3A_601 = arith.constant 1 : i32
          %add3A_602 = arith.addi %add3A_600, %add3A_601 : i32
          %get3A_603 = arith.index_cast %add3A_602 : i32 to index
          %get3A_604 = arith.constant 16 : index
          %get3A_605 = tpu.vector_load %arg11[%get3A_603, %get3A_604] {strides = array<i32>} : memref<168x128xf32, #tpu.memory_space<vmem>>, vector<1x16xf32>,
          %get3A_606 = vector.shape_cast %get3A_605 : vector<1x16xf32> to vector<16xf32>
          %add3A_607 = arith.addf %scan3A_581, %get3A_606 : vector<16xf32>
          %mul3A_608 = arith.constant 2 : i32
          %mul3A_609 = arith.muli %mul3A_608, %scan3A_579 : i32
          %add3A_610 = arith.addi %mul3A_358, %mul3A_609 : i32
          %add3A_611 = arith.constant 1 : i32
          %add3A_612 = arith.addi %add3A_610, %add3A_611 : i32
          %get3A_613 = arith.index_cast %add3A_612 : i32 to index
          %get3A_614 = arith.constant 32 : index
          %get3A_615 = tpu.vector_load %arg11[%get3A_613, %get3A_614] {strides = array<i32>} : memref<168x128xf32, #tpu.memory_space<vmem>>, vector<1x16xf32>,
          %get3A_616 = vector.shape_cast %get3A_615 : vector<1x16xf32> to vector<16xf32>
          %add3A_617 = arith.addf %scan3A_582, %get3A_616 : vector<16xf32>
          %mul3A_618 = arith.constant 2 : i32
          %mul3A_619 = arith.muli %mul3A_618, %scan3A_579 : i32
          %add3A_620 = arith.addi %mul3A_358, %mul3A_619 : i32
          %add3A_621 = arith.constant 1 : i32
          %add3A_622 = arith.addi %add3A_620, %add3A_621 : i32
          %get3A_623 = arith.index_cast %add3A_622 : i32 to index
          %get3A_624 = arith.constant 48 : index
          %get3A_625 = tpu.vector_load %arg11[%get3A_623, %get3A_624] {strides = array<i32>} : memref<168x128xf32, #tpu.memory_space<vmem>>, vector<1x16xf32>,
          %get3A_626 = vector.shape_cast %get3A_625 : vector<1x16xf32> to vector<16xf32>
          %add3A_627 = arith.addf %scan3A_583, %get3A_626 : vector<16xf32>
          %mul3A_628 = arith.constant 2 : i32
          %mul3A_629 = arith.muli %mul3A_628, %scan3A_579 : i32
          %add3A_630 = arith.addi %mul3A_358, %mul3A_629 : i32
          %add3A_631 = arith.constant 1 : i32
          %add3A_632 = arith.addi %add3A_630, %add3A_631 : i32
          %get3A_633 = arith.index_cast %add3A_632 : i32 to index
          %get3A_634 = arith.constant 64 : index
          %get3A_635 = tpu.vector_load %arg11[%get3A_633, %get3A_634] {strides = array<i32>} : memref<168x128xf32, #tpu.memory_space<vmem>>, vector<1x16xf32>,
          %get3A_636 = vector.shape_cast %get3A_635 : vector<1x16xf32> to vector<16xf32>
          %add3A_637 = arith.addf %scan3A_584, %get3A_636 : vector<16xf32>
          %mul3A_638 = arith.constant 2 : i32
          %mul3A_639 = arith.muli %mul3A_638, %scan3A_579 : i32
          %add3A_640 = arith.addi %mul3A_358, %mul3A_639 : i32
          %add3A_641 = arith.constant 1 : i32
          %add3A_642 = arith.addi %add3A_640, %add3A_641 : i32
          %get3A_643 = arith.index_cast %add3A_642 : i32 to index
          %get3A_644 = arith.constant 80 : index
          %get3A_645 = tpu.vector_load %arg11[%get3A_643, %get3A_644] {strides = array<i32>} : memref<168x128xf32, #tpu.memory_space<vmem>>, vector<1x16xf32>,
          %get3A_646 = vector.shape_cast %get3A_645 : vector<1x16xf32> to vector<16xf32>
          %add3A_647 = arith.addf %scan3A_585, %get3A_646 : vector<16xf32>
          %mul3A_648 = arith.constant 2 : i32
          %mul3A_649 = arith.muli %mul3A_648, %scan3A_579 : i32
          %add3A_650 = arith.addi %mul3A_358, %mul3A_649 : i32
          %add3A_651 = arith.constant 1 : i32
          %add3A_652 = arith.addi %add3A_650, %add3A_651 : i32
          %get3A_653 = arith.index_cast %add3A_652 : i32 to index
          %get3A_654 = arith.constant 96 : index
          %get3A_655 = tpu.vector_load %arg11[%get3A_653, %get3A_654] {strides = array<i32>} : memref<168x128xf32, #tpu.memory_space<vmem>>, vector<1x16xf32>,
          %get3A_656 = vector.shape_cast %get3A_655 : vector<1x16xf32> to vector<16xf32>
          %add3A_657 = arith.addf %scan3A_586, %get3A_656 : vector<16xf32>
          %mul3A_658 = arith.constant 2 : i32
          %mul3A_659 = arith.muli %mul3A_658, %scan3A_579 : i32
          %add3A_660 = arith.addi %mul3A_358, %mul3A_659 : i32
          %add3A_661 = arith.constant 1 : i32
          %add3A_662 = arith.addi %add3A_660, %add3A_661 : i32
          %get3A_663 = arith.index_cast %add3A_662 : i32 to index
          %get3A_664 = arith.constant 112 : index
          %get3A_665 = tpu.vector_load %arg11[%get3A_663, %get3A_664] {strides = array<i32>} : memref<168x128xf32, #tpu.memory_space<vmem>>, vector<1x16xf32>,
          %get3A_666 = vector.shape_cast %get3A_665 : vector<1x16xf32> to vector<16xf32>
          %add3A_667 = arith.addf %scan3A_587, %get3A_666 : vector<16xf32>
          %mul3A_668 = arith.constant 2 : i32
          %mul3A_669 = arith.muli %mul3A_668, %scan3A_579 : i32
          %add3A_670 = arith.addi %mul3A_358, %mul3A_669 : i32
          %add3A_671 = arith.constant 2 : i32
          %add3A_672 = arith.addi %add3A_670, %add3A_671 : i32
          %get3A_673 = arith.index_cast %add3A_672 : i32 to index
          %get3A_674 = arith.constant 0 : index
          %get3A_675 = tpu.vector_load %arg11[%get3A_673, %get3A_674] {strides = array<i32>} : memref<168x128xf32, #tpu.memory_space<vmem>>, vector<1x16xf32>,
          %get3A_676 = vector.shape_cast %get3A_675 : vector<1x16xf32> to vector<16xf32>
          %add3A_677 = arith.addf %add3A_597, %get3A_676 : vector<16xf32>
          %mul3A_678 = arith.constant 2 : i32
          %mul3A_679 = arith.muli %mul3A_678, %scan3A_579 : i32
          %add3A_680 = arith.addi %mul3A_358, %mul3A_679 : i32
          %add3A_681 = arith.constant 2 : i32
          %add3A_682 = arith.addi %add3A_680, %add3A_681 : i32
          %get3A_683 = arith.index_cast %add3A_682 : i32 to index
          %get3A_684 = arith.constant 16 : index
          %get3A_685 = tpu.vector_load %arg11[%get3A_683, %get3A_684] {strides = array<i32>} : memref<168x128xf32, #tpu.memory_space<vmem>>, vector<1x16xf32>,
          %get3A_686 = vector.shape_cast %get3A_685 : vector<1x16xf32> to vector<16xf32>
          %add3A_687 = arith.addf %add3A_607, %get3A_686 : vector<16xf32>
          %mul3A_688 = arith.constant 2 : i32
          %mul3A_689 = arith.muli %mul3A_688, %scan3A_579 : i32
          %add3A_690 = arith.addi %mul3A_358, %mul3A_689 : i32
          %add3A_691 = arith.constant 2 : i32
          %add3A_692 = arith.addi %add3A_690, %add3A_691 : i32
          %get3A_693 = arith.index_cast %add3A_692 : i32 to index
          %get3A_694 = arith.constant 32 : index
          %get3A_695 = tpu.vector_load %arg11[%get3A_693, %get3A_694] {strides = array<i32>} : memref<168x128xf32, #tpu.memory_space<vmem>>, vector<1x16xf32>,
          %get3A_696 = vector.shape_cast %get3A_695 : vector<1x16xf32> to vector<16xf32>
          %add3A_697 = arith.addf %add3A_617, %get3A_696 : vector<16xf32>
          %mul3A_698 = arith.constant 2 : i32
          %mul3A_699 = arith.muli %mul3A_698, %scan3A_579 : i32
          %add3A_700 = arith.addi %mul3A_358, %mul3A_699 : i32
          %add3A_701 = arith.constant 2 : i32
          %add3A_702 = arith.addi %add3A_700, %add3A_701 : i32
          %get3A_703 = arith.index_cast %add3A_702 : i32 to index
          %get3A_704 = arith.constant 48 : index
          %get3A_705 = tpu.vector_load %arg11[%get3A_703, %get3A_704] {strides = array<i32>} : memref<168x128xf32, #tpu.memory_space<vmem>>, vector<1x16xf32>,
          %get3A_706 = vector.shape_cast %get3A_705 : vector<1x16xf32> to vector<16xf32>
          %add3A_707 = arith.addf %add3A_627, %get3A_706 : vector<16xf32>
          %mul3A_708 = arith.constant 2 : i32
          %mul3A_709 = arith.muli %mul3A_708, %scan3A_579 : i32
          %add3A_710 = arith.addi %mul3A_358, %mul3A_709 : i32
          %add3A_711 = arith.constant 2 : i32
          %add3A_712 = arith.addi %add3A_710, %add3A_711 : i32
          %get3A_713 = arith.index_cast %add3A_712 : i32 to index
          %get3A_714 = arith.constant 64 : index
          %get3A_715 = tpu.vector_load %arg11[%get3A_713, %get3A_714] {strides = array<i32>} : memref<168x128xf32, #tpu.memory_space<vmem>>, vector<1x16xf32>,
          %get3A_716 = vector.shape_cast %get3A_715 : vector<1x16xf32> to vector<16xf32>
          %add3A_717 = arith.addf %add3A_637, %get3A_716 : vector<16xf32>
          %mul3A_718 = arith.constant 2 : i32
          %mul3A_719 = arith.muli %mul3A_718, %scan3A_579 : i32
          %add3A_720 = arith.addi %mul3A_358, %mul3A_719 : i32
          %add3A_721 = arith.constant 2 : i32
          %add3A_722 = arith.addi %add3A_720, %add3A_721 : i32
          %get3A_723 = arith.index_cast %add3A_722 : i32 to index
          %get3A_724 = arith.constant 80 : index
          %get3A_725 = tpu.vector_load %arg11[%get3A_723, %get3A_724] {strides = array<i32>} : memref<168x128xf32, #tpu.memory_space<vmem>>, vector<1x16xf32>,
          %get3A_726 = vector.shape_cast %get3A_725 : vector<1x16xf32> to vector<16xf32>
          %add3A_727 = arith.addf %add3A_647, %get3A_726 : vector<16xf32>
          %mul3A_728 = arith.constant 2 : i32
          %mul3A_729 = arith.muli %mul3A_728, %scan3A_579 : i32
          %add3A_730 = arith.addi %mul3A_358, %mul3A_729 : i32
          %add3A_731 = arith.constant 2 : i32
          %add3A_732 = arith.addi %add3A_730, %add3A_731 : i32
          %get3A_733 = arith.index_cast %add3A_732 : i32 to index
          %get3A_734 = arith.constant 96 : index
          %get3A_735 = tpu.vector_load %arg11[%get3A_733, %get3A_734] {strides = array<i32>} : memref<168x128xf32, #tpu.memory_space<vmem>>, vector<1x16xf32>,
          %get3A_736 = vector.shape_cast %get3A_735 : vector<1x16xf32> to vector<16xf32>
          %add3A_737 = arith.addf %add3A_657, %get3A_736 : vector<16xf32>
          %mul3A_738 = arith.constant 2 : i32
          %mul3A_739 = arith.muli %mul3A_738, %scan3A_579 : i32
          %add3A_740 = arith.addi %mul3A_358, %mul3A_739 : i32
          %add3A_741 = arith.constant 2 : i32
          %add3A_742 = arith.addi %add3A_740, %add3A_741 : i32
          %get3A_743 = arith.index_cast %add3A_742 : i32 to index
          %get3A_744 = arith.constant 112 : index
          %get3A_745 = tpu.vector_load %arg11[%get3A_743, %get3A_744] {strides = array<i32>} : memref<168x128xf32, #tpu.memory_space<vmem>>, vector<1x16xf32>,
          %get3A_746 = vector.shape_cast %get3A_745 : vector<1x16xf32> to vector<16xf32>
          %add3A_747 = arith.addf %add3A_667, %get3A_746 : vector<16xf32>
          scf.yield %add3A_677, %add3A_687, %add3A_697, %add3A_707, %add3A_717, %add3A_727, %add3A_737, %add3A_747 : vector<16xf32>, vector<16xf32>, vector<16xf32>, vector<16xf32>, vector<16xf32>, vector<16xf32>, vector<16xf32>, vector<16xf32>
        }
        %scan3A_395 = arith.constant 9 : i32
        %add3A_396 = arith.constant 19 : i32
        %add3A_397 = arith.addi %mul3A_358, %add3A_396 : i32
        %get3A_398 = arith.index_cast %add3A_397 : i32 to index
        %get3A_399 = arith.constant 0 : index
        %get3A_400 = tpu.vector_load %arg11[%get3A_398, %get3A_399] {strides = array<i32>} : memref<168x128xf32, #tpu.memory_space<vmem>>, vector<1x16xf32>,
        %get3A_401 = vector.shape_cast %get3A_400 : vector<1x16xf32> to vector<16xf32>
        %add3A_402 = arith.addf %scan3A_394#0, %get3A_401 : vector<16xf32>
        %add3A_403 = arith.constant 19 : i32
        %add3A_404 = arith.addi %mul3A_358, %add3A_403 : i32
        %get3A_405 = arith.index_cast %add3A_404 : i32 to index
        %get3A_406 = arith.constant 16 : index
        %get3A_407 = tpu.vector_load %arg11[%get3A_405, %get3A_406] {strides = array<i32>} : memref<168x128xf32, #tpu.memory_space<vmem>>, vector<1x16xf32>,
        %get3A_408 = vector.shape_cast %get3A_407 : vector<1x16xf32> to vector<16xf32>
        %add3A_409 = arith.addf %scan3A_394#1, %get3A_408 : vector<16xf32>
        %add3A_410 = arith.constant 19 : i32
        %add3A_411 = arith.addi %mul3A_358, %add3A_410 : i32
        %get3A_412 = arith.index_cast %add3A_411 : i32 to index
        %get3A_413 = arith.constant 32 : index
        %get3A_414 = tpu.vector_load %arg11[%get3A_412, %get3A_413] {strides = array<i32>} : memref<168x128xf32, #tpu.memory_space<vmem>>, vector<1x16xf32>,
        %get3A_415 = vector.shape_cast %get3A_414 : vector<1x16xf32> to vector<16xf32>
        %add3A_416 = arith.addf %scan3A_394#2, %get3A_415 : vector<16xf32>
        %add3A_417 = arith.constant 19 : i32
        %add3A_418 = arith.addi %mul3A_358, %add3A_417 : i32
        %get3A_419 = arith.index_cast %add3A_418 : i32 to index
        %get3A_420 = arith.constant 48 : index
        %get3A_421 = tpu.vector_load %arg11[%get3A_419, %get3A_420] {strides = array<i32>} : memref<168x128xf32, #tpu.memory_space<vmem>>, vector<1x16xf32>,
        %get3A_422 = vector.shape_cast %get3A_421 : vector<1x16xf32> to vector<16xf32>
        %add3A_423 = arith.addf %scan3A_394#3, %get3A_422 : vector<16xf32>
        %add3A_424 = arith.constant 19 : i32
        %add3A_425 = arith.addi %mul3A_358, %add3A_424 : i32
        %get3A_426 = arith.index_cast %add3A_425 : i32 to index
        %get3A_427 = arith.constant 64 : index
        %get3A_428 = tpu.vector_load %arg11[%get3A_426, %get3A_427] {strides = array<i32>} : memref<168x128xf32, #tpu.memory_space<vmem>>, vector<1x16xf32>,
        %get3A_429 = vector.shape_cast %get3A_428 : vector<1x16xf32> to vector<16xf32>
        %add3A_430 = arith.addf %scan3A_394#4, %get3A_429 : vector<16xf32>
        %add3A_431 = arith.constant 19 : i32
        %add3A_432 = arith.addi %mul3A_358, %add3A_431 : i32
        %get3A_433 = arith.index_cast %add3A_432 : i32 to index
        %get3A_434 = arith.constant 80 : index
        %get3A_435 = tpu.vector_load %arg11[%get3A_433, %get3A_434] {strides = array<i32>} : memref<168x128xf32, #tpu.memory_space<vmem>>, vector<1x16xf32>,
        %get3A_436 = vector.shape_cast %get3A_435 : vector<1x16xf32> to vector<16xf32>
        %add3A_437 = arith.addf %scan3A_394#5, %get3A_436 : vector<16xf32>
        %add3A_438 = arith.constant 19 : i32
        %add3A_439 = arith.addi %mul3A_358, %add3A_438 : i32
        %get3A_440 = arith.index_cast %add3A_439 : i32 to index
        %get3A_441 = arith.constant 96 : index
        %get3A_442 = tpu.vector_load %arg11[%get3A_440, %get3A_441] {strides = array<i32>} : memref<168x128xf32, #tpu.memory_space<vmem>>, vector<1x16xf32>,
        %get3A_443 = vector.shape_cast %get3A_442 : vector<1x16xf32> to vector<16xf32>
        %add3A_444 = arith.addf %scan3A_394#6, %get3A_443 : vector<16xf32>
        %add3A_445 = arith.constant 19 : i32
        %add3A_446 = arith.addi %mul3A_358, %add3A_445 : i32
        %get3A_447 = arith.index_cast %add3A_446 : i32 to index
        %get3A_448 = arith.constant 112 : index
        %get3A_449 = tpu.vector_load %arg11[%get3A_447, %get3A_448] {strides = array<i32>} : memref<168x128xf32, #tpu.memory_space<vmem>>, vector<1x16xf32>,
        %get3A_450 = vector.shape_cast %get3A_449 : vector<1x16xf32> to vector<16xf32>
        %add3A_451 = arith.addf %scan3A_394#7, %get3A_450 : vector<16xf32>
        %swap3A = arith.index_cast %scan3A_356 : i32 to index
        %swap3A_452 = arith.constant 128 : index
        %swap3A_453 = tpu.vector_load %arg15[%swap3A, %swap3A_452] {strides = array<i32>} : memref<8x256xf32, #tpu.memory_space<vmem>>, vector<1x16xf32>,
        %swap3A_454 = vector.shape_cast %swap3A_453 : vector<1x16xf32> to vector<16xf32>
        %swap3A_455 = vector.shape_cast %add3A_402 : vector<16xf32> to vector<1x16xf32>
        tpu.vector_store %arg15[%swap3A, %swap3A_452], %swap3A_455 {strides = array<i32>} : memref<8x256xf32, #tpu.memory_space<vmem>>, vector<1x16xf32>,
        %add3A_456 = arith.constant 160 : i32
        %add3A_457 = arith.addi %add3A_456, %scan3A_356 : i32
        %get3A_458 = arith.index_cast %add3A_457 : i32 to index
        %get3A_459 = arith.constant 0 : index
        %get3A_460 = tpu.vector_load %arg11[%get3A_458, %get3A_459] {strides = array<i32>} : memref<168x128xf32, #tpu.memory_space<vmem>>, vector<1x16xf32>,
        %get3A_461 = vector.shape_cast %get3A_460 : vector<1x16xf32> to vector<16xf32>
        %swap3A_462 = arith.index_cast %scan3A_356 : i32 to index
        %swap3A_463 = arith.constant 0 : index
        %swap3A_464 = tpu.vector_load %arg15[%swap3A_462, %swap3A_463] {strides = array<i32>} : memref<8x256xf32, #tpu.memory_space<vmem>>, vector<1x16xf32>,
        %swap3A_465 = vector.shape_cast %swap3A_464 : vector<1x16xf32> to vector<16xf32>
        %swap3A_466 = vector.shape_cast %get3A_461 : vector<16xf32> to vector<1x16xf32>
        tpu.vector_store %arg15[%swap3A_462, %swap3A_463], %swap3A_466 {strides = array<i32>} : memref<8x256xf32, #tpu.memory_space<vmem>>, vector<1x16xf32>,
        %swap3A_467 = arith.index_cast %scan3A_356 : i32 to index
        %swap3A_468 = arith.constant 144 : index
        %swap3A_469 = tpu.vector_load %arg15[%swap3A_467, %swap3A_468] {strides = array<i32>} : memref<8x256xf32, #tpu.memory_space<vmem>>, vector<1x16xf32>,
        %swap3A_470 = vector.shape_cast %swap3A_469 : vector<1x16xf32> to vector<16xf32>
        %swap3A_471 = vector.shape_cast %add3A_409 : vector<16xf32> to vector<1x16xf32>
        tpu.vector_store %arg15[%swap3A_467, %swap3A_468], %swap3A_471 {strides = array<i32>} : memref<8x256xf32, #tpu.memory_space<vmem>>, vector<1x16xf32>,
        %add3A_472 = arith.constant 160 : i32
        %add3A_473 = arith.addi %add3A_472, %scan3A_356 : i32
        %get3A_474 = arith.index_cast %add3A_473 : i32 to index
        %get3A_475 = arith.constant 16 : index
        %get3A_476 = tpu.vector_load %arg11[%get3A_474, %get3A_475] {strides = array<i32>} : memref<168x128xf32, #tpu.memory_space<vmem>>, vector<1x16xf32>,
        %get3A_477 = vector.shape_cast %get3A_476 : vector<1x16xf32> to vector<16xf32>
        %swap3A_478 = arith.index_cast %scan3A_356 : i32 to index
        %swap3A_479 = arith.constant 16 : index
        %swap3A_480 = tpu.vector_load %arg15[%swap3A_478, %swap3A_479] {strides = array<i32>} : memref<8x256xf32, #tpu.memory_space<vmem>>, vector<1x16xf32>,
        %swap3A_481 = vector.shape_cast %swap3A_480 : vector<1x16xf32> to vector<16xf32>
        %swap3A_482 = vector.shape_cast %get3A_477 : vector<16xf32> to vector<1x16xf32>
        tpu.vector_store %arg15[%swap3A_478, %swap3A_479], %swap3A_482 {strides = array<i32>} : memref<8x256xf32, #tpu.memory_space<vmem>>, vector<1x16xf32>,
        %swap3A_483 = arith.index_cast %scan3A_356 : i32 to index
        %swap3A_484 = arith.constant 160 : index
        %swap3A_485 = tpu.vector_load %arg15[%swap3A_483, %swap3A_484] {strides = array<i32>} : memref<8x256xf32, #tpu.memory_space<vmem>>, vector<1x16xf32>,
        %swap3A_486 = vector.shape_cast %swap3A_485 : vector<1x16xf32> to vector<16xf32>
        %swap3A_487 = vector.shape_cast %add3A_416 : vector<16xf32> to vector<1x16xf32>
        tpu.vector_store %arg15[%swap3A_483, %swap3A_484], %swap3A_487 {strides = array<i32>} : memref<8x256xf32, #tpu.memory_space<vmem>>, vector<1x16xf32>,
        %add3A_488 = arith.constant 160 : i32
        %add3A_489 = arith.addi %add3A_488, %scan3A_356 : i32
        %get3A_490 = arith.index_cast %add3A_489 : i32 to index
        %get3A_491 = arith.constant 32 : index
        %get3A_492 = tpu.vector_load %arg11[%get3A_490, %get3A_491] {strides = array<i32>} : memref<168x128xf32, #tpu.memory_space<vmem>>, vector<1x16xf32>,
        %get3A_493 = vector.shape_cast %get3A_492 : vector<1x16xf32> to vector<16xf32>
        %swap3A_494 = arith.index_cast %scan3A_356 : i32 to index
        %swap3A_495 = arith.constant 32 : index
        %swap3A_496 = tpu.vector_load %arg15[%swap3A_494, %swap3A_495] {strides = array<i32>} : memref<8x256xf32, #tpu.memory_space<vmem>>, vector<1x16xf32>,
        %swap3A_497 = vector.shape_cast %swap3A_496 : vector<1x16xf32> to vector<16xf32>
        %swap3A_498 = vector.shape_cast %get3A_493 : vector<16xf32> to vector<1x16xf32>
        tpu.vector_store %arg15[%swap3A_494, %swap3A_495], %swap3A_498 {strides = array<i32>} : memref<8x256xf32, #tpu.memory_space<vmem>>, vector<1x16xf32>,
        %swap3A_499 = arith.index_cast %scan3A_356 : i32 to index
        %swap3A_500 = arith.constant 176 : index
        %swap3A_501 = tpu.vector_load %arg15[%swap3A_499, %swap3A_500] {strides = array<i32>} : memref<8x256xf32, #tpu.memory_space<vmem>>, vector<1x16xf32>,
        %swap3A_502 = vector.shape_cast %swap3A_501 : vector<1x16xf32> to vector<16xf32>
        %swap3A_503 = vector.shape_cast %add3A_423 : vector<16xf32> to vector<1x16xf32>
        tpu.vector_store %arg15[%swap3A_499, %swap3A_500], %swap3A_503 {strides = array<i32>} : memref<8x256xf32, #tpu.memory_space<vmem>>, vector<1x16xf32>,
        %add3A_504 = arith.constant 160 : i32
        %add3A_505 = arith.addi %add3A_504, %scan3A_356 : i32
        %get3A_506 = arith.index_cast %add3A_505 : i32 to index
        %get3A_507 = arith.constant 48 : index
        %get3A_508 = tpu.vector_load %arg11[%get3A_506, %get3A_507] {strides = array<i32>} : memref<168x128xf32, #tpu.memory_space<vmem>>, vector<1x16xf32>,
        %get3A_509 = vector.shape_cast %get3A_508 : vector<1x16xf32> to vector<16xf32>
        %swap3A_510 = arith.index_cast %scan3A_356 : i32 to index
        %swap3A_511 = arith.constant 48 : index
        %swap3A_512 = tpu.vector_load %arg15[%swap3A_510, %swap3A_511] {strides = array<i32>} : memref<8x256xf32, #tpu.memory_space<vmem>>, vector<1x16xf32>,
        %swap3A_513 = vector.shape_cast %swap3A_512 : vector<1x16xf32> to vector<16xf32>
        %swap3A_514 = vector.shape_cast %get3A_509 : vector<16xf32> to vector<1x16xf32>
        tpu.vector_store %arg15[%swap3A_510, %swap3A_511], %swap3A_514 {strides = array<i32>} : memref<8x256xf32, #tpu.memory_space<vmem>>, vector<1x16xf32>,
        %swap3A_515 = arith.index_cast %scan3A_356 : i32 to index
        %swap3A_516 = arith.constant 192 : index
        %swap3A_517 = tpu.vector_load %arg15[%swap3A_515, %swap3A_516] {strides = array<i32>} : memref<8x256xf32, #tpu.memory_space<vmem>>, vector<1x16xf32>,
        %swap3A_518 = vector.shape_cast %swap3A_517 : vector<1x16xf32> to vector<16xf32>
        %swap3A_519 = vector.shape_cast %add3A_430 : vector<16xf32> to vector<1x16xf32>
        tpu.vector_store %arg15[%swap3A_515, %swap3A_516], %swap3A_519 {strides = array<i32>} : memref<8x256xf32, #tpu.memory_space<vmem>>, vector<1x16xf32>,
        %add3A_520 = arith.constant 160 : i32
        %add3A_521 = arith.addi %add3A_520, %scan3A_356 : i32
        %get3A_522 = arith.index_cast %add3A_521 : i32 to index
        %get3A_523 = arith.constant 64 : index
        %get3A_524 = tpu.vector_load %arg11[%get3A_522, %get3A_523] {strides = array<i32>} : memref<168x128xf32, #tpu.memory_space<vmem>>, vector<1x16xf32>,
        %get3A_525 = vector.shape_cast %get3A_524 : vector<1x16xf32> to vector<16xf32>
        %swap3A_526 = arith.index_cast %scan3A_356 : i32 to index
        %swap3A_527 = arith.constant 64 : index
        %swap3A_528 = tpu.vector_load %arg15[%swap3A_526, %swap3A_527] {strides = array<i32>} : memref<8x256xf32, #tpu.memory_space<vmem>>, vector<1x16xf32>,
        %swap3A_529 = vector.shape_cast %swap3A_528 : vector<1x16xf32> to vector<16xf32>
        %swap3A_530 = vector.shape_cast %get3A_525 : vector<16xf32> to vector<1x16xf32>
        tpu.vector_store %arg15[%swap3A_526, %swap3A_527], %swap3A_530 {strides = array<i32>} : memref<8x256xf32, #tpu.memory_space<vmem>>, vector<1x16xf32>,
        %swap3A_531 = arith.index_cast %scan3A_356 : i32 to index
        %swap3A_532 = arith.constant 208 : index
        %swap3A_533 = tpu.vector_load %arg15[%swap3A_531, %swap3A_532] {strides = array<i32>} : memref<8x256xf32, #tpu.memory_space<vmem>>, vector<1x16xf32>,
        %swap3A_534 = vector.shape_cast %swap3A_533 : vector<1x16xf32> to vector<16xf32>
        %swap3A_535 = vector.shape_cast %add3A_437 : vector<16xf32> to vector<1x16xf32>
        tpu.vector_store %arg15[%swap3A_531, %swap3A_532], %swap3A_535 {strides = array<i32>} : memref<8x256xf32, #tpu.memory_space<vmem>>, vector<1x16xf32>,
        %add3A_536 = arith.constant 160 : i32
        %add3A_537 = arith.addi %add3A_536, %scan3A_356 : i32
        %get3A_538 = arith.index_cast %add3A_537 : i32 to index
        %get3A_539 = arith.constant 80 : index
        %get3A_540 = tpu.vector_load %arg11[%get3A_538, %get3A_539] {strides = array<i32>} : memref<168x128xf32, #tpu.memory_space<vmem>>, vector<1x16xf32>,
        %get3A_541 = vector.shape_cast %get3A_540 : vector<1x16xf32> to vector<16xf32>
        %swap3A_542 = arith.index_cast %scan3A_356 : i32 to index
        %swap3A_543 = arith.constant 80 : index
        %swap3A_544 = tpu.vector_load %arg15[%swap3A_542, %swap3A_543] {strides = array<i32>} : memref<8x256xf32, #tpu.memory_space<vmem>>, vector<1x16xf32>,
        %swap3A_545 = vector.shape_cast %swap3A_544 : vector<1x16xf32> to vector<16xf32>
        %swap3A_546 = vector.shape_cast %get3A_541 : vector<16xf32> to vector<1x16xf32>
        tpu.vector_store %arg15[%swap3A_542, %swap3A_543], %swap3A_546 {strides = array<i32>} : memref<8x256xf32, #tpu.memory_space<vmem>>, vector<1x16xf32>,
        %swap3A_547 = arith.index_cast %scan3A_356 : i32 to index
        %swap3A_548 = arith.constant 224 : index
        %swap3A_549 = tpu.vector_load %arg15[%swap3A_547, %swap3A_548] {strides = array<i32>} : memref<8x256xf32, #tpu.memory_space<vmem>>, vector<1x16xf32>,
        %swap3A_550 = vector.shape_cast %swap3A_549 : vector<1x16xf32> to vector<16xf32>
        %swap3A_551 = vector.shape_cast %add3A_444 : vector<16xf32> to vector<1x16xf32>
        tpu.vector_store %arg15[%swap3A_547, %swap3A_548], %swap3A_551 {strides = array<i32>} : memref<8x256xf32, #tpu.memory_space<vmem>>, vector<1x16xf32>,
        %add3A_552 = arith.constant 160 : i32
        %add3A_553 = arith.addi %add3A_552, %scan3A_356 : i32
        %get3A_554 = arith.index_cast %add3A_553 : i32 to index
        %get3A_555 = arith.constant 96 : index
        %get3A_556 = tpu.vector_load %arg11[%get3A_554, %get3A_555] {strides = array<i32>} : memref<168x128xf32, #tpu.memory_space<vmem>>, vector<1x16xf32>,
        %get3A_557 = vector.shape_cast %get3A_556 : vector<1x16xf32> to vector<16xf32>
        %swap3A_558 = arith.index_cast %scan3A_356 : i32 to index
        %swap3A_559 = arith.constant 96 : index
        %swap3A_560 = tpu.vector_load %arg15[%swap3A_558, %swap3A_559] {strides = array<i32>} : memref<8x256xf32, #tpu.memory_space<vmem>>, vector<1x16xf32>,
        %swap3A_561 = vector.shape_cast %swap3A_560 : vector<1x16xf32> to vector<16xf32>
        %swap3A_562 = vector.shape_cast %get3A_557 : vector<16xf32> to vector<1x16xf32>
        tpu.vector_store %arg15[%swap3A_558, %swap3A_559], %swap3A_562 {strides = array<i32>} : memref<8x256xf32, #tpu.memory_space<vmem>>, vector<1x16xf32>,
        %swap3A_563 = arith.index_cast %scan3A_356 : i32 to index
        %swap3A_564 = arith.constant 240 : index
        %swap3A_565 = tpu.vector_load %arg15[%swap3A_563, %swap3A_564] {strides = array<i32>} : memref<8x256xf32, #tpu.memory_space<vmem>>, vector<1x16xf32>,
        %swap3A_566 = vector.shape_cast %swap3A_565 : vector<1x16xf32> to vector<16xf32>
        %swap3A_567 = vector.shape_cast %add3A_451 : vector<16xf32> to vector<1x16xf32>
        tpu.vector_store %arg15[%swap3A_563, %swap3A_564], %swap3A_567 {strides = array<i32>} : memref<8x256xf32, #tpu.memory_space<vmem>>, vector<1x16xf32>,
        %add3A_568 = arith.constant 160 : i32
        %add3A_569 = arith.addi %add3A_568, %scan3A_356 : i32
        %get3A_570 = arith.index_cast %add3A_569 : i32 to index
        %get3A_571 = arith.constant 112 : index
        %get3A_572 = tpu.vector_load %arg11[%get3A_570, %get3A_571] {strides = array<i32>} : memref<168x128xf32, #tpu.memory_space<vmem>>, vector<1x16xf32>,
        %get3A_573 = vector.shape_cast %get3A_572 : vector<1x16xf32> to vector<16xf32>
        %swap3A_574 = arith.index_cast %scan3A_356 : i32 to index
        %swap3A_575 = arith.constant 112 : index
        %swap3A_576 = tpu.vector_load %arg15[%swap3A_574, %swap3A_575] {strides = array<i32>} : memref<8x256xf32, #tpu.memory_space<vmem>>, vector<1x16xf32>,
        %swap3A_577 = vector.shape_cast %swap3A_576 : vector<1x16xf32> to vector<16xf32>
        %swap3A_578 = vector.shape_cast %get3A_573 : vector<16xf32> to vector<1x16xf32>
        tpu.vector_store %arg15[%swap3A_574, %swap3A_575], %swap3A_578 {strides = array<i32>} : memref<8x256xf32, #tpu.memory_space<vmem>>, vector<1x16xf32>,
      }
      %scan3A_230 = arith.constant 8 : i32
      %add3A_231 = arith.addi %mul3A_2, %add3A_182 : i32
      %mul3A_232 = arith.constant 8 : i32
      %mul3A_233 = arith.muli %add3A_231, %mul3A_232 : i32
      %dma_start3A_234 = arith.constant 0 : i32
      %dma_start3A_235 = tpu.memref_slice %arg6[%mul3A_233, %dma_start3A_234] : memref<65536x256xf32, #tpu.memory_space<hbm>> -> memref<8x256xf32, #tpu.memory_space<hbm>>
      %dma_start3A_236 = arith.constant 0 : i32
      %dma_start3A_237 = tpu.memref_slice %arg6[%mul3A_233, %dma_start3A_236] : memref<65536x256xf32, #tpu.memory_space<hbm>> -> memref<8x256xf32, #tpu.memory_space<hbm>>
      tpu.enqueue_dma source(%arg15 : memref<8x256xf32, #tpu.memory_space<vmem>>) target(%dma_start3A_237 : memref<8x256xf32, #tpu.memory_space<hbm>>) target_semaphore(%arg24 : memref<!tpu.dma_semaphore, #tpu.memory_space<semaphore_mem>>)
      %mul3A_238 = arith.constant 4 : i32
      %mul3A_239 = arith.muli %mul3A_238, %scan3A_123 : i32
      %add3A_240 = arith.constant 2 : i32
      %add3A_241 = arith.addi %mul3A_239, %add3A_240 : i32
      %dma_wait3A_242 = arith.constant 0 : i32
      %dma_wait3A_243 = arith.constant 0 : i32
      %dma_wait3A_244 = tpu.memref_slice %arg12[%dma_wait3A_242, %dma_wait3A_243] : memref<168x128xf32, #tpu.memory_space<vmem>> -> memref<168x128xf32, #tpu.memory_space<vmem>>
      %dma_wait3A_245 = arith.constant 0 : i32
      %dma_wait3A_246 = tpu.memref_slice %arg8[%dma_wait3A_245] : memref<11264xi32, #tpu.memory_space<vmem>> -> memref<168xi32, #tpu.memory_space<vmem>>
      %dma_wait3A_247 = arith.constant 0 : i32
      %dma_wait3A_248 = arith.constant 0 : i32
      %dma_wait3A_249 = tpu.memref_slice %arg4[%dma_wait3A_247, %dma_wait3A_248] : memref<100000x128xf32, #tpu.memory_space<hbm>> -> memref<100000x128xf32, #tpu.memory_space<hbm>>
      tpu.wait_indirect_dma semaphore(%arg21 : memref<!tpu.dma_semaphore, #tpu.memory_space<semaphore_mem>>) src(%dma_wait3A_249 : memref<100000x128xf32, #tpu.memory_space<hbm>>) dst(%dma_wait3A_244 : memref<168x128xf32, #tpu.memory_space<vmem>>)
      %add3A_250 = arith.constant 3 : i32
      %add3A_251 = arith.addi %add3A_241, %add3A_250 : i32
      %rem3A_252 = arith.constant 64 : i32
      %rem3A_253 = arith.remsi %add3A_251, %rem3A_252 : i32
      %div3A_254 = arith.constant 64 : i32
      %div3A_255 = arith.divsi %add3A_251, %div3A_254 : i32
      %eq3A_256 = arith.constant 0 : i32
      %eq3A_257 = arith.cmpi eq, %rem3A_253, %eq3A_256 : i32
      %lt3A_258 = arith.constant 256 : i32
      %lt3A_259 = arith.cmpi slt, %add3A_251, %lt3A_258 : i32
      %and3A_260 = arith.andi %eq3A_257, %lt3A_259 : i1
      %convert_element_type3A_261 = arith.extui %and3A_260 : i1 to i32
      %cond3A_262 = arith.constant 0 : i32
      %cond3A_263 = arith.cmpi ne, %convert_element_type3A_261, %cond3A_262 : i32
      scf.if %cond3A_263 {
        %dma_wait3A_356 = arith.constant 0 : i32
        %dma_wait3A_357 = tpu.memref_slice %arg2[%dma_wait3A_356] : memref<1441792xi32, #tpu.memory_space<hbm>> -> memref<11264xi32, #tpu.memory_space<hbm>>
        %dma_wait3A_358 = arith.constant 0 : i32
        %dma_wait3A_359 = tpu.memref_slice %arg2[%dma_wait3A_358] : memref<1441792xi32, #tpu.memory_space<hbm>> -> memref<11264xi32, #tpu.memory_space<hbm>>
        tpu.wait_dma2 semaphore(%arg27 : memref<!tpu.dma_semaphore, #tpu.memory_space<semaphore_mem>>) src(%dma_wait3A_359 : memref<11264xi32, #tpu.memory_space<hbm>>) dst(%arg8 : memref<11264xi32, #tpu.memory_space<vmem>>)
      } else {
      }
      %lt3A_264 = arith.constant 256 : i32
      %lt3A_265 = arith.cmpi slt, %add3A_251, %lt3A_264 : i32
      %convert_element_type3A_266 = arith.extui %lt3A_265 : i1 to i32
      %cond3A_267 = arith.constant 0 : i32
      %cond3A_268 = arith.cmpi ne, %convert_element_type3A_266, %cond3A_267 : i32
      scf.if %cond3A_268 {
        %rem3A_356 = arith.constant 64 : i32
        %rem3A_357 = arith.remsi %add3A_251, %rem3A_356 : i32
        %mul3A_358 = arith.constant 176 : i32
        %mul3A_359 = arith.muli %rem3A_357, %mul3A_358 : i32
        %div3A_360 = arith.constant 64 : i32
        %div3A_361 = arith.divsi %add3A_251, %div3A_360 : i32
        %rem3A_362 = arith.constant 2 : i32
        %rem3A_363 = arith.remsi %div3A_361, %rem3A_362 : i32
        %eq3A_364 = arith.constant 0 : i32
        %eq3A_365 = arith.cmpi eq, %rem3A_363, %eq3A_364 : i32
        %convert_element_type3A_366 = arith.extui %eq3A_365 : i1 to i32
        %cond3A_367 = arith.constant 0 : i32
        %cond3A_368 = arith.cmpi ne, %convert_element_type3A_366, %cond3A_367 : i32
        scf.if %cond3A_368 {
          %dma_start3A_374 = arith.constant 0 : i32
          %dma_start3A_375 = arith.constant 0 : i32
          %dma_start3A_376 = tpu.memref_slice %arg11[%dma_start3A_374, %dma_start3A_375] : memref<168x128xf32, #tpu.memory_space<vmem>> -> memref<168x128xf32, #tpu.memory_space<vmem>>
          %dma_start3A_377 = tpu.memref_slice %arg8[%mul3A_359] : memref<11264xi32, #tpu.memory_space<vmem>> -> memref<168xi32, #tpu.memory_space<vmem>>
          %dma_start3A_378 = arith.constant 0 : i32
          %dma_start3A_379 = arith.constant 0 : i32
          %dma_start3A_380 = tpu.memref_slice %arg4[%dma_start3A_378, %dma_start3A_379] : memref<100000x128xf32, #tpu.memory_space<hbm>> -> memref<100000x128xf32, #tpu.memory_space<hbm>>
          tpu.enqueue_indirect_dma source(%dma_start3A_380 : memref<100000x128xf32, #tpu.memory_space<hbm>>) target(%dma_start3A_376 : memref<168x128xf32, #tpu.memory_space<vmem>>) offsets(%dma_start3A_377 : memref<168xi32, #tpu.memory_space<vmem>>) semaphore(%arg20 : memref<!tpu.dma_semaphore, #tpu.memory_space<semaphore_mem>>)
        } else {
        }
        %eq3A_369 = arith.constant 1 : i32
        %eq3A_370 = arith.cmpi eq, %rem3A_363, %eq3A_369 : i32
        %convert_element_type3A_371 = arith.extui %eq3A_370 : i1 to i32
        %cond3A_372 = arith.constant 0 : i32
        %cond3A_373 = arith.cmpi ne, %convert_element_type3A_371, %cond3A_372 : i32
        scf.if %cond3A_373 {
          %dma_start3A_374 = arith.constant 0 : i32
          %dma_start3A_375 = arith.constant 0 : i32
          %dma_start3A_376 = tpu.memref_slice %arg11[%dma_start3A_374, %dma_start3A_375] : memref<168x128xf32, #tpu.memory_space<vmem>> -> memref<168x128xf32, #tpu.memory_space<vmem>>
          %dma_start3A_377 = tpu.memref_slice %arg9[%mul3A_359] : memref<11264xi32, #tpu.memory_space<vmem>> -> memref<168xi32, #tpu.memory_space<vmem>>
          %dma_start3A_378 = arith.constant 0 : i32
          %dma_start3A_379 = arith.constant 0 : i32
          %dma_start3A_380 = tpu.memref_slice %arg4[%dma_start3A_378, %dma_start3A_379] : memref<100000x128xf32, #tpu.memory_space<hbm>> -> memref<100000x128xf32, #tpu.memory_space<hbm>>
          tpu.enqueue_indirect_dma source(%dma_start3A_380 : memref<100000x128xf32, #tpu.memory_space<hbm>>) target(%dma_start3A_376 : memref<168x128xf32, #tpu.memory_space<vmem>>) offsets(%dma_start3A_377 : memref<168xi32, #tpu.memory_space<vmem>>) semaphore(%arg20 : memref<!tpu.dma_semaphore, #tpu.memory_space<semaphore_mem>>)
        } else {
        }
      } else {
      }
      %eq3A_269 = arith.constant 2 : i32
      %eq3A_270 = arith.cmpi eq, %rem3A_253, %eq3A_269 : i32
      %add3A_271 = arith.constant 1 : i32
      %add3A_272 = arith.addi %div3A_255, %add3A_271 : i32
      %le3A_273 = arith.constant 3 : i32
      %le3A_274 = arith.cmpi sle, %add3A_272, %le3A_273 : i32
      %and3A_275 = arith.andi %eq3A_270, %le3A_274 : i1
      %convert_element_type3A_276 = arith.extui %and3A_275 : i1 to i32
      %cond3A_277 = arith.constant 0 : i32
      %cond3A_278 = arith.cmpi ne, %convert_element_type3A_276, %cond3A_277 : i32
      scf.if %cond3A_278 {
        %add3A_356 = arith.constant 1 : i32
        %add3A_357 = arith.addi %div3A_255, %add3A_356 : i32
        %rem3A_358 = arith.constant 2 : i32
        %rem3A_359 = arith.remsi %add3A_357, %rem3A_358 : i32
        %eq3A_360 = arith.constant 0 : i32
        %eq3A_361 = arith.cmpi eq, %rem3A_359, %eq3A_360 : i32
        %convert_element_type3A_362 = arith.extui %eq3A_361 : i1 to i32
        %cond3A_363 = arith.constant 0 : i32
        %cond3A_364 = arith.cmpi ne, %convert_element_type3A_362, %cond3A_363 : i32
        scf.if %cond3A_364 {
          %add3A_374 = arith.constant 1 : i32
          %add3A_375 = arith.addi %div3A_255, %add3A_374 : i32
          %mul3A_376 = arith.constant 11264 : i32
          %mul3A_377 = arith.muli %add3A_375, %mul3A_376 : i32
          %add3A_378 = arith.addi %mul3A_4, %mul3A_377 : i32
          %dma_start3A_379 = tpu.memref_slice %arg2[%add3A_378] : memref<1441792xi32, #tpu.memory_space<hbm>> -> memref<11264xi32, #tpu.memory_space<hbm>>
          %dma_start3A_380 = tpu.memref_slice %arg2[%add3A_378] : memref<1441792xi32, #tpu.memory_space<hbm>> -> memref<11264xi32, #tpu.memory_space<hbm>>
          tpu.enqueue_dma source(%dma_start3A_380 : memref<11264xi32, #tpu.memory_space<hbm>>) target(%arg8 : memref<11264xi32, #tpu.memory_space<vmem>>) target_semaphore(%arg27 : memref<!tpu.dma_semaphore, #tpu.memory_space<semaphore_mem>>)
        } else {
        }
        %add3A_365 = arith.constant 1 : i32
        %add3A_366 = arith.addi %div3A_255, %add3A_365 : i32
        %rem3A_367 = arith.constant 2 : i32
        %rem3A_368 = arith.remsi %add3A_366, %rem3A_367 : i32
        %eq3A_369 = arith.constant 1 : i32
        %eq3A_370 = arith.cmpi eq, %rem3A_368, %eq3A_369 : i32
        %convert_element_type3A_371 = arith.extui %eq3A_370 : i1 to i32
        %cond3A_372 = arith.constant 0 : i32
        %cond3A_373 = arith.cmpi ne, %convert_element_type3A_371, %cond3A_372 : i32
        scf.if %cond3A_373 {
          %add3A_374 = arith.constant 1 : i32
          %add3A_375 = arith.addi %div3A_255, %add3A_374 : i32
          %mul3A_376 = arith.constant 11264 : i32
          %mul3A_377 = arith.muli %add3A_375, %mul3A_376 : i32
          %add3A_378 = arith.addi %mul3A_4, %mul3A_377 : i32
          %dma_start3A_379 = tpu.memref_slice %arg2[%add3A_378] : memref<1441792xi32, #tpu.memory_space<hbm>> -> memref<11264xi32, #tpu.memory_space<hbm>>
          %dma_start3A_380 = tpu.memref_slice %arg2[%add3A_378] : memref<1441792xi32, #tpu.memory_space<hbm>> -> memref<11264xi32, #tpu.memory_space<hbm>>
          tpu.enqueue_dma source(%dma_start3A_380 : memref<11264xi32, #tpu.memory_space<hbm>>) target(%arg9 : memref<11264xi32, #tpu.memory_space<vmem>>) target_semaphore(%arg27 : memref<!tpu.dma_semaphore, #tpu.memory_space<semaphore_mem>>)
        } else {
        }
      } else {
      }
      %gt3A_279 = arith.constant 0 : i32
      %gt3A_280 = arith.cmpi sgt, %scan3A_123, %gt3A_279 : i32
      %convert_element_type3A_281 = arith.extui %gt3A_280 : i1 to i32
      %cond3A_282 = arith.constant 0 : i32
      %cond3A_283 = arith.cmpi ne, %convert_element_type3A_281, %cond3A_282 : i32
      scf.if %cond3A_283 {
        %dma_wait3A_356 = arith.constant 0 : i32
        %dma_wait3A_357 = arith.constant 0 : i32
        %dma_wait3A_358 = tpu.memref_slice %arg6[%dma_wait3A_356, %dma_wait3A_357] : memref<65536x256xf32, #tpu.memory_space<hbm>> -> memref<8x256xf32, #tpu.memory_space<hbm>>
        %dma_wait3A_359 = arith.constant 0 : i32
        %dma_wait3A_360 = arith.constant 0 : i32
        %dma_wait3A_361 = tpu.memref_slice %arg6[%dma_wait3A_359, %dma_wait3A_360] : memref<65536x256xf32, #tpu.memory_space<hbm>> -> memref<8x256xf32, #tpu.memory_space<hbm>>
        tpu.wait_dma2 semaphore(%arg25 : memref<!tpu.dma_semaphore, #tpu.memory_space<semaphore_mem>>) src(%arg16 : memref<8x256xf32, #tpu.memory_space<vmem>>) dst(%dma_wait3A_361 : memref<8x256xf32, #tpu.memory_space<hbm>>)
      } else {
      }
      %scan3A_284 = arith.constant 0 : i32
      %scan3A_285 = arith.constant 0 : i32
      %scan3A_286 = arith.constant 8 : i32
      %scan3A_287 = arith.addi %scan3A_285, %scan3A_286 : i32
      %scan3A_288 = arith.constant 1 : i32
      scf.for %scan3A_356 = %scan3A_285 to %scan3A_287 step %scan3A_288  : i32 {
        %mul3A_357 = arith.constant 20 : i32
        %mul3A_358 = arith.muli %scan3A_356, %mul3A_357 : i32
        %get3A = arith.index_cast %mul3A_358 : i32 to index
        %get3A_359 = arith.constant 0 : index
        %get3A_360 = tpu.vector_load %arg12[%get3A, %get3A_359] {strides = array<i32>} : memref<168x128xf32, #tpu.memory_space<vmem>>, vector<1x16xf32>,
        %get3A_361 = vector.shape_cast %get3A_360 : vector<1x16xf32> to vector<16xf32>
        %get3A_362 = arith.index_cast %mul3A_358 : i32 to index
        %get3A_363 = arith.constant 16 : index
        %get3A_364 = tpu.vector_load %arg12[%get3A_362, %get3A_363] {strides = array<i32>} : memref<168x128xf32, #tpu.memory_space<vmem>>, vector<1x16xf32>,
        %get3A_365 = vector.shape_cast %get3A_364 : vector<1x16xf32> to vector<16xf32>
        %get3A_366 = arith.index_cast %mul3A_358 : i32 to index
        %get3A_367 = arith.constant 32 : index
        %get3A_368 = tpu.vector_load %arg12[%get3A_366, %get3A_367] {strides = array<i32>} : memref<168x128xf32, #tpu.memory_space<vmem>>, vector<1x16xf32>,
        %get3A_369 = vector.shape_cast %get3A_368 : vector<1x16xf32> to vector<16xf32>
        %get3A_370 = arith.index_cast %mul3A_358 : i32 to index
        %get3A_371 = arith.constant 48 : index
        %get3A_372 = tpu.vector_load %arg12[%get3A_370, %get3A_371] {strides = array<i32>} : memref<168x128xf32, #tpu.memory_space<vmem>>, vector<1x16xf32>,
        %get3A_373 = vector.shape_cast %get3A_372 : vector<1x16xf32> to vector<16xf32>
        %get3A_374 = arith.index_cast %mul3A_358 : i32 to index
        %get3A_375 = arith.constant 64 : index
        %get3A_376 = tpu.vector_load %arg12[%get3A_374, %get3A_375] {strides = array<i32>} : memref<168x128xf32, #tpu.memory_space<vmem>>, vector<1x16xf32>,
        %get3A_377 = vector.shape_cast %get3A_376 : vector<1x16xf32> to vector<16xf32>
        %get3A_378 = arith.index_cast %mul3A_358 : i32 to index
        %get3A_379 = arith.constant 80 : index
        %get3A_380 = tpu.vector_load %arg12[%get3A_378, %get3A_379] {strides = array<i32>} : memref<168x128xf32, #tpu.memory_space<vmem>>, vector<1x16xf32>,
        %get3A_381 = vector.shape_cast %get3A_380 : vector<1x16xf32> to vector<16xf32>
        %get3A_382 = arith.index_cast %mul3A_358 : i32 to index
        %get3A_383 = arith.constant 96 : index
        %get3A_384 = tpu.vector_load %arg12[%get3A_382, %get3A_383] {strides = array<i32>} : memref<168x128xf32, #tpu.memory_space<vmem>>, vector<1x16xf32>,
        %get3A_385 = vector.shape_cast %get3A_384 : vector<1x16xf32> to vector<16xf32>
        %get3A_386 = arith.index_cast %mul3A_358 : i32 to index
        %get3A_387 = arith.constant 112 : index
        %get3A_388 = tpu.vector_load %arg12[%get3A_386, %get3A_387] {strides = array<i32>} : memref<168x128xf32, #tpu.memory_space<vmem>>, vector<1x16xf32>,
        %get3A_389 = vector.shape_cast %get3A_388 : vector<1x16xf32> to vector<16xf32>
        %scan3A_390 = arith.constant 0 : i32
        %scan3A_391 = arith.constant 9 : i32
        %scan3A_392 = arith.addi %scan3A_390, %scan3A_391 : i32
        %scan3A_393 = arith.constant 1 : i32
        %scan3A_394:8 = scf.for %scan3A_579 = %scan3A_390 to %scan3A_392 step %scan3A_393 iter_args(%scan3A_580 = %get3A_361, %scan3A_581 = %get3A_365, %scan3A_582 = %get3A_369, %scan3A_583 = %get3A_373, %scan3A_584 = %get3A_377, %scan3A_585 = %get3A_381, %scan3A_586 = %get3A_385, %scan3A_587 = %get3A_389) -> (vector<16xf32>, vector<16xf32>, vector<16xf32>, vector<16xf32>, vector<16xf32>, vector<16xf32>, vector<16xf32>, vector<16xf32>)  : i32 {
          %mul3A_588 = arith.constant 2 : i32
          %mul3A_589 = arith.muli %mul3A_588, %scan3A_579 : i32
          %add3A_590 = arith.addi %mul3A_358, %mul3A_589 : i32
          %add3A_591 = arith.constant 1 : i32
          %add3A_592 = arith.addi %add3A_590, %add3A_591 : i32
          %get3A_593 = arith.index_cast %add3A_592 : i32 to index
          %get3A_594 = arith.constant 0 : index
          %get3A_595 = tpu.vector_load %arg12[%get3A_593, %get3A_594] {strides = array<i32>} : memref<168x128xf32, #tpu.memory_space<vmem>>, vector<1x16xf32>,
          %get3A_596 = vector.shape_cast %get3A_595 : vector<1x16xf32> to vector<16xf32>
          %add3A_597 = arith.addf %scan3A_580, %get3A_596 : vector<16xf32>
          %mul3A_598 = arith.constant 2 : i32
          %mul3A_599 = arith.muli %mul3A_598, %scan3A_579 : i32
          %add3A_600 = arith.addi %mul3A_358, %mul3A_599 : i32
          %add3A_601 = arith.constant 1 : i32
          %add3A_602 = arith.addi %add3A_600, %add3A_601 : i32
          %get3A_603 = arith.index_cast %add3A_602 : i32 to index
          %get3A_604 = arith.constant 16 : index
          %get3A_605 = tpu.vector_load %arg12[%get3A_603, %get3A_604] {strides = array<i32>} : memref<168x128xf32, #tpu.memory_space<vmem>>, vector<1x16xf32>,
          %get3A_606 = vector.shape_cast %get3A_605 : vector<1x16xf32> to vector<16xf32>
          %add3A_607 = arith.addf %scan3A_581, %get3A_606 : vector<16xf32>
          %mul3A_608 = arith.constant 2 : i32
          %mul3A_609 = arith.muli %mul3A_608, %scan3A_579 : i32
          %add3A_610 = arith.addi %mul3A_358, %mul3A_609 : i32
          %add3A_611 = arith.constant 1 : i32
          %add3A_612 = arith.addi %add3A_610, %add3A_611 : i32
          %get3A_613 = arith.index_cast %add3A_612 : i32 to index
          %get3A_614 = arith.constant 32 : index
          %get3A_615 = tpu.vector_load %arg12[%get3A_613, %get3A_614] {strides = array<i32>} : memref<168x128xf32, #tpu.memory_space<vmem>>, vector<1x16xf32>,
          %get3A_616 = vector.shape_cast %get3A_615 : vector<1x16xf32> to vector<16xf32>
          %add3A_617 = arith.addf %scan3A_582, %get3A_616 : vector<16xf32>
          %mul3A_618 = arith.constant 2 : i32
          %mul3A_619 = arith.muli %mul3A_618, %scan3A_579 : i32
          %add3A_620 = arith.addi %mul3A_358, %mul3A_619 : i32
          %add3A_621 = arith.constant 1 : i32
          %add3A_622 = arith.addi %add3A_620, %add3A_621 : i32
          %get3A_623 = arith.index_cast %add3A_622 : i32 to index
          %get3A_624 = arith.constant 48 : index
          %get3A_625 = tpu.vector_load %arg12[%get3A_623, %get3A_624] {strides = array<i32>} : memref<168x128xf32, #tpu.memory_space<vmem>>, vector<1x16xf32>,
          %get3A_626 = vector.shape_cast %get3A_625 : vector<1x16xf32> to vector<16xf32>
          %add3A_627 = arith.addf %scan3A_583, %get3A_626 : vector<16xf32>
          %mul3A_628 = arith.constant 2 : i32
          %mul3A_629 = arith.muli %mul3A_628, %scan3A_579 : i32
          %add3A_630 = arith.addi %mul3A_358, %mul3A_629 : i32
          %add3A_631 = arith.constant 1 : i32
          %add3A_632 = arith.addi %add3A_630, %add3A_631 : i32
          %get3A_633 = arith.index_cast %add3A_632 : i32 to index
          %get3A_634 = arith.constant 64 : index
          %get3A_635 = tpu.vector_load %arg12[%get3A_633, %get3A_634] {strides = array<i32>} : memref<168x128xf32, #tpu.memory_space<vmem>>, vector<1x16xf32>,
          %get3A_636 = vector.shape_cast %get3A_635 : vector<1x16xf32> to vector<16xf32>
          %add3A_637 = arith.addf %scan3A_584, %get3A_636 : vector<16xf32>
          %mul3A_638 = arith.constant 2 : i32
          %mul3A_639 = arith.muli %mul3A_638, %scan3A_579 : i32
          %add3A_640 = arith.addi %mul3A_358, %mul3A_639 : i32
          %add3A_641 = arith.constant 1 : i32
          %add3A_642 = arith.addi %add3A_640, %add3A_641 : i32
          %get3A_643 = arith.index_cast %add3A_642 : i32 to index
          %get3A_644 = arith.constant 80 : index
          %get3A_645 = tpu.vector_load %arg12[%get3A_643, %get3A_644] {strides = array<i32>} : memref<168x128xf32, #tpu.memory_space<vmem>>, vector<1x16xf32>,
          %get3A_646 = vector.shape_cast %get3A_645 : vector<1x16xf32> to vector<16xf32>
          %add3A_647 = arith.addf %scan3A_585, %get3A_646 : vector<16xf32>
          %mul3A_648 = arith.constant 2 : i32
          %mul3A_649 = arith.muli %mul3A_648, %scan3A_579 : i32
          %add3A_650 = arith.addi %mul3A_358, %mul3A_649 : i32
          %add3A_651 = arith.constant 1 : i32
          %add3A_652 = arith.addi %add3A_650, %add3A_651 : i32
          %get3A_653 = arith.index_cast %add3A_652 : i32 to index
          %get3A_654 = arith.constant 96 : index
          %get3A_655 = tpu.vector_load %arg12[%get3A_653, %get3A_654] {strides = array<i32>} : memref<168x128xf32, #tpu.memory_space<vmem>>, vector<1x16xf32>,
          %get3A_656 = vector.shape_cast %get3A_655 : vector<1x16xf32> to vector<16xf32>
          %add3A_657 = arith.addf %scan3A_586, %get3A_656 : vector<16xf32>
          %mul3A_658 = arith.constant 2 : i32
          %mul3A_659 = arith.muli %mul3A_658, %scan3A_579 : i32
          %add3A_660 = arith.addi %mul3A_358, %mul3A_659 : i32
          %add3A_661 = arith.constant 1 : i32
          %add3A_662 = arith.addi %add3A_660, %add3A_661 : i32
          %get3A_663 = arith.index_cast %add3A_662 : i32 to index
          %get3A_664 = arith.constant 112 : index
          %get3A_665 = tpu.vector_load %arg12[%get3A_663, %get3A_664] {strides = array<i32>} : memref<168x128xf32, #tpu.memory_space<vmem>>, vector<1x16xf32>,
          %get3A_666 = vector.shape_cast %get3A_665 : vector<1x16xf32> to vector<16xf32>
          %add3A_667 = arith.addf %scan3A_587, %get3A_666 : vector<16xf32>
          %mul3A_668 = arith.constant 2 : i32
          %mul3A_669 = arith.muli %mul3A_668, %scan3A_579 : i32
          %add3A_670 = arith.addi %mul3A_358, %mul3A_669 : i32
          %add3A_671 = arith.constant 2 : i32
          %add3A_672 = arith.addi %add3A_670, %add3A_671 : i32
          %get3A_673 = arith.index_cast %add3A_672 : i32 to index
          %get3A_674 = arith.constant 0 : index
          %get3A_675 = tpu.vector_load %arg12[%get3A_673, %get3A_674] {strides = array<i32>} : memref<168x128xf32, #tpu.memory_space<vmem>>, vector<1x16xf32>,
          %get3A_676 = vector.shape_cast %get3A_675 : vector<1x16xf32> to vector<16xf32>
          %add3A_677 = arith.addf %add3A_597, %get3A_676 : vector<16xf32>
          %mul3A_678 = arith.constant 2 : i32
          %mul3A_679 = arith.muli %mul3A_678, %scan3A_579 : i32
          %add3A_680 = arith.addi %mul3A_358, %mul3A_679 : i32
          %add3A_681 = arith.constant 2 : i32
          %add3A_682 = arith.addi %add3A_680, %add3A_681 : i32
          %get3A_683 = arith.index_cast %add3A_682 : i32 to index
          %get3A_684 = arith.constant 16 : index
          %get3A_685 = tpu.vector_load %arg12[%get3A_683, %get3A_684] {strides = array<i32>} : memref<168x128xf32, #tpu.memory_space<vmem>>, vector<1x16xf32>,
          %get3A_686 = vector.shape_cast %get3A_685 : vector<1x16xf32> to vector<16xf32>
          %add3A_687 = arith.addf %add3A_607, %get3A_686 : vector<16xf32>
          %mul3A_688 = arith.constant 2 : i32
          %mul3A_689 = arith.muli %mul3A_688, %scan3A_579 : i32
          %add3A_690 = arith.addi %mul3A_358, %mul3A_689 : i32
          %add3A_691 = arith.constant 2 : i32
          %add3A_692 = arith.addi %add3A_690, %add3A_691 : i32
          %get3A_693 = arith.index_cast %add3A_692 : i32 to index
          %get3A_694 = arith.constant 32 : index
          %get3A_695 = tpu.vector_load %arg12[%get3A_693, %get3A_694] {strides = array<i32>} : memref<168x128xf32, #tpu.memory_space<vmem>>, vector<1x16xf32>,
          %get3A_696 = vector.shape_cast %get3A_695 : vector<1x16xf32> to vector<16xf32>
          %add3A_697 = arith.addf %add3A_617, %get3A_696 : vector<16xf32>
          %mul3A_698 = arith.constant 2 : i32
          %mul3A_699 = arith.muli %mul3A_698, %scan3A_579 : i32
          %add3A_700 = arith.addi %mul3A_358, %mul3A_699 : i32
          %add3A_701 = arith.constant 2 : i32
          %add3A_702 = arith.addi %add3A_700, %add3A_701 : i32
          %get3A_703 = arith.index_cast %add3A_702 : i32 to index
          %get3A_704 = arith.constant 48 : index
          %get3A_705 = tpu.vector_load %arg12[%get3A_703, %get3A_704] {strides = array<i32>} : memref<168x128xf32, #tpu.memory_space<vmem>>, vector<1x16xf32>,
          %get3A_706 = vector.shape_cast %get3A_705 : vector<1x16xf32> to vector<16xf32>
          %add3A_707 = arith.addf %add3A_627, %get3A_706 : vector<16xf32>
          %mul3A_708 = arith.constant 2 : i32
          %mul3A_709 = arith.muli %mul3A_708, %scan3A_579 : i32
          %add3A_710 = arith.addi %mul3A_358, %mul3A_709 : i32
          %add3A_711 = arith.constant 2 : i32
          %add3A_712 = arith.addi %add3A_710, %add3A_711 : i32
          %get3A_713 = arith.index_cast %add3A_712 : i32 to index
          %get3A_714 = arith.constant 64 : index
          %get3A_715 = tpu.vector_load %arg12[%get3A_713, %get3A_714] {strides = array<i32>} : memref<168x128xf32, #tpu.memory_space<vmem>>, vector<1x16xf32>,
          %get3A_716 = vector.shape_cast %get3A_715 : vector<1x16xf32> to vector<16xf32>
          %add3A_717 = arith.addf %add3A_637, %get3A_716 : vector<16xf32>
          %mul3A_718 = arith.constant 2 : i32
          %mul3A_719 = arith.muli %mul3A_718, %scan3A_579 : i32
          %add3A_720 = arith.addi %mul3A_358, %mul3A_719 : i32
          %add3A_721 = arith.constant 2 : i32
          %add3A_722 = arith.addi %add3A_720, %add3A_721 : i32
          %get3A_723 = arith.index_cast %add3A_722 : i32 to index
          %get3A_724 = arith.constant 80 : index
          %get3A_725 = tpu.vector_load %arg12[%get3A_723, %get3A_724] {strides = array<i32>} : memref<168x128xf32, #tpu.memory_space<vmem>>, vector<1x16xf32>,
          %get3A_726 = vector.shape_cast %get3A_725 : vector<1x16xf32> to vector<16xf32>
          %add3A_727 = arith.addf %add3A_647, %get3A_726 : vector<16xf32>
          %mul3A_728 = arith.constant 2 : i32
          %mul3A_729 = arith.muli %mul3A_728, %scan3A_579 : i32
          %add3A_730 = arith.addi %mul3A_358, %mul3A_729 : i32
          %add3A_731 = arith.constant 2 : i32
          %add3A_732 = arith.addi %add3A_730, %add3A_731 : i32
          %get3A_733 = arith.index_cast %add3A_732 : i32 to index
          %get3A_734 = arith.constant 96 : index
          %get3A_735 = tpu.vector_load %arg12[%get3A_733, %get3A_734] {strides = array<i32>} : memref<168x128xf32, #tpu.memory_space<vmem>>, vector<1x16xf32>,
          %get3A_736 = vector.shape_cast %get3A_735 : vector<1x16xf32> to vector<16xf32>
          %add3A_737 = arith.addf %add3A_657, %get3A_736 : vector<16xf32>
          %mul3A_738 = arith.constant 2 : i32
          %mul3A_739 = arith.muli %mul3A_738, %scan3A_579 : i32
          %add3A_740 = arith.addi %mul3A_358, %mul3A_739 : i32
          %add3A_741 = arith.constant 2 : i32
          %add3A_742 = arith.addi %add3A_740, %add3A_741 : i32
          %get3A_743 = arith.index_cast %add3A_742 : i32 to index
          %get3A_744 = arith.constant 112 : index
          %get3A_745 = tpu.vector_load %arg12[%get3A_743, %get3A_744] {strides = array<i32>} : memref<168x128xf32, #tpu.memory_space<vmem>>, vector<1x16xf32>,
          %get3A_746 = vector.shape_cast %get3A_745 : vector<1x16xf32> to vector<16xf32>
          %add3A_747 = arith.addf %add3A_667, %get3A_746 : vector<16xf32>
          scf.yield %add3A_677, %add3A_687, %add3A_697, %add3A_707, %add3A_717, %add3A_727, %add3A_737, %add3A_747 : vector<16xf32>, vector<16xf32>, vector<16xf32>, vector<16xf32>, vector<16xf32>, vector<16xf32>, vector<16xf32>, vector<16xf32>
        }
        %scan3A_395 = arith.constant 9 : i32
        %add3A_396 = arith.constant 19 : i32
        %add3A_397 = arith.addi %mul3A_358, %add3A_396 : i32
        %get3A_398 = arith.index_cast %add3A_397 : i32 to index
        %get3A_399 = arith.constant 0 : index
        %get3A_400 = tpu.vector_load %arg12[%get3A_398, %get3A_399] {strides = array<i32>} : memref<168x128xf32, #tpu.memory_space<vmem>>, vector<1x16xf32>,
        %get3A_401 = vector.shape_cast %get3A_400 : vector<1x16xf32> to vector<16xf32>
        %add3A_402 = arith.addf %scan3A_394#0, %get3A_401 : vector<16xf32>
        %add3A_403 = arith.constant 19 : i32
        %add3A_404 = arith.addi %mul3A_358, %add3A_403 : i32
        %get3A_405 = arith.index_cast %add3A_404 : i32 to index
        %get3A_406 = arith.constant 16 : index
        %get3A_407 = tpu.vector_load %arg12[%get3A_405, %get3A_406] {strides = array<i32>} : memref<168x128xf32, #tpu.memory_space<vmem>>, vector<1x16xf32>,
        %get3A_408 = vector.shape_cast %get3A_407 : vector<1x16xf32> to vector<16xf32>
        %add3A_409 = arith.addf %scan3A_394#1, %get3A_408 : vector<16xf32>
        %add3A_410 = arith.constant 19 : i32
        %add3A_411 = arith.addi %mul3A_358, %add3A_410 : i32
        %get3A_412 = arith.index_cast %add3A_411 : i32 to index
        %get3A_413 = arith.constant 32 : index
        %get3A_414 = tpu.vector_load %arg12[%get3A_412, %get3A_413] {strides = array<i32>} : memref<168x128xf32, #tpu.memory_space<vmem>>, vector<1x16xf32>,
        %get3A_415 = vector.shape_cast %get3A_414 : vector<1x16xf32> to vector<16xf32>
        %add3A_416 = arith.addf %scan3A_394#2, %get3A_415 : vector<16xf32>
        %add3A_417 = arith.constant 19 : i32
        %add3A_418 = arith.addi %mul3A_358, %add3A_417 : i32
        %get3A_419 = arith.index_cast %add3A_418 : i32 to index
        %get3A_420 = arith.constant 48 : index
        %get3A_421 = tpu.vector_load %arg12[%get3A_419, %get3A_420] {strides = array<i32>} : memref<168x128xf32, #tpu.memory_space<vmem>>, vector<1x16xf32>,
        %get3A_422 = vector.shape_cast %get3A_421 : vector<1x16xf32> to vector<16xf32>
        %add3A_423 = arith.addf %scan3A_394#3, %get3A_422 : vector<16xf32>
        %add3A_424 = arith.constant 19 : i32
        %add3A_425 = arith.addi %mul3A_358, %add3A_424 : i32
        %get3A_426 = arith.index_cast %add3A_425 : i32 to index
        %get3A_427 = arith.constant 64 : index
        %get3A_428 = tpu.vector_load %arg12[%get3A_426, %get3A_427] {strides = array<i32>} : memref<168x128xf32, #tpu.memory_space<vmem>>, vector<1x16xf32>,
        %get3A_429 = vector.shape_cast %get3A_428 : vector<1x16xf32> to vector<16xf32>
        %add3A_430 = arith.addf %scan3A_394#4, %get3A_429 : vector<16xf32>
        %add3A_431 = arith.constant 19 : i32
        %add3A_432 = arith.addi %mul3A_358, %add3A_431 : i32
        %get3A_433 = arith.index_cast %add3A_432 : i32 to index
        %get3A_434 = arith.constant 80 : index
        %get3A_435 = tpu.vector_load %arg12[%get3A_433, %get3A_434] {strides = array<i32>} : memref<168x128xf32, #tpu.memory_space<vmem>>, vector<1x16xf32>,
        %get3A_436 = vector.shape_cast %get3A_435 : vector<1x16xf32> to vector<16xf32>
        %add3A_437 = arith.addf %scan3A_394#5, %get3A_436 : vector<16xf32>
        %add3A_438 = arith.constant 19 : i32
        %add3A_439 = arith.addi %mul3A_358, %add3A_438 : i32
        %get3A_440 = arith.index_cast %add3A_439 : i32 to index
        %get3A_441 = arith.constant 96 : index
        %get3A_442 = tpu.vector_load %arg12[%get3A_440, %get3A_441] {strides = array<i32>} : memref<168x128xf32, #tpu.memory_space<vmem>>, vector<1x16xf32>,
        %get3A_443 = vector.shape_cast %get3A_442 : vector<1x16xf32> to vector<16xf32>
        %add3A_444 = arith.addf %scan3A_394#6, %get3A_443 : vector<16xf32>
        %add3A_445 = arith.constant 19 : i32
        %add3A_446 = arith.addi %mul3A_358, %add3A_445 : i32
        %get3A_447 = arith.index_cast %add3A_446 : i32 to index
        %get3A_448 = arith.constant 112 : index
        %get3A_449 = tpu.vector_load %arg12[%get3A_447, %get3A_448] {strides = array<i32>} : memref<168x128xf32, #tpu.memory_space<vmem>>, vector<1x16xf32>,
        %get3A_450 = vector.shape_cast %get3A_449 : vector<1x16xf32> to vector<16xf32>
        %add3A_451 = arith.addf %scan3A_394#7, %get3A_450 : vector<16xf32>
        %swap3A = arith.index_cast %scan3A_356 : i32 to index
        %swap3A_452 = arith.constant 128 : index
        %swap3A_453 = tpu.vector_load %arg16[%swap3A, %swap3A_452] {strides = array<i32>} : memref<8x256xf32, #tpu.memory_space<vmem>>, vector<1x16xf32>,
        %swap3A_454 = vector.shape_cast %swap3A_453 : vector<1x16xf32> to vector<16xf32>
        %swap3A_455 = vector.shape_cast %add3A_402 : vector<16xf32> to vector<1x16xf32>
        tpu.vector_store %arg16[%swap3A, %swap3A_452], %swap3A_455 {strides = array<i32>} : memref<8x256xf32, #tpu.memory_space<vmem>>, vector<1x16xf32>,
        %add3A_456 = arith.constant 160 : i32
        %add3A_457 = arith.addi %add3A_456, %scan3A_356 : i32
        %get3A_458 = arith.index_cast %add3A_457 : i32 to index
        %get3A_459 = arith.constant 0 : index
        %get3A_460 = tpu.vector_load %arg12[%get3A_458, %get3A_459] {strides = array<i32>} : memref<168x128xf32, #tpu.memory_space<vmem>>, vector<1x16xf32>,
        %get3A_461 = vector.shape_cast %get3A_460 : vector<1x16xf32> to vector<16xf32>
        %swap3A_462 = arith.index_cast %scan3A_356 : i32 to index
        %swap3A_463 = arith.constant 0 : index
        %swap3A_464 = tpu.vector_load %arg16[%swap3A_462, %swap3A_463] {strides = array<i32>} : memref<8x256xf32, #tpu.memory_space<vmem>>, vector<1x16xf32>,
        %swap3A_465 = vector.shape_cast %swap3A_464 : vector<1x16xf32> to vector<16xf32>
        %swap3A_466 = vector.shape_cast %get3A_461 : vector<16xf32> to vector<1x16xf32>
        tpu.vector_store %arg16[%swap3A_462, %swap3A_463], %swap3A_466 {strides = array<i32>} : memref<8x256xf32, #tpu.memory_space<vmem>>, vector<1x16xf32>,
        %swap3A_467 = arith.index_cast %scan3A_356 : i32 to index
        %swap3A_468 = arith.constant 144 : index
        %swap3A_469 = tpu.vector_load %arg16[%swap3A_467, %swap3A_468] {strides = array<i32>} : memref<8x256xf32, #tpu.memory_space<vmem>>, vector<1x16xf32>,
        %swap3A_470 = vector.shape_cast %swap3A_469 : vector<1x16xf32> to vector<16xf32>
        %swap3A_471 = vector.shape_cast %add3A_409 : vector<16xf32> to vector<1x16xf32>
        tpu.vector_store %arg16[%swap3A_467, %swap3A_468], %swap3A_471 {strides = array<i32>} : memref<8x256xf32, #tpu.memory_space<vmem>>, vector<1x16xf32>,
        %add3A_472 = arith.constant 160 : i32
        %add3A_473 = arith.addi %add3A_472, %scan3A_356 : i32
        %get3A_474 = arith.index_cast %add3A_473 : i32 to index
        %get3A_475 = arith.constant 16 : index
        %get3A_476 = tpu.vector_load %arg12[%get3A_474, %get3A_475] {strides = array<i32>} : memref<168x128xf32, #tpu.memory_space<vmem>>, vector<1x16xf32>,
        %get3A_477 = vector.shape_cast %get3A_476 : vector<1x16xf32> to vector<16xf32>
        %swap3A_478 = arith.index_cast %scan3A_356 : i32 to index
        %swap3A_479 = arith.constant 16 : index
        %swap3A_480 = tpu.vector_load %arg16[%swap3A_478, %swap3A_479] {strides = array<i32>} : memref<8x256xf32, #tpu.memory_space<vmem>>, vector<1x16xf32>,
        %swap3A_481 = vector.shape_cast %swap3A_480 : vector<1x16xf32> to vector<16xf32>
        %swap3A_482 = vector.shape_cast %get3A_477 : vector<16xf32> to vector<1x16xf32>
        tpu.vector_store %arg16[%swap3A_478, %swap3A_479], %swap3A_482 {strides = array<i32>} : memref<8x256xf32, #tpu.memory_space<vmem>>, vector<1x16xf32>,
        %swap3A_483 = arith.index_cast %scan3A_356 : i32 to index
        %swap3A_484 = arith.constant 160 : index
        %swap3A_485 = tpu.vector_load %arg16[%swap3A_483, %swap3A_484] {strides = array<i32>} : memref<8x256xf32, #tpu.memory_space<vmem>>, vector<1x16xf32>,
        %swap3A_486 = vector.shape_cast %swap3A_485 : vector<1x16xf32> to vector<16xf32>
        %swap3A_487 = vector.shape_cast %add3A_416 : vector<16xf32> to vector<1x16xf32>
        tpu.vector_store %arg16[%swap3A_483, %swap3A_484], %swap3A_487 {strides = array<i32>} : memref<8x256xf32, #tpu.memory_space<vmem>>, vector<1x16xf32>,
        %add3A_488 = arith.constant 160 : i32
        %add3A_489 = arith.addi %add3A_488, %scan3A_356 : i32
        %get3A_490 = arith.index_cast %add3A_489 : i32 to index
        %get3A_491 = arith.constant 32 : index
        %get3A_492 = tpu.vector_load %arg12[%get3A_490, %get3A_491] {strides = array<i32>} : memref<168x128xf32, #tpu.memory_space<vmem>>, vector<1x16xf32>,
        %get3A_493 = vector.shape_cast %get3A_492 : vector<1x16xf32> to vector<16xf32>
        %swap3A_494 = arith.index_cast %scan3A_356 : i32 to index
        %swap3A_495 = arith.constant 32 : index
        %swap3A_496 = tpu.vector_load %arg16[%swap3A_494, %swap3A_495] {strides = array<i32>} : memref<8x256xf32, #tpu.memory_space<vmem>>, vector<1x16xf32>,
        %swap3A_497 = vector.shape_cast %swap3A_496 : vector<1x16xf32> to vector<16xf32>
        %swap3A_498 = vector.shape_cast %get3A_493 : vector<16xf32> to vector<1x16xf32>
        tpu.vector_store %arg16[%swap3A_494, %swap3A_495], %swap3A_498 {strides = array<i32>} : memref<8x256xf32, #tpu.memory_space<vmem>>, vector<1x16xf32>,
        %swap3A_499 = arith.index_cast %scan3A_356 : i32 to index
        %swap3A_500 = arith.constant 176 : index
        %swap3A_501 = tpu.vector_load %arg16[%swap3A_499, %swap3A_500] {strides = array<i32>} : memref<8x256xf32, #tpu.memory_space<vmem>>, vector<1x16xf32>,
        %swap3A_502 = vector.shape_cast %swap3A_501 : vector<1x16xf32> to vector<16xf32>
        %swap3A_503 = vector.shape_cast %add3A_423 : vector<16xf32> to vector<1x16xf32>
        tpu.vector_store %arg16[%swap3A_499, %swap3A_500], %swap3A_503 {strides = array<i32>} : memref<8x256xf32, #tpu.memory_space<vmem>>, vector<1x16xf32>,
        %add3A_504 = arith.constant 160 : i32
        %add3A_505 = arith.addi %add3A_504, %scan3A_356 : i32
        %get3A_506 = arith.index_cast %add3A_505 : i32 to index
        %get3A_507 = arith.constant 48 : index
        %get3A_508 = tpu.vector_load %arg12[%get3A_506, %get3A_507] {strides = array<i32>} : memref<168x128xf32, #tpu.memory_space<vmem>>, vector<1x16xf32>,
        %get3A_509 = vector.shape_cast %get3A_508 : vector<1x16xf32> to vector<16xf32>
        %swap3A_510 = arith.index_cast %scan3A_356 : i32 to index
        %swap3A_511 = arith.constant 48 : index
        %swap3A_512 = tpu.vector_load %arg16[%swap3A_510, %swap3A_511] {strides = array<i32>} : memref<8x256xf32, #tpu.memory_space<vmem>>, vector<1x16xf32>,
        %swap3A_513 = vector.shape_cast %swap3A_512 : vector<1x16xf32> to vector<16xf32>
        %swap3A_514 = vector.shape_cast %get3A_509 : vector<16xf32> to vector<1x16xf32>
        tpu.vector_store %arg16[%swap3A_510, %swap3A_511], %swap3A_514 {strides = array<i32>} : memref<8x256xf32, #tpu.memory_space<vmem>>, vector<1x16xf32>,
        %swap3A_515 = arith.index_cast %scan3A_356 : i32 to index
        %swap3A_516 = arith.constant 192 : index
        %swap3A_517 = tpu.vector_load %arg16[%swap3A_515, %swap3A_516] {strides = array<i32>} : memref<8x256xf32, #tpu.memory_space<vmem>>, vector<1x16xf32>,
        %swap3A_518 = vector.shape_cast %swap3A_517 : vector<1x16xf32> to vector<16xf32>
        %swap3A_519 = vector.shape_cast %add3A_430 : vector<16xf32> to vector<1x16xf32>
        tpu.vector_store %arg16[%swap3A_515, %swap3A_516], %swap3A_519 {strides = array<i32>} : memref<8x256xf32, #tpu.memory_space<vmem>>, vector<1x16xf32>,
        %add3A_520 = arith.constant 160 : i32
        %add3A_521 = arith.addi %add3A_520, %scan3A_356 : i32
        %get3A_522 = arith.index_cast %add3A_521 : i32 to index
        %get3A_523 = arith.constant 64 : index
        %get3A_524 = tpu.vector_load %arg12[%get3A_522, %get3A_523] {strides = array<i32>} : memref<168x128xf32, #tpu.memory_space<vmem>>, vector<1x16xf32>,
        %get3A_525 = vector.shape_cast %get3A_524 : vector<1x16xf32> to vector<16xf32>
        %swap3A_526 = arith.index_cast %scan3A_356 : i32 to index
        %swap3A_527 = arith.constant 64 : index
        %swap3A_528 = tpu.vector_load %arg16[%swap3A_526, %swap3A_527] {strides = array<i32>} : memref<8x256xf32, #tpu.memory_space<vmem>>, vector<1x16xf32>,
        %swap3A_529 = vector.shape_cast %swap3A_528 : vector<1x16xf32> to vector<16xf32>
        %swap3A_530 = vector.shape_cast %get3A_525 : vector<16xf32> to vector<1x16xf32>
        tpu.vector_store %arg16[%swap3A_526, %swap3A_527], %swap3A_530 {strides = array<i32>} : memref<8x256xf32, #tpu.memory_space<vmem>>, vector<1x16xf32>,
        %swap3A_531 = arith.index_cast %scan3A_356 : i32 to index
        %swap3A_532 = arith.constant 208 : index
        %swap3A_533 = tpu.vector_load %arg16[%swap3A_531, %swap3A_532] {strides = array<i32>} : memref<8x256xf32, #tpu.memory_space<vmem>>, vector<1x16xf32>,
        %swap3A_534 = vector.shape_cast %swap3A_533 : vector<1x16xf32> to vector<16xf32>
        %swap3A_535 = vector.shape_cast %add3A_437 : vector<16xf32> to vector<1x16xf32>
        tpu.vector_store %arg16[%swap3A_531, %swap3A_532], %swap3A_535 {strides = array<i32>} : memref<8x256xf32, #tpu.memory_space<vmem>>, vector<1x16xf32>,
        %add3A_536 = arith.constant 160 : i32
        %add3A_537 = arith.addi %add3A_536, %scan3A_356 : i32
        %get3A_538 = arith.index_cast %add3A_537 : i32 to index
        %get3A_539 = arith.constant 80 : index
        %get3A_540 = tpu.vector_load %arg12[%get3A_538, %get3A_539] {strides = array<i32>} : memref<168x128xf32, #tpu.memory_space<vmem>>, vector<1x16xf32>,
        %get3A_541 = vector.shape_cast %get3A_540 : vector<1x16xf32> to vector<16xf32>
        %swap3A_542 = arith.index_cast %scan3A_356 : i32 to index
        %swap3A_543 = arith.constant 80 : index
        %swap3A_544 = tpu.vector_load %arg16[%swap3A_542, %swap3A_543] {strides = array<i32>} : memref<8x256xf32, #tpu.memory_space<vmem>>, vector<1x16xf32>,
        %swap3A_545 = vector.shape_cast %swap3A_544 : vector<1x16xf32> to vector<16xf32>
        %swap3A_546 = vector.shape_cast %get3A_541 : vector<16xf32> to vector<1x16xf32>
        tpu.vector_store %arg16[%swap3A_542, %swap3A_543], %swap3A_546 {strides = array<i32>} : memref<8x256xf32, #tpu.memory_space<vmem>>, vector<1x16xf32>,
        %swap3A_547 = arith.index_cast %scan3A_356 : i32 to index
        %swap3A_548 = arith.constant 224 : index
        %swap3A_549 = tpu.vector_load %arg16[%swap3A_547, %swap3A_548] {strides = array<i32>} : memref<8x256xf32, #tpu.memory_space<vmem>>, vector<1x16xf32>,
        %swap3A_550 = vector.shape_cast %swap3A_549 : vector<1x16xf32> to vector<16xf32>
        %swap3A_551 = vector.shape_cast %add3A_444 : vector<16xf32> to vector<1x16xf32>
        tpu.vector_store %arg16[%swap3A_547, %swap3A_548], %swap3A_551 {strides = array<i32>} : memref<8x256xf32, #tpu.memory_space<vmem>>, vector<1x16xf32>,
        %add3A_552 = arith.constant 160 : i32
        %add3A_553 = arith.addi %add3A_552, %scan3A_356 : i32
        %get3A_554 = arith.index_cast %add3A_553 : i32 to index
        %get3A_555 = arith.constant 96 : index
        %get3A_556 = tpu.vector_load %arg12[%get3A_554, %get3A_555] {strides = array<i32>} : memref<168x128xf32, #tpu.memory_space<vmem>>, vector<1x16xf32>,
        %get3A_557 = vector.shape_cast %get3A_556 : vector<1x16xf32> to vector<16xf32>
        %swap3A_558 = arith.index_cast %scan3A_356 : i32 to index
        %swap3A_559 = arith.constant 96 : index
        %swap3A_560 = tpu.vector_load %arg16[%swap3A_558, %swap3A_559] {strides = array<i32>} : memref<8x256xf32, #tpu.memory_space<vmem>>, vector<1x16xf32>,
        %swap3A_561 = vector.shape_cast %swap3A_560 : vector<1x16xf32> to vector<16xf32>
        %swap3A_562 = vector.shape_cast %get3A_557 : vector<16xf32> to vector<1x16xf32>
        tpu.vector_store %arg16[%swap3A_558, %swap3A_559], %swap3A_562 {strides = array<i32>} : memref<8x256xf32, #tpu.memory_space<vmem>>, vector<1x16xf32>,
        %swap3A_563 = arith.index_cast %scan3A_356 : i32 to index
        %swap3A_564 = arith.constant 240 : index
        %swap3A_565 = tpu.vector_load %arg16[%swap3A_563, %swap3A_564] {strides = array<i32>} : memref<8x256xf32, #tpu.memory_space<vmem>>, vector<1x16xf32>,
        %swap3A_566 = vector.shape_cast %swap3A_565 : vector<1x16xf32> to vector<16xf32>
        %swap3A_567 = vector.shape_cast %add3A_451 : vector<16xf32> to vector<1x16xf32>
        tpu.vector_store %arg16[%swap3A_563, %swap3A_564], %swap3A_567 {strides = array<i32>} : memref<8x256xf32, #tpu.memory_space<vmem>>, vector<1x16xf32>,
        %add3A_568 = arith.constant 160 : i32
        %add3A_569 = arith.addi %add3A_568, %scan3A_356 : i32
        %get3A_570 = arith.index_cast %add3A_569 : i32 to index
        %get3A_571 = arith.constant 112 : index
        %get3A_572 = tpu.vector_load %arg12[%get3A_570, %get3A_571] {strides = array<i32>} : memref<168x128xf32, #tpu.memory_space<vmem>>, vector<1x16xf32>,
        %get3A_573 = vector.shape_cast %get3A_572 : vector<1x16xf32> to vector<16xf32>
        %swap3A_574 = arith.index_cast %scan3A_356 : i32 to index
        %swap3A_575 = arith.constant 112 : index
        %swap3A_576 = tpu.vector_load %arg16[%swap3A_574, %swap3A_575] {strides = array<i32>} : memref<8x256xf32, #tpu.memory_space<vmem>>, vector<1x16xf32>,
        %swap3A_577 = vector.shape_cast %swap3A_576 : vector<1x16xf32> to vector<16xf32>
        %swap3A_578 = vector.shape_cast %get3A_573 : vector<16xf32> to vector<1x16xf32>
        tpu.vector_store %arg16[%swap3A_574, %swap3A_575], %swap3A_578 {strides = array<i32>} : memref<8x256xf32, #tpu.memory_space<vmem>>, vector<1x16xf32>,
      }
      %scan3A_289 = arith.constant 8 : i32
      %add3A_290 = arith.addi %mul3A_2, %add3A_241 : i32
      %mul3A_291 = arith.constant 8 : i32
      %mul3A_292 = arith.muli %add3A_290, %mul3A_291 : i32
      %dma_start3A_293 = arith.constant 0 : i32
      %dma_start3A_294 = tpu.memref_slice %arg6[%mul3A_292, %dma_start3A_293] : memref<65536x256xf32, #tpu.memory_space<hbm>> -> memref<8x256xf32, #tpu.memory_space<hbm>>
      %dma_start3A_295 = arith.constant 0 : i32
      %dma_start3A_296 = tpu.memref_slice %arg6[%mul3A_292, %dma_start3A_295] : memref<65536x256xf32, #tpu.memory_space<hbm>> -> memref<8x256xf32, #tpu.memory_space<hbm>>
      tpu.enqueue_dma source(%arg16 : memref<8x256xf32, #tpu.memory_space<vmem>>) target(%dma_start3A_296 : memref<8x256xf32, #tpu.memory_space<hbm>>) target_semaphore(%arg25 : memref<!tpu.dma_semaphore, #tpu.memory_space<semaphore_mem>>)
      %mul3A_297 = arith.constant 4 : i32
      %mul3A_298 = arith.muli %mul3A_297, %scan3A_123 : i32
      %add3A_299 = arith.constant 3 : i32
      %add3A_300 = arith.addi %mul3A_298, %add3A_299 : i32
      %dma_wait3A_301 = arith.constant 0 : i32
      %dma_wait3A_302 = arith.constant 0 : i32
      %dma_wait3A_303 = tpu.memref_slice %arg13[%dma_wait3A_301, %dma_wait3A_302] : memref<168x128xf32, #tpu.memory_space<vmem>> -> memref<168x128xf32, #tpu.memory_space<vmem>>
      %dma_wait3A_304 = arith.constant 0 : i32
      %dma_wait3A_305 = tpu.memref_slice %arg8[%dma_wait3A_304] : memref<11264xi32, #tpu.memory_space<vmem>> -> memref<168xi32, #tpu.memory_space<vmem>>
      %dma_wait3A_306 = arith.constant 0 : i32
      %dma_wait3A_307 = arith.constant 0 : i32
      %dma_wait3A_308 = tpu.memref_slice %arg4[%dma_wait3A_306, %dma_wait3A_307] : memref<100000x128xf32, #tpu.memory_space<hbm>> -> memref<100000x128xf32, #tpu.memory_space<hbm>>
      tpu.wait_indirect_dma semaphore(%arg22 : memref<!tpu.dma_semaphore, #tpu.memory_space<semaphore_mem>>) src(%dma_wait3A_308 : memref<100000x128xf32, #tpu.memory_space<hbm>>) dst(%dma_wait3A_303 : memref<168x128xf32, #tpu.memory_space<vmem>>)
      %add3A_309 = arith.constant 3 : i32
      %add3A_310 = arith.addi %add3A_300, %add3A_309 : i32
      %rem3A_311 = arith.constant 64 : i32
      %rem3A_312 = arith.remsi %add3A_310, %rem3A_311 : i32
      %div3A_313 = arith.constant 64 : i32
      %div3A_314 = arith.divsi %add3A_310, %div3A_313 : i32
      %eq3A_315 = arith.constant 0 : i32
      %eq3A_316 = arith.cmpi eq, %rem3A_312, %eq3A_315 : i32
      %lt3A_317 = arith.constant 256 : i32
      %lt3A_318 = arith.cmpi slt, %add3A_310, %lt3A_317 : i32
      %and3A_319 = arith.andi %eq3A_316, %lt3A_318 : i1
      %convert_element_type3A_320 = arith.extui %and3A_319 : i1 to i32
      %cond3A_321 = arith.constant 0 : i32
      %cond3A_322 = arith.cmpi ne, %convert_element_type3A_320, %cond3A_321 : i32
      scf.if %cond3A_322 {
        %dma_wait3A_356 = arith.constant 0 : i32
        %dma_wait3A_357 = tpu.memref_slice %arg2[%dma_wait3A_356] : memref<1441792xi32, #tpu.memory_space<hbm>> -> memref<11264xi32, #tpu.memory_space<hbm>>
        %dma_wait3A_358 = arith.constant 0 : i32
        %dma_wait3A_359 = tpu.memref_slice %arg2[%dma_wait3A_358] : memref<1441792xi32, #tpu.memory_space<hbm>> -> memref<11264xi32, #tpu.memory_space<hbm>>
        tpu.wait_dma2 semaphore(%arg27 : memref<!tpu.dma_semaphore, #tpu.memory_space<semaphore_mem>>) src(%dma_wait3A_359 : memref<11264xi32, #tpu.memory_space<hbm>>) dst(%arg8 : memref<11264xi32, #tpu.memory_space<vmem>>)
      } else {
      }
      %lt3A_323 = arith.constant 256 : i32
      %lt3A_324 = arith.cmpi slt, %add3A_310, %lt3A_323 : i32
      %convert_element_type3A_325 = arith.extui %lt3A_324 : i1 to i32
      %cond3A_326 = arith.constant 0 : i32
      %cond3A_327 = arith.cmpi ne, %convert_element_type3A_325, %cond3A_326 : i32
      scf.if %cond3A_327 {
        %rem3A_356 = arith.constant 64 : i32
        %rem3A_357 = arith.remsi %add3A_310, %rem3A_356 : i32
        %mul3A_358 = arith.constant 176 : i32
        %mul3A_359 = arith.muli %rem3A_357, %mul3A_358 : i32
        %div3A_360 = arith.constant 64 : i32
        %div3A_361 = arith.divsi %add3A_310, %div3A_360 : i32
        %rem3A_362 = arith.constant 2 : i32
        %rem3A_363 = arith.remsi %div3A_361, %rem3A_362 : i32
        %eq3A_364 = arith.constant 0 : i32
        %eq3A_365 = arith.cmpi eq, %rem3A_363, %eq3A_364 : i32
        %convert_element_type3A_366 = arith.extui %eq3A_365 : i1 to i32
        %cond3A_367 = arith.constant 0 : i32
        %cond3A_368 = arith.cmpi ne, %convert_element_type3A_366, %cond3A_367 : i32
        scf.if %cond3A_368 {
          %dma_start3A_374 = arith.constant 0 : i32
          %dma_start3A_375 = arith.constant 0 : i32
          %dma_start3A_376 = tpu.memref_slice %arg12[%dma_start3A_374, %dma_start3A_375] : memref<168x128xf32, #tpu.memory_space<vmem>> -> memref<168x128xf32, #tpu.memory_space<vmem>>
          %dma_start3A_377 = tpu.memref_slice %arg8[%mul3A_359] : memref<11264xi32, #tpu.memory_space<vmem>> -> memref<168xi32, #tpu.memory_space<vmem>>
          %dma_start3A_378 = arith.constant 0 : i32
          %dma_start3A_379 = arith.constant 0 : i32
          %dma_start3A_380 = tpu.memref_slice %arg4[%dma_start3A_378, %dma_start3A_379] : memref<100000x128xf32, #tpu.memory_space<hbm>> -> memref<100000x128xf32, #tpu.memory_space<hbm>>
          tpu.enqueue_indirect_dma source(%dma_start3A_380 : memref<100000x128xf32, #tpu.memory_space<hbm>>) target(%dma_start3A_376 : memref<168x128xf32, #tpu.memory_space<vmem>>) offsets(%dma_start3A_377 : memref<168xi32, #tpu.memory_space<vmem>>) semaphore(%arg21 : memref<!tpu.dma_semaphore, #tpu.memory_space<semaphore_mem>>)
        } else {
        }
        %eq3A_369 = arith.constant 1 : i32
        %eq3A_370 = arith.cmpi eq, %rem3A_363, %eq3A_369 : i32
        %convert_element_type3A_371 = arith.extui %eq3A_370 : i1 to i32
        %cond3A_372 = arith.constant 0 : i32
        %cond3A_373 = arith.cmpi ne, %convert_element_type3A_371, %cond3A_372 : i32
        scf.if %cond3A_373 {
          %dma_start3A_374 = arith.constant 0 : i32
          %dma_start3A_375 = arith.constant 0 : i32
          %dma_start3A_376 = tpu.memref_slice %arg12[%dma_start3A_374, %dma_start3A_375] : memref<168x128xf32, #tpu.memory_space<vmem>> -> memref<168x128xf32, #tpu.memory_space<vmem>>
          %dma_start3A_377 = tpu.memref_slice %arg9[%mul3A_359] : memref<11264xi32, #tpu.memory_space<vmem>> -> memref<168xi32, #tpu.memory_space<vmem>>
          %dma_start3A_378 = arith.constant 0 : i32
          %dma_start3A_379 = arith.constant 0 : i32
          %dma_start3A_380 = tpu.memref_slice %arg4[%dma_start3A_378, %dma_start3A_379] : memref<100000x128xf32, #tpu.memory_space<hbm>> -> memref<100000x128xf32, #tpu.memory_space<hbm>>
          tpu.enqueue_indirect_dma source(%dma_start3A_380 : memref<100000x128xf32, #tpu.memory_space<hbm>>) target(%dma_start3A_376 : memref<168x128xf32, #tpu.memory_space<vmem>>) offsets(%dma_start3A_377 : memref<168xi32, #tpu.memory_space<vmem>>) semaphore(%arg21 : memref<!tpu.dma_semaphore, #tpu.memory_space<semaphore_mem>>)
        } else {
        }
      } else {
      }
      %eq3A_328 = arith.constant 2 : i32
      %eq3A_329 = arith.cmpi eq, %rem3A_312, %eq3A_328 : i32
      %add3A_330 = arith.constant 1 : i32
      %add3A_331 = arith.addi %div3A_314, %add3A_330 : i32
      %le3A_332 = arith.constant 3 : i32
      %le3A_333 = arith.cmpi sle, %add3A_331, %le3A_332 : i32
      %and3A_334 = arith.andi %eq3A_329, %le3A_333 : i1
      %convert_element_type3A_335 = arith.extui %and3A_334 : i1 to i32
      %cond3A_336 = arith.constant 0 : i32
      %cond3A_337 = arith.cmpi ne, %convert_element_type3A_335, %cond3A_336 : i32
      scf.if %cond3A_337 {
        %add3A_356 = arith.constant 1 : i32
        %add3A_357 = arith.addi %div3A_314, %add3A_356 : i32
        %rem3A_358 = arith.constant 2 : i32
        %rem3A_359 = arith.remsi %add3A_357, %rem3A_358 : i32
        %eq3A_360 = arith.constant 0 : i32
        %eq3A_361 = arith.cmpi eq, %rem3A_359, %eq3A_360 : i32
        %convert_element_type3A_362 = arith.extui %eq3A_361 : i1 to i32
        %cond3A_363 = arith.constant 0 : i32
        %cond3A_364 = arith.cmpi ne, %convert_element_type3A_362, %cond3A_363 : i32
        scf.if %cond3A_364 {
          %add3A_374 = arith.constant 1 : i32
          %add3A_375 = arith.addi %div3A_314, %add3A_374 : i32
          %mul3A_376 = arith.constant 11264 : i32
          %mul3A_377 = arith.muli %add3A_375, %mul3A_376 : i32
          %add3A_378 = arith.addi %mul3A_4, %mul3A_377 : i32
          %dma_start3A_379 = tpu.memref_slice %arg2[%add3A_378] : memref<1441792xi32, #tpu.memory_space<hbm>> -> memref<11264xi32, #tpu.memory_space<hbm>>
          %dma_start3A_380 = tpu.memref_slice %arg2[%add3A_378] : memref<1441792xi32, #tpu.memory_space<hbm>> -> memref<11264xi32, #tpu.memory_space<hbm>>
          tpu.enqueue_dma source(%dma_start3A_380 : memref<11264xi32, #tpu.memory_space<hbm>>) target(%arg8 : memref<11264xi32, #tpu.memory_space<vmem>>) target_semaphore(%arg27 : memref<!tpu.dma_semaphore, #tpu.memory_space<semaphore_mem>>)
        } else {
        }
        %add3A_365 = arith.constant 1 : i32
        %add3A_366 = arith.addi %div3A_314, %add3A_365 : i32
        %rem3A_367 = arith.constant 2 : i32
        %rem3A_368 = arith.remsi %add3A_366, %rem3A_367 : i32
        %eq3A_369 = arith.constant 1 : i32
        %eq3A_370 = arith.cmpi eq, %rem3A_368, %eq3A_369 : i32
        %convert_element_type3A_371 = arith.extui %eq3A_370 : i1 to i32
        %cond3A_372 = arith.constant 0 : i32
        %cond3A_373 = arith.cmpi ne, %convert_element_type3A_371, %cond3A_372 : i32
        scf.if %cond3A_373 {
          %add3A_374 = arith.constant 1 : i32
          %add3A_375 = arith.addi %div3A_314, %add3A_374 : i32
          %mul3A_376 = arith.constant 11264 : i32
          %mul3A_377 = arith.muli %add3A_375, %mul3A_376 : i32
          %add3A_378 = arith.addi %mul3A_4, %mul3A_377 : i32
          %dma_start3A_379 = tpu.memref_slice %arg2[%add3A_378] : memref<1441792xi32, #tpu.memory_space<hbm>> -> memref<11264xi32, #tpu.memory_space<hbm>>
          %dma_start3A_380 = tpu.memref_slice %arg2[%add3A_378] : memref<1441792xi32, #tpu.memory_space<hbm>> -> memref<11264xi32, #tpu.memory_space<hbm>>
          tpu.enqueue_dma source(%dma_start3A_380 : memref<11264xi32, #tpu.memory_space<hbm>>) target(%arg9 : memref<11264xi32, #tpu.memory_space<vmem>>) target_semaphore(%arg27 : memref<!tpu.dma_semaphore, #tpu.memory_space<semaphore_mem>>)
        } else {
        }
      } else {
      }
      %gt3A_338 = arith.constant 0 : i32
      %gt3A_339 = arith.cmpi sgt, %scan3A_123, %gt3A_338 : i32
      %convert_element_type3A_340 = arith.extui %gt3A_339 : i1 to i32
      %cond3A_341 = arith.constant 0 : i32
      %cond3A_342 = arith.cmpi ne, %convert_element_type3A_340, %cond3A_341 : i32
      scf.if %cond3A_342 {
        %dma_wait3A_356 = arith.constant 0 : i32
        %dma_wait3A_357 = arith.constant 0 : i32
        %dma_wait3A_358 = tpu.memref_slice %arg6[%dma_wait3A_356, %dma_wait3A_357] : memref<65536x256xf32, #tpu.memory_space<hbm>> -> memref<8x256xf32, #tpu.memory_space<hbm>>
        %dma_wait3A_359 = arith.constant 0 : i32
        %dma_wait3A_360 = arith.constant 0 : i32
        %dma_wait3A_361 = tpu.memref_slice %arg6[%dma_wait3A_359, %dma_wait3A_360] : memref<65536x256xf32, #tpu.memory_space<hbm>> -> memref<8x256xf32, #tpu.memory_space<hbm>>
        tpu.wait_dma2 semaphore(%arg26 : memref<!tpu.dma_semaphore, #tpu.memory_space<semaphore_mem>>) src(%arg17 : memref<8x256xf32, #tpu.memory_space<vmem>>) dst(%dma_wait3A_361 : memref<8x256xf32, #tpu.memory_space<hbm>>)
      } else {
      }
      %scan3A_343 = arith.constant 0 : i32
      %scan3A_344 = arith.constant 0 : i32
      %scan3A_345 = arith.constant 8 : i32
      %scan3A_346 = arith.addi %scan3A_344, %scan3A_345 : i32
      %scan3A_347 = arith.constant 1 : i32
      scf.for %scan3A_356 = %scan3A_344 to %scan3A_346 step %scan3A_347  : i32 {
        %mul3A_357 = arith.constant 20 : i32
        %mul3A_358 = arith.muli %scan3A_356, %mul3A_357 : i32
        %get3A = arith.index_cast %mul3A_358 : i32 to index
        %get3A_359 = arith.constant 0 : index
        %get3A_360 = tpu.vector_load %arg13[%get3A, %get3A_359] {strides = array<i32>} : memref<168x128xf32, #tpu.memory_space<vmem>>, vector<1x16xf32>,
        %get3A_361 = vector.shape_cast %get3A_360 : vector<1x16xf32> to vector<16xf32>
        %get3A_362 = arith.index_cast %mul3A_358 : i32 to index
        %get3A_363 = arith.constant 16 : index
        %get3A_364 = tpu.vector_load %arg13[%get3A_362, %get3A_363] {strides = array<i32>} : memref<168x128xf32, #tpu.memory_space<vmem>>, vector<1x16xf32>,
        %get3A_365 = vector.shape_cast %get3A_364 : vector<1x16xf32> to vector<16xf32>
        %get3A_366 = arith.index_cast %mul3A_358 : i32 to index
        %get3A_367 = arith.constant 32 : index
        %get3A_368 = tpu.vector_load %arg13[%get3A_366, %get3A_367] {strides = array<i32>} : memref<168x128xf32, #tpu.memory_space<vmem>>, vector<1x16xf32>,
        %get3A_369 = vector.shape_cast %get3A_368 : vector<1x16xf32> to vector<16xf32>
        %get3A_370 = arith.index_cast %mul3A_358 : i32 to index
        %get3A_371 = arith.constant 48 : index
        %get3A_372 = tpu.vector_load %arg13[%get3A_370, %get3A_371] {strides = array<i32>} : memref<168x128xf32, #tpu.memory_space<vmem>>, vector<1x16xf32>,
        %get3A_373 = vector.shape_cast %get3A_372 : vector<1x16xf32> to vector<16xf32>
        %get3A_374 = arith.index_cast %mul3A_358 : i32 to index
        %get3A_375 = arith.constant 64 : index
        %get3A_376 = tpu.vector_load %arg13[%get3A_374, %get3A_375] {strides = array<i32>} : memref<168x128xf32, #tpu.memory_space<vmem>>, vector<1x16xf32>,
        %get3A_377 = vector.shape_cast %get3A_376 : vector<1x16xf32> to vector<16xf32>
        %get3A_378 = arith.index_cast %mul3A_358 : i32 to index
        %get3A_379 = arith.constant 80 : index
        %get3A_380 = tpu.vector_load %arg13[%get3A_378, %get3A_379] {strides = array<i32>} : memref<168x128xf32, #tpu.memory_space<vmem>>, vector<1x16xf32>,
        %get3A_381 = vector.shape_cast %get3A_380 : vector<1x16xf32> to vector<16xf32>
        %get3A_382 = arith.index_cast %mul3A_358 : i32 to index
        %get3A_383 = arith.constant 96 : index
        %get3A_384 = tpu.vector_load %arg13[%get3A_382, %get3A_383] {strides = array<i32>} : memref<168x128xf32, #tpu.memory_space<vmem>>, vector<1x16xf32>,
        %get3A_385 = vector.shape_cast %get3A_384 : vector<1x16xf32> to vector<16xf32>
        %get3A_386 = arith.index_cast %mul3A_358 : i32 to index
        %get3A_387 = arith.constant 112 : index
        %get3A_388 = tpu.vector_load %arg13[%get3A_386, %get3A_387] {strides = array<i32>} : memref<168x128xf32, #tpu.memory_space<vmem>>, vector<1x16xf32>,
        %get3A_389 = vector.shape_cast %get3A_388 : vector<1x16xf32> to vector<16xf32>
        %scan3A_390 = arith.constant 0 : i32
        %scan3A_391 = arith.constant 9 : i32
        %scan3A_392 = arith.addi %scan3A_390, %scan3A_391 : i32
        %scan3A_393 = arith.constant 1 : i32
        %scan3A_394:8 = scf.for %scan3A_579 = %scan3A_390 to %scan3A_392 step %scan3A_393 iter_args(%scan3A_580 = %get3A_361, %scan3A_581 = %get3A_365, %scan3A_582 = %get3A_369, %scan3A_583 = %get3A_373, %scan3A_584 = %get3A_377, %scan3A_585 = %get3A_381, %scan3A_586 = %get3A_385, %scan3A_587 = %get3A_389) -> (vector<16xf32>, vector<16xf32>, vector<16xf32>, vector<16xf32>, vector<16xf32>, vector<16xf32>, vector<16xf32>, vector<16xf32>)  : i32 {
          %mul3A_588 = arith.constant 2 : i32
          %mul3A_589 = arith.muli %mul3A_588, %scan3A_579 : i32
          %add3A_590 = arith.addi %mul3A_358, %mul3A_589 : i32
          %add3A_591 = arith.constant 1 : i32
          %add3A_592 = arith.addi %add3A_590, %add3A_591 : i32
          %get3A_593 = arith.index_cast %add3A_592 : i32 to index
          %get3A_594 = arith.constant 0 : index
          %get3A_595 = tpu.vector_load %arg13[%get3A_593, %get3A_594] {strides = array<i32>} : memref<168x128xf32, #tpu.memory_space<vmem>>, vector<1x16xf32>,
          %get3A_596 = vector.shape_cast %get3A_595 : vector<1x16xf32> to vector<16xf32>
          %add3A_597 = arith.addf %scan3A_580, %get3A_596 : vector<16xf32>
          %mul3A_598 = arith.constant 2 : i32
          %mul3A_599 = arith.muli %mul3A_598, %scan3A_579 : i32
          %add3A_600 = arith.addi %mul3A_358, %mul3A_599 : i32
          %add3A_601 = arith.constant 1 : i32
          %add3A_602 = arith.addi %add3A_600, %add3A_601 : i32
          %get3A_603 = arith.index_cast %add3A_602 : i32 to index
          %get3A_604 = arith.constant 16 : index
          %get3A_605 = tpu.vector_load %arg13[%get3A_603, %get3A_604] {strides = array<i32>} : memref<168x128xf32, #tpu.memory_space<vmem>>, vector<1x16xf32>,
          %get3A_606 = vector.shape_cast %get3A_605 : vector<1x16xf32> to vector<16xf32>
          %add3A_607 = arith.addf %scan3A_581, %get3A_606 : vector<16xf32>
          %mul3A_608 = arith.constant 2 : i32
          %mul3A_609 = arith.muli %mul3A_608, %scan3A_579 : i32
          %add3A_610 = arith.addi %mul3A_358, %mul3A_609 : i32
          %add3A_611 = arith.constant 1 : i32
          %add3A_612 = arith.addi %add3A_610, %add3A_611 : i32
          %get3A_613 = arith.index_cast %add3A_612 : i32 to index
          %get3A_614 = arith.constant 32 : index
          %get3A_615 = tpu.vector_load %arg13[%get3A_613, %get3A_614] {strides = array<i32>} : memref<168x128xf32, #tpu.memory_space<vmem>>, vector<1x16xf32>,
          %get3A_616 = vector.shape_cast %get3A_615 : vector<1x16xf32> to vector<16xf32>
          %add3A_617 = arith.addf %scan3A_582, %get3A_616 : vector<16xf32>
          %mul3A_618 = arith.constant 2 : i32
          %mul3A_619 = arith.muli %mul3A_618, %scan3A_579 : i32
          %add3A_620 = arith.addi %mul3A_358, %mul3A_619 : i32
          %add3A_621 = arith.constant 1 : i32
          %add3A_622 = arith.addi %add3A_620, %add3A_621 : i32
          %get3A_623 = arith.index_cast %add3A_622 : i32 to index
          %get3A_624 = arith.constant 48 : index
          %get3A_625 = tpu.vector_load %arg13[%get3A_623, %get3A_624] {strides = array<i32>} : memref<168x128xf32, #tpu.memory_space<vmem>>, vector<1x16xf32>,
          %get3A_626 = vector.shape_cast %get3A_625 : vector<1x16xf32> to vector<16xf32>
          %add3A_627 = arith.addf %scan3A_583, %get3A_626 : vector<16xf32>
          %mul3A_628 = arith.constant 2 : i32
          %mul3A_629 = arith.muli %mul3A_628, %scan3A_579 : i32
          %add3A_630 = arith.addi %mul3A_358, %mul3A_629 : i32
          %add3A_631 = arith.constant 1 : i32
          %add3A_632 = arith.addi %add3A_630, %add3A_631 : i32
          %get3A_633 = arith.index_cast %add3A_632 : i32 to index
          %get3A_634 = arith.constant 64 : index
          %get3A_635 = tpu.vector_load %arg13[%get3A_633, %get3A_634] {strides = array<i32>} : memref<168x128xf32, #tpu.memory_space<vmem>>, vector<1x16xf32>,
          %get3A_636 = vector.shape_cast %get3A_635 : vector<1x16xf32> to vector<16xf32>
          %add3A_637 = arith.addf %scan3A_584, %get3A_636 : vector<16xf32>
          %mul3A_638 = arith.constant 2 : i32
          %mul3A_639 = arith.muli %mul3A_638, %scan3A_579 : i32
          %add3A_640 = arith.addi %mul3A_358, %mul3A_639 : i32
          %add3A_641 = arith.constant 1 : i32
          %add3A_642 = arith.addi %add3A_640, %add3A_641 : i32
          %get3A_643 = arith.index_cast %add3A_642 : i32 to index
          %get3A_644 = arith.constant 80 : index
          %get3A_645 = tpu.vector_load %arg13[%get3A_643, %get3A_644] {strides = array<i32>} : memref<168x128xf32, #tpu.memory_space<vmem>>, vector<1x16xf32>,
          %get3A_646 = vector.shape_cast %get3A_645 : vector<1x16xf32> to vector<16xf32>
          %add3A_647 = arith.addf %scan3A_585, %get3A_646 : vector<16xf32>
          %mul3A_648 = arith.constant 2 : i32
          %mul3A_649 = arith.muli %mul3A_648, %scan3A_579 : i32
          %add3A_650 = arith.addi %mul3A_358, %mul3A_649 : i32
          %add3A_651 = arith.constant 1 : i32
          %add3A_652 = arith.addi %add3A_650, %add3A_651 : i32
          %get3A_653 = arith.index_cast %add3A_652 : i32 to index
          %get3A_654 = arith.constant 96 : index
          %get3A_655 = tpu.vector_load %arg13[%get3A_653, %get3A_654] {strides = array<i32>} : memref<168x128xf32, #tpu.memory_space<vmem>>, vector<1x16xf32>,
          %get3A_656 = vector.shape_cast %get3A_655 : vector<1x16xf32> to vector<16xf32>
          %add3A_657 = arith.addf %scan3A_586, %get3A_656 : vector<16xf32>
          %mul3A_658 = arith.constant 2 : i32
          %mul3A_659 = arith.muli %mul3A_658, %scan3A_579 : i32
          %add3A_660 = arith.addi %mul3A_358, %mul3A_659 : i32
          %add3A_661 = arith.constant 1 : i32
          %add3A_662 = arith.addi %add3A_660, %add3A_661 : i32
          %get3A_663 = arith.index_cast %add3A_662 : i32 to index
          %get3A_664 = arith.constant 112 : index
          %get3A_665 = tpu.vector_load %arg13[%get3A_663, %get3A_664] {strides = array<i32>} : memref<168x128xf32, #tpu.memory_space<vmem>>, vector<1x16xf32>,
          %get3A_666 = vector.shape_cast %get3A_665 : vector<1x16xf32> to vector<16xf32>
          %add3A_667 = arith.addf %scan3A_587, %get3A_666 : vector<16xf32>
          %mul3A_668 = arith.constant 2 : i32
          %mul3A_669 = arith.muli %mul3A_668, %scan3A_579 : i32
          %add3A_670 = arith.addi %mul3A_358, %mul3A_669 : i32
          %add3A_671 = arith.constant 2 : i32
          %add3A_672 = arith.addi %add3A_670, %add3A_671 : i32
          %get3A_673 = arith.index_cast %add3A_672 : i32 to index
          %get3A_674 = arith.constant 0 : index
          %get3A_675 = tpu.vector_load %arg13[%get3A_673, %get3A_674] {strides = array<i32>} : memref<168x128xf32, #tpu.memory_space<vmem>>, vector<1x16xf32>,
          %get3A_676 = vector.shape_cast %get3A_675 : vector<1x16xf32> to vector<16xf32>
          %add3A_677 = arith.addf %add3A_597, %get3A_676 : vector<16xf32>
          %mul3A_678 = arith.constant 2 : i32
          %mul3A_679 = arith.muli %mul3A_678, %scan3A_579 : i32
          %add3A_680 = arith.addi %mul3A_358, %mul3A_679 : i32
          %add3A_681 = arith.constant 2 : i32
          %add3A_682 = arith.addi %add3A_680, %add3A_681 : i32
          %get3A_683 = arith.index_cast %add3A_682 : i32 to index
          %get3A_684 = arith.constant 16 : index
          %get3A_685 = tpu.vector_load %arg13[%get3A_683, %get3A_684] {strides = array<i32>} : memref<168x128xf32, #tpu.memory_space<vmem>>, vector<1x16xf32>,
          %get3A_686 = vector.shape_cast %get3A_685 : vector<1x16xf32> to vector<16xf32>
          %add3A_687 = arith.addf %add3A_607, %get3A_686 : vector<16xf32>
          %mul3A_688 = arith.constant 2 : i32
          %mul3A_689 = arith.muli %mul3A_688, %scan3A_579 : i32
          %add3A_690 = arith.addi %mul3A_358, %mul3A_689 : i32
          %add3A_691 = arith.constant 2 : i32
          %add3A_692 = arith.addi %add3A_690, %add3A_691 : i32
          %get3A_693 = arith.index_cast %add3A_692 : i32 to index
          %get3A_694 = arith.constant 32 : index
          %get3A_695 = tpu.vector_load %arg13[%get3A_693, %get3A_694] {strides = array<i32>} : memref<168x128xf32, #tpu.memory_space<vmem>>, vector<1x16xf32>,
          %get3A_696 = vector.shape_cast %get3A_695 : vector<1x16xf32> to vector<16xf32>
          %add3A_697 = arith.addf %add3A_617, %get3A_696 : vector<16xf32>
          %mul3A_698 = arith.constant 2 : i32
          %mul3A_699 = arith.muli %mul3A_698, %scan3A_579 : i32
          %add3A_700 = arith.addi %mul3A_358, %mul3A_699 : i32
          %add3A_701 = arith.constant 2 : i32
          %add3A_702 = arith.addi %add3A_700, %add3A_701 : i32
          %get3A_703 = arith.index_cast %add3A_702 : i32 to index
          %get3A_704 = arith.constant 48 : index
          %get3A_705 = tpu.vector_load %arg13[%get3A_703, %get3A_704] {strides = array<i32>} : memref<168x128xf32, #tpu.memory_space<vmem>>, vector<1x16xf32>,
          %get3A_706 = vector.shape_cast %get3A_705 : vector<1x16xf32> to vector<16xf32>
          %add3A_707 = arith.addf %add3A_627, %get3A_706 : vector<16xf32>
          %mul3A_708 = arith.constant 2 : i32
          %mul3A_709 = arith.muli %mul3A_708, %scan3A_579 : i32
          %add3A_710 = arith.addi %mul3A_358, %mul3A_709 : i32
          %add3A_711 = arith.constant 2 : i32
          %add3A_712 = arith.addi %add3A_710, %add3A_711 : i32
          %get3A_713 = arith.index_cast %add3A_712 : i32 to index
          %get3A_714 = arith.constant 64 : index
          %get3A_715 = tpu.vector_load %arg13[%get3A_713, %get3A_714] {strides = array<i32>} : memref<168x128xf32, #tpu.memory_space<vmem>>, vector<1x16xf32>,
          %get3A_716 = vector.shape_cast %get3A_715 : vector<1x16xf32> to vector<16xf32>
          %add3A_717 = arith.addf %add3A_637, %get3A_716 : vector<16xf32>
          %mul3A_718 = arith.constant 2 : i32
          %mul3A_719 = arith.muli %mul3A_718, %scan3A_579 : i32
          %add3A_720 = arith.addi %mul3A_358, %mul3A_719 : i32
          %add3A_721 = arith.constant 2 : i32
          %add3A_722 = arith.addi %add3A_720, %add3A_721 : i32
          %get3A_723 = arith.index_cast %add3A_722 : i32 to index
          %get3A_724 = arith.constant 80 : index
          %get3A_725 = tpu.vector_load %arg13[%get3A_723, %get3A_724] {strides = array<i32>} : memref<168x128xf32, #tpu.memory_space<vmem>>, vector<1x16xf32>,
          %get3A_726 = vector.shape_cast %get3A_725 : vector<1x16xf32> to vector<16xf32>
          %add3A_727 = arith.addf %add3A_647, %get3A_726 : vector<16xf32>
          %mul3A_728 = arith.constant 2 : i32
          %mul3A_729 = arith.muli %mul3A_728, %scan3A_579 : i32
          %add3A_730 = arith.addi %mul3A_358, %mul3A_729 : i32
          %add3A_731 = arith.constant 2 : i32
          %add3A_732 = arith.addi %add3A_730, %add3A_731 : i32
          %get3A_733 = arith.index_cast %add3A_732 : i32 to index
          %get3A_734 = arith.constant 96 : index
          %get3A_735 = tpu.vector_load %arg13[%get3A_733, %get3A_734] {strides = array<i32>} : memref<168x128xf32, #tpu.memory_space<vmem>>, vector<1x16xf32>,
          %get3A_736 = vector.shape_cast %get3A_735 : vector<1x16xf32> to vector<16xf32>
          %add3A_737 = arith.addf %add3A_657, %get3A_736 : vector<16xf32>
          %mul3A_738 = arith.constant 2 : i32
          %mul3A_739 = arith.muli %mul3A_738, %scan3A_579 : i32
          %add3A_740 = arith.addi %mul3A_358, %mul3A_739 : i32
          %add3A_741 = arith.constant 2 : i32
          %add3A_742 = arith.addi %add3A_740, %add3A_741 : i32
          %get3A_743 = arith.index_cast %add3A_742 : i32 to index
          %get3A_744 = arith.constant 112 : index
          %get3A_745 = tpu.vector_load %arg13[%get3A_743, %get3A_744] {strides = array<i32>} : memref<168x128xf32, #tpu.memory_space<vmem>>, vector<1x16xf32>,
          %get3A_746 = vector.shape_cast %get3A_745 : vector<1x16xf32> to vector<16xf32>
          %add3A_747 = arith.addf %add3A_667, %get3A_746 : vector<16xf32>
          scf.yield %add3A_677, %add3A_687, %add3A_697, %add3A_707, %add3A_717, %add3A_727, %add3A_737, %add3A_747 : vector<16xf32>, vector<16xf32>, vector<16xf32>, vector<16xf32>, vector<16xf32>, vector<16xf32>, vector<16xf32>, vector<16xf32>
        }
        %scan3A_395 = arith.constant 9 : i32
        %add3A_396 = arith.constant 19 : i32
        %add3A_397 = arith.addi %mul3A_358, %add3A_396 : i32
        %get3A_398 = arith.index_cast %add3A_397 : i32 to index
        %get3A_399 = arith.constant 0 : index
        %get3A_400 = tpu.vector_load %arg13[%get3A_398, %get3A_399] {strides = array<i32>} : memref<168x128xf32, #tpu.memory_space<vmem>>, vector<1x16xf32>,
        %get3A_401 = vector.shape_cast %get3A_400 : vector<1x16xf32> to vector<16xf32>
        %add3A_402 = arith.addf %scan3A_394#0, %get3A_401 : vector<16xf32>
        %add3A_403 = arith.constant 19 : i32
        %add3A_404 = arith.addi %mul3A_358, %add3A_403 : i32
        %get3A_405 = arith.index_cast %add3A_404 : i32 to index
        %get3A_406 = arith.constant 16 : index
        %get3A_407 = tpu.vector_load %arg13[%get3A_405, %get3A_406] {strides = array<i32>} : memref<168x128xf32, #tpu.memory_space<vmem>>, vector<1x16xf32>,
        %get3A_408 = vector.shape_cast %get3A_407 : vector<1x16xf32> to vector<16xf32>
        %add3A_409 = arith.addf %scan3A_394#1, %get3A_408 : vector<16xf32>
        %add3A_410 = arith.constant 19 : i32
        %add3A_411 = arith.addi %mul3A_358, %add3A_410 : i32
        %get3A_412 = arith.index_cast %add3A_411 : i32 to index
        %get3A_413 = arith.constant 32 : index
        %get3A_414 = tpu.vector_load %arg13[%get3A_412, %get3A_413] {strides = array<i32>} : memref<168x128xf32, #tpu.memory_space<vmem>>, vector<1x16xf32>,
        %get3A_415 = vector.shape_cast %get3A_414 : vector<1x16xf32> to vector<16xf32>
        %add3A_416 = arith.addf %scan3A_394#2, %get3A_415 : vector<16xf32>
        %add3A_417 = arith.constant 19 : i32
        %add3A_418 = arith.addi %mul3A_358, %add3A_417 : i32
        %get3A_419 = arith.index_cast %add3A_418 : i32 to index
        %get3A_420 = arith.constant 48 : index
        %get3A_421 = tpu.vector_load %arg13[%get3A_419, %get3A_420] {strides = array<i32>} : memref<168x128xf32, #tpu.memory_space<vmem>>, vector<1x16xf32>,
        %get3A_422 = vector.shape_cast %get3A_421 : vector<1x16xf32> to vector<16xf32>
        %add3A_423 = arith.addf %scan3A_394#3, %get3A_422 : vector<16xf32>
        %add3A_424 = arith.constant 19 : i32
        %add3A_425 = arith.addi %mul3A_358, %add3A_424 : i32
        %get3A_426 = arith.index_cast %add3A_425 : i32 to index
        %get3A_427 = arith.constant 64 : index
        %get3A_428 = tpu.vector_load %arg13[%get3A_426, %get3A_427] {strides = array<i32>} : memref<168x128xf32, #tpu.memory_space<vmem>>, vector<1x16xf32>,
        %get3A_429 = vector.shape_cast %get3A_428 : vector<1x16xf32> to vector<16xf32>
        %add3A_430 = arith.addf %scan3A_394#4, %get3A_429 : vector<16xf32>
        %add3A_431 = arith.constant 19 : i32
        %add3A_432 = arith.addi %mul3A_358, %add3A_431 : i32
        %get3A_433 = arith.index_cast %add3A_432 : i32 to index
        %get3A_434 = arith.constant 80 : index
        %get3A_435 = tpu.vector_load %arg13[%get3A_433, %get3A_434] {strides = array<i32>} : memref<168x128xf32, #tpu.memory_space<vmem>>, vector<1x16xf32>,
        %get3A_436 = vector.shape_cast %get3A_435 : vector<1x16xf32> to vector<16xf32>
        %add3A_437 = arith.addf %scan3A_394#5, %get3A_436 : vector<16xf32>
        %add3A_438 = arith.constant 19 : i32
        %add3A_439 = arith.addi %mul3A_358, %add3A_438 : i32
        %get3A_440 = arith.index_cast %add3A_439 : i32 to index
        %get3A_441 = arith.constant 96 : index
        %get3A_442 = tpu.vector_load %arg13[%get3A_440, %get3A_441] {strides = array<i32>} : memref<168x128xf32, #tpu.memory_space<vmem>>, vector<1x16xf32>,
        %get3A_443 = vector.shape_cast %get3A_442 : vector<1x16xf32> to vector<16xf32>
        %add3A_444 = arith.addf %scan3A_394#6, %get3A_443 : vector<16xf32>
        %add3A_445 = arith.constant 19 : i32
        %add3A_446 = arith.addi %mul3A_358, %add3A_445 : i32
        %get3A_447 = arith.index_cast %add3A_446 : i32 to index
        %get3A_448 = arith.constant 112 : index
        %get3A_449 = tpu.vector_load %arg13[%get3A_447, %get3A_448] {strides = array<i32>} : memref<168x128xf32, #tpu.memory_space<vmem>>, vector<1x16xf32>,
        %get3A_450 = vector.shape_cast %get3A_449 : vector<1x16xf32> to vector<16xf32>
        %add3A_451 = arith.addf %scan3A_394#7, %get3A_450 : vector<16xf32>
        %swap3A = arith.index_cast %scan3A_356 : i32 to index
        %swap3A_452 = arith.constant 128 : index
        %swap3A_453 = tpu.vector_load %arg17[%swap3A, %swap3A_452] {strides = array<i32>} : memref<8x256xf32, #tpu.memory_space<vmem>>, vector<1x16xf32>,
        %swap3A_454 = vector.shape_cast %swap3A_453 : vector<1x16xf32> to vector<16xf32>
        %swap3A_455 = vector.shape_cast %add3A_402 : vector<16xf32> to vector<1x16xf32>
        tpu.vector_store %arg17[%swap3A, %swap3A_452], %swap3A_455 {strides = array<i32>} : memref<8x256xf32, #tpu.memory_space<vmem>>, vector<1x16xf32>,
        %add3A_456 = arith.constant 160 : i32
        %add3A_457 = arith.addi %add3A_456, %scan3A_356 : i32
        %get3A_458 = arith.index_cast %add3A_457 : i32 to index
        %get3A_459 = arith.constant 0 : index
        %get3A_460 = tpu.vector_load %arg13[%get3A_458, %get3A_459] {strides = array<i32>} : memref<168x128xf32, #tpu.memory_space<vmem>>, vector<1x16xf32>,
        %get3A_461 = vector.shape_cast %get3A_460 : vector<1x16xf32> to vector<16xf32>
        %swap3A_462 = arith.index_cast %scan3A_356 : i32 to index
        %swap3A_463 = arith.constant 0 : index
        %swap3A_464 = tpu.vector_load %arg17[%swap3A_462, %swap3A_463] {strides = array<i32>} : memref<8x256xf32, #tpu.memory_space<vmem>>, vector<1x16xf32>,
        %swap3A_465 = vector.shape_cast %swap3A_464 : vector<1x16xf32> to vector<16xf32>
        %swap3A_466 = vector.shape_cast %get3A_461 : vector<16xf32> to vector<1x16xf32>
        tpu.vector_store %arg17[%swap3A_462, %swap3A_463], %swap3A_466 {strides = array<i32>} : memref<8x256xf32, #tpu.memory_space<vmem>>, vector<1x16xf32>,
        %swap3A_467 = arith.index_cast %scan3A_356 : i32 to index
        %swap3A_468 = arith.constant 144 : index
        %swap3A_469 = tpu.vector_load %arg17[%swap3A_467, %swap3A_468] {strides = array<i32>} : memref<8x256xf32, #tpu.memory_space<vmem>>, vector<1x16xf32>,
        %swap3A_470 = vector.shape_cast %swap3A_469 : vector<1x16xf32> to vector<16xf32>
        %swap3A_471 = vector.shape_cast %add3A_409 : vector<16xf32> to vector<1x16xf32>
        tpu.vector_store %arg17[%swap3A_467, %swap3A_468], %swap3A_471 {strides = array<i32>} : memref<8x256xf32, #tpu.memory_space<vmem>>, vector<1x16xf32>,
        %add3A_472 = arith.constant 160 : i32
        %add3A_473 = arith.addi %add3A_472, %scan3A_356 : i32
        %get3A_474 = arith.index_cast %add3A_473 : i32 to index
        %get3A_475 = arith.constant 16 : index
        %get3A_476 = tpu.vector_load %arg13[%get3A_474, %get3A_475] {strides = array<i32>} : memref<168x128xf32, #tpu.memory_space<vmem>>, vector<1x16xf32>,
        %get3A_477 = vector.shape_cast %get3A_476 : vector<1x16xf32> to vector<16xf32>
        %swap3A_478 = arith.index_cast %scan3A_356 : i32 to index
        %swap3A_479 = arith.constant 16 : index
        %swap3A_480 = tpu.vector_load %arg17[%swap3A_478, %swap3A_479] {strides = array<i32>} : memref<8x256xf32, #tpu.memory_space<vmem>>, vector<1x16xf32>,
        %swap3A_481 = vector.shape_cast %swap3A_480 : vector<1x16xf32> to vector<16xf32>
        %swap3A_482 = vector.shape_cast %get3A_477 : vector<16xf32> to vector<1x16xf32>
        tpu.vector_store %arg17[%swap3A_478, %swap3A_479], %swap3A_482 {strides = array<i32>} : memref<8x256xf32, #tpu.memory_space<vmem>>, vector<1x16xf32>,
        %swap3A_483 = arith.index_cast %scan3A_356 : i32 to index
        %swap3A_484 = arith.constant 160 : index
        %swap3A_485 = tpu.vector_load %arg17[%swap3A_483, %swap3A_484] {strides = array<i32>} : memref<8x256xf32, #tpu.memory_space<vmem>>, vector<1x16xf32>,
        %swap3A_486 = vector.shape_cast %swap3A_485 : vector<1x16xf32> to vector<16xf32>
        %swap3A_487 = vector.shape_cast %add3A_416 : vector<16xf32> to vector<1x16xf32>
        tpu.vector_store %arg17[%swap3A_483, %swap3A_484], %swap3A_487 {strides = array<i32>} : memref<8x256xf32, #tpu.memory_space<vmem>>, vector<1x16xf32>,
        %add3A_488 = arith.constant 160 : i32
        %add3A_489 = arith.addi %add3A_488, %scan3A_356 : i32
        %get3A_490 = arith.index_cast %add3A_489 : i32 to index
        %get3A_491 = arith.constant 32 : index
        %get3A_492 = tpu.vector_load %arg13[%get3A_490, %get3A_491] {strides = array<i32>} : memref<168x128xf32, #tpu.memory_space<vmem>>, vector<1x16xf32>,
        %get3A_493 = vector.shape_cast %get3A_492 : vector<1x16xf32> to vector<16xf32>
        %swap3A_494 = arith.index_cast %scan3A_356 : i32 to index
        %swap3A_495 = arith.constant 32 : index
        %swap3A_496 = tpu.vector_load %arg17[%swap3A_494, %swap3A_495] {strides = array<i32>} : memref<8x256xf32, #tpu.memory_space<vmem>>, vector<1x16xf32>,
        %swap3A_497 = vector.shape_cast %swap3A_496 : vector<1x16xf32> to vector<16xf32>
        %swap3A_498 = vector.shape_cast %get3A_493 : vector<16xf32> to vector<1x16xf32>
        tpu.vector_store %arg17[%swap3A_494, %swap3A_495], %swap3A_498 {strides = array<i32>} : memref<8x256xf32, #tpu.memory_space<vmem>>, vector<1x16xf32>,
        %swap3A_499 = arith.index_cast %scan3A_356 : i32 to index
        %swap3A_500 = arith.constant 176 : index
        %swap3A_501 = tpu.vector_load %arg17[%swap3A_499, %swap3A_500] {strides = array<i32>} : memref<8x256xf32, #tpu.memory_space<vmem>>, vector<1x16xf32>,
        %swap3A_502 = vector.shape_cast %swap3A_501 : vector<1x16xf32> to vector<16xf32>
        %swap3A_503 = vector.shape_cast %add3A_423 : vector<16xf32> to vector<1x16xf32>
        tpu.vector_store %arg17[%swap3A_499, %swap3A_500], %swap3A_503 {strides = array<i32>} : memref<8x256xf32, #tpu.memory_space<vmem>>, vector<1x16xf32>,
        %add3A_504 = arith.constant 160 : i32
        %add3A_505 = arith.addi %add3A_504, %scan3A_356 : i32
        %get3A_506 = arith.index_cast %add3A_505 : i32 to index
        %get3A_507 = arith.constant 48 : index
        %get3A_508 = tpu.vector_load %arg13[%get3A_506, %get3A_507] {strides = array<i32>} : memref<168x128xf32, #tpu.memory_space<vmem>>, vector<1x16xf32>,
        %get3A_509 = vector.shape_cast %get3A_508 : vector<1x16xf32> to vector<16xf32>
        %swap3A_510 = arith.index_cast %scan3A_356 : i32 to index
        %swap3A_511 = arith.constant 48 : index
        %swap3A_512 = tpu.vector_load %arg17[%swap3A_510, %swap3A_511] {strides = array<i32>} : memref<8x256xf32, #tpu.memory_space<vmem>>, vector<1x16xf32>,
        %swap3A_513 = vector.shape_cast %swap3A_512 : vector<1x16xf32> to vector<16xf32>
        %swap3A_514 = vector.shape_cast %get3A_509 : vector<16xf32> to vector<1x16xf32>
        tpu.vector_store %arg17[%swap3A_510, %swap3A_511], %swap3A_514 {strides = array<i32>} : memref<8x256xf32, #tpu.memory_space<vmem>>, vector<1x16xf32>,
        %swap3A_515 = arith.index_cast %scan3A_356 : i32 to index
        %swap3A_516 = arith.constant 192 : index
        %swap3A_517 = tpu.vector_load %arg17[%swap3A_515, %swap3A_516] {strides = array<i32>} : memref<8x256xf32, #tpu.memory_space<vmem>>, vector<1x16xf32>,
        %swap3A_518 = vector.shape_cast %swap3A_517 : vector<1x16xf32> to vector<16xf32>
        %swap3A_519 = vector.shape_cast %add3A_430 : vector<16xf32> to vector<1x16xf32>
        tpu.vector_store %arg17[%swap3A_515, %swap3A_516], %swap3A_519 {strides = array<i32>} : memref<8x256xf32, #tpu.memory_space<vmem>>, vector<1x16xf32>,
        %add3A_520 = arith.constant 160 : i32
        %add3A_521 = arith.addi %add3A_520, %scan3A_356 : i32
        %get3A_522 = arith.index_cast %add3A_521 : i32 to index
        %get3A_523 = arith.constant 64 : index
        %get3A_524 = tpu.vector_load %arg13[%get3A_522, %get3A_523] {strides = array<i32>} : memref<168x128xf32, #tpu.memory_space<vmem>>, vector<1x16xf32>,
        %get3A_525 = vector.shape_cast %get3A_524 : vector<1x16xf32> to vector<16xf32>
        %swap3A_526 = arith.index_cast %scan3A_356 : i32 to index
        %swap3A_527 = arith.constant 64 : index
        %swap3A_528 = tpu.vector_load %arg17[%swap3A_526, %swap3A_527] {strides = array<i32>} : memref<8x256xf32, #tpu.memory_space<vmem>>, vector<1x16xf32>,
        %swap3A_529 = vector.shape_cast %swap3A_528 : vector<1x16xf32> to vector<16xf32>
        %swap3A_530 = vector.shape_cast %get3A_525 : vector<16xf32> to vector<1x16xf32>
        tpu.vector_store %arg17[%swap3A_526, %swap3A_527], %swap3A_530 {strides = array<i32>} : memref<8x256xf32, #tpu.memory_space<vmem>>, vector<1x16xf32>,
        %swap3A_531 = arith.index_cast %scan3A_356 : i32 to index
        %swap3A_532 = arith.constant 208 : index
        %swap3A_533 = tpu.vector_load %arg17[%swap3A_531, %swap3A_532] {strides = array<i32>} : memref<8x256xf32, #tpu.memory_space<vmem>>, vector<1x16xf32>,
        %swap3A_534 = vector.shape_cast %swap3A_533 : vector<1x16xf32> to vector<16xf32>
        %swap3A_535 = vector.shape_cast %add3A_437 : vector<16xf32> to vector<1x16xf32>
        tpu.vector_store %arg17[%swap3A_531, %swap3A_532], %swap3A_535 {strides = array<i32>} : memref<8x256xf32, #tpu.memory_space<vmem>>, vector<1x16xf32>,
        %add3A_536 = arith.constant 160 : i32
        %add3A_537 = arith.addi %add3A_536, %scan3A_356 : i32
        %get3A_538 = arith.index_cast %add3A_537 : i32 to index
        %get3A_539 = arith.constant 80 : index
        %get3A_540 = tpu.vector_load %arg13[%get3A_538, %get3A_539] {strides = array<i32>} : memref<168x128xf32, #tpu.memory_space<vmem>>, vector<1x16xf32>,
        %get3A_541 = vector.shape_cast %get3A_540 : vector<1x16xf32> to vector<16xf32>
        %swap3A_542 = arith.index_cast %scan3A_356 : i32 to index
        %swap3A_543 = arith.constant 80 : index
        %swap3A_544 = tpu.vector_load %arg17[%swap3A_542, %swap3A_543] {strides = array<i32>} : memref<8x256xf32, #tpu.memory_space<vmem>>, vector<1x16xf32>,
        %swap3A_545 = vector.shape_cast %swap3A_544 : vector<1x16xf32> to vector<16xf32>
        %swap3A_546 = vector.shape_cast %get3A_541 : vector<16xf32> to vector<1x16xf32>
        tpu.vector_store %arg17[%swap3A_542, %swap3A_543], %swap3A_546 {strides = array<i32>} : memref<8x256xf32, #tpu.memory_space<vmem>>, vector<1x16xf32>,
        %swap3A_547 = arith.index_cast %scan3A_356 : i32 to index
        %swap3A_548 = arith.constant 224 : index
        %swap3A_549 = tpu.vector_load %arg17[%swap3A_547, %swap3A_548] {strides = array<i32>} : memref<8x256xf32, #tpu.memory_space<vmem>>, vector<1x16xf32>,
        %swap3A_550 = vector.shape_cast %swap3A_549 : vector<1x16xf32> to vector<16xf32>
        %swap3A_551 = vector.shape_cast %add3A_444 : vector<16xf32> to vector<1x16xf32>
        tpu.vector_store %arg17[%swap3A_547, %swap3A_548], %swap3A_551 {strides = array<i32>} : memref<8x256xf32, #tpu.memory_space<vmem>>, vector<1x16xf32>,
        %add3A_552 = arith.constant 160 : i32
        %add3A_553 = arith.addi %add3A_552, %scan3A_356 : i32
        %get3A_554 = arith.index_cast %add3A_553 : i32 to index
        %get3A_555 = arith.constant 96 : index
        %get3A_556 = tpu.vector_load %arg13[%get3A_554, %get3A_555] {strides = array<i32>} : memref<168x128xf32, #tpu.memory_space<vmem>>, vector<1x16xf32>,
        %get3A_557 = vector.shape_cast %get3A_556 : vector<1x16xf32> to vector<16xf32>
        %swap3A_558 = arith.index_cast %scan3A_356 : i32 to index
        %swap3A_559 = arith.constant 96 : index
        %swap3A_560 = tpu.vector_load %arg17[%swap3A_558, %swap3A_559] {strides = array<i32>} : memref<8x256xf32, #tpu.memory_space<vmem>>, vector<1x16xf32>,
        %swap3A_561 = vector.shape_cast %swap3A_560 : vector<1x16xf32> to vector<16xf32>
        %swap3A_562 = vector.shape_cast %get3A_557 : vector<16xf32> to vector<1x16xf32>
        tpu.vector_store %arg17[%swap3A_558, %swap3A_559], %swap3A_562 {strides = array<i32>} : memref<8x256xf32, #tpu.memory_space<vmem>>, vector<1x16xf32>,
        %swap3A_563 = arith.index_cast %scan3A_356 : i32 to index
        %swap3A_564 = arith.constant 240 : index
        %swap3A_565 = tpu.vector_load %arg17[%swap3A_563, %swap3A_564] {strides = array<i32>} : memref<8x256xf32, #tpu.memory_space<vmem>>, vector<1x16xf32>,
        %swap3A_566 = vector.shape_cast %swap3A_565 : vector<1x16xf32> to vector<16xf32>
        %swap3A_567 = vector.shape_cast %add3A_451 : vector<16xf32> to vector<1x16xf32>
        tpu.vector_store %arg17[%swap3A_563, %swap3A_564], %swap3A_567 {strides = array<i32>} : memref<8x256xf32, #tpu.memory_space<vmem>>, vector<1x16xf32>,
        %add3A_568 = arith.constant 160 : i32
        %add3A_569 = arith.addi %add3A_568, %scan3A_356 : i32
        %get3A_570 = arith.index_cast %add3A_569 : i32 to index
        %get3A_571 = arith.constant 112 : index
        %get3A_572 = tpu.vector_load %arg13[%get3A_570, %get3A_571] {strides = array<i32>} : memref<168x128xf32, #tpu.memory_space<vmem>>, vector<1x16xf32>,
        %get3A_573 = vector.shape_cast %get3A_572 : vector<1x16xf32> to vector<16xf32>
        %swap3A_574 = arith.index_cast %scan3A_356 : i32 to index
        %swap3A_575 = arith.constant 112 : index
        %swap3A_576 = tpu.vector_load %arg17[%swap3A_574, %swap3A_575] {strides = array<i32>} : memref<8x256xf32, #tpu.memory_space<vmem>>, vector<1x16xf32>,
        %swap3A_577 = vector.shape_cast %swap3A_576 : vector<1x16xf32> to vector<16xf32>
        %swap3A_578 = vector.shape_cast %get3A_573 : vector<16xf32> to vector<1x16xf32>
        tpu.vector_store %arg17[%swap3A_574, %swap3A_575], %swap3A_578 {strides = array<i32>} : memref<8x256xf32, #tpu.memory_space<vmem>>, vector<1x16xf32>,
      }
      %scan3A_348 = arith.constant 8 : i32
      %add3A_349 = arith.addi %mul3A_2, %add3A_300 : i32
      %mul3A_350 = arith.constant 8 : i32
      %mul3A_351 = arith.muli %add3A_349, %mul3A_350 : i32
      %dma_start3A_352 = arith.constant 0 : i32
      %dma_start3A_353 = tpu.memref_slice %arg6[%mul3A_351, %dma_start3A_352] : memref<65536x256xf32, #tpu.memory_space<hbm>> -> memref<8x256xf32, #tpu.memory_space<hbm>>
      %dma_start3A_354 = arith.constant 0 : i32
      %dma_start3A_355 = tpu.memref_slice %arg6[%mul3A_351, %dma_start3A_354] : memref<65536x256xf32, #tpu.memory_space<hbm>> -> memref<8x256xf32, #tpu.memory_space<hbm>>
      tpu.enqueue_dma source(%arg17 : memref<8x256xf32, #tpu.memory_space<vmem>>) target(%dma_start3A_355 : memref<8x256xf32, #tpu.memory_space<hbm>>) target_semaphore(%arg26 : memref<!tpu.dma_semaphore, #tpu.memory_space<semaphore_mem>>)
    }
    %scan3A_72 = arith.constant 64 : i32
    %dma_wait3A_73 = arith.constant 0 : i32
    %dma_wait3A_74 = arith.constant 0 : i32
    %dma_wait3A_75 = tpu.memref_slice %arg6[%dma_wait3A_73, %dma_wait3A_74] : memref<65536x256xf32, #tpu.memory_space<hbm>> -> memref<8x256xf32, #tpu.memory_space<hbm>>
    %dma_wait3A_76 = arith.constant 0 : i32
    %dma_wait3A_77 = arith.constant 0 : i32
    %dma_wait3A_78 = tpu.memref_slice %arg6[%dma_wait3A_76, %dma_wait3A_77] : memref<65536x256xf32, #tpu.memory_space<hbm>> -> memref<8x256xf32, #tpu.memory_space<hbm>>
    tpu.wait_dma2 semaphore(%arg23 : memref<!tpu.dma_semaphore, #tpu.memory_space<semaphore_mem>>) src(%arg14 : memref<8x256xf32, #tpu.memory_space<vmem>>) dst(%dma_wait3A_78 : memref<8x256xf32, #tpu.memory_space<hbm>>)
    %dma_wait3A_79 = arith.constant 0 : i32
    %dma_wait3A_80 = arith.constant 0 : i32
    %dma_wait3A_81 = tpu.memref_slice %arg6[%dma_wait3A_79, %dma_wait3A_80] : memref<65536x256xf32, #tpu.memory_space<hbm>> -> memref<8x256xf32, #tpu.memory_space<hbm>>
    %dma_wait3A_82 = arith.constant 0 : i32
    %dma_wait3A_83 = arith.constant 0 : i32
    %dma_wait3A_84 = tpu.memref_slice %arg6[%dma_wait3A_82, %dma_wait3A_83] : memref<65536x256xf32, #tpu.memory_space<hbm>> -> memref<8x256xf32, #tpu.memory_space<hbm>>
    tpu.wait_dma2 semaphore(%arg24 : memref<!tpu.dma_semaphore, #tpu.memory_space<semaphore_mem>>) src(%arg15 : memref<8x256xf32, #tpu.memory_space<vmem>>) dst(%dma_wait3A_84 : memref<8x256xf32, #tpu.memory_space<hbm>>)
    %dma_wait3A_85 = arith.constant 0 : i32
    %dma_wait3A_86 = arith.constant 0 : i32
    %dma_wait3A_87 = tpu.memref_slice %arg6[%dma_wait3A_85, %dma_wait3A_86] : memref<65536x256xf32, #tpu.memory_space<hbm>> -> memref<8x256xf32, #tpu.memory_space<hbm>>
    %dma_wait3A_88 = arith.constant 0 : i32
    %dma_wait3A_89 = arith.constant 0 : i32
    %dma_wait3A_90 = tpu.memref_slice %arg6[%dma_wait3A_88, %dma_wait3A_89] : memref<65536x256xf32, #tpu.memory_space<hbm>> -> memref<8x256xf32, #tpu.memory_space<hbm>>
    tpu.wait_dma2 semaphore(%arg25 : memref<!tpu.dma_semaphore, #tpu.memory_space<semaphore_mem>>) src(%arg16 : memref<8x256xf32, #tpu.memory_space<vmem>>) dst(%dma_wait3A_90 : memref<8x256xf32, #tpu.memory_space<hbm>>)
    %dma_wait3A_91 = arith.constant 0 : i32
    %dma_wait3A_92 = arith.constant 0 : i32
    %dma_wait3A_93 = tpu.memref_slice %arg6[%dma_wait3A_91, %dma_wait3A_92] : memref<65536x256xf32, #tpu.memory_space<hbm>> -> memref<8x256xf32, #tpu.memory_space<hbm>>
    %dma_wait3A_94 = arith.constant 0 : i32
    %dma_wait3A_95 = arith.constant 0 : i32
    %dma_wait3A_96 = tpu.memref_slice %arg6[%dma_wait3A_94, %dma_wait3A_95] : memref<65536x256xf32, #tpu.memory_space<hbm>> -> memref<8x256xf32, #tpu.memory_space<hbm>>
    tpu.wait_dma2 semaphore(%arg26 : memref<!tpu.dma_semaphore, #tpu.memory_space<semaphore_mem>>) src(%arg17 : memref<8x256xf32, #tpu.memory_space<vmem>>) dst(%dma_wait3A_96 : memref<8x256xf32, #tpu.memory_space<hbm>>)
    %mul3A_97 = arith.constant 8 : i32
    %mul3A_98 = arith.muli %add3A, %mul3A_97 : i32
    %dma_start3A_99 = arith.constant 0 : i32
    %dma_start3A_100 = tpu.memref_slice %arg3[%mul3A_98, %dma_start3A_99] : memref<256x128xi32, #tpu.memory_space<hbm>> -> memref<8x128xi32, #tpu.memory_space<hbm>>
    %dma_start3A_101 = arith.constant 0 : i32
    %dma_start3A_102 = tpu.memref_slice %arg3[%mul3A_98, %dma_start3A_101] : memref<256x128xi32, #tpu.memory_space<hbm>> -> memref<8x128xi32, #tpu.memory_space<hbm>>
    tpu.enqueue_dma source(%dma_start3A_102 : memref<8x128xi32, #tpu.memory_space<hbm>>) target(%arg18 : memref<8x128xi32, #tpu.memory_space<vmem>>) target_semaphore(%arg27 : memref<!tpu.dma_semaphore, #tpu.memory_space<semaphore_mem>>)
    %dma_wait3A_103 = arith.constant 0 : i32
    %dma_wait3A_104 = tpu.memref_slice %arg3[%mul3A_98, %dma_wait3A_103] : memref<256x128xi32, #tpu.memory_space<hbm>> -> memref<8x128xi32, #tpu.memory_space<hbm>>
    %dma_wait3A_105 = arith.constant 0 : i32
    %dma_wait3A_106 = tpu.memref_slice %arg3[%mul3A_98, %dma_wait3A_105] : memref<256x128xi32, #tpu.memory_space<hbm>> -> memref<8x128xi32, #tpu.memory_space<hbm>>
    tpu.wait_dma2 semaphore(%arg27 : memref<!tpu.dma_semaphore, #tpu.memory_space<semaphore_mem>>) src(%dma_wait3A_106 : memref<8x128xi32, #tpu.memory_space<hbm>>) dst(%arg18 : memref<8x128xi32, #tpu.memory_space<vmem>>)
    %dma_start3A_107 = arith.constant 0 : i32
    %dma_start3A_108 = arith.constant 0 : i32
    %dma_start3A_109 = arith.constant 0 : i32
    %dma_start3A_110 = tpu.memref_slice %arg10[%dma_start3A_108, %dma_start3A_109] : memref<168x128xf32, #tpu.memory_space<vmem>> -> memref<128x128xf32, #tpu.memory_space<vmem>>
    %dma_start3A_111 = arith.constant 0 : i32
    %dma_start3A_112 = tpu.memref_slice %arg18[%dma_start3A_107, %dma_start3A_111] : memref<8x128xi32, #tpu.memory_space<vmem>> -> memref<1x128xi32, #tpu.memory_space<vmem>>
    %dma_start3A_113 = tpu.memref_squeeze %dma_start3A_112 : memref<1x128xi32, #tpu.memory_space<vmem>> -> memref<128xi32, #tpu.memory_space<vmem>>
    %dma_start3A_114 = arith.constant 0 : i32
    %dma_start3A_115 = arith.constant 0 : i32
    %dma_start3A_116 = tpu.memref_slice %arg5[%dma_start3A_114, %dma_start3A_115] : memref<1000x128xf32, #tpu.memory_space<hbm>> -> memref<1000x128xf32, #tpu.memory_space<hbm>>
    tpu.enqueue_indirect_dma source(%dma_start3A_116 : memref<1000x128xf32, #tpu.memory_space<hbm>>) target(%dma_start3A_110 : memref<128x128xf32, #tpu.memory_space<vmem>>) offsets(%dma_start3A_113 : memref<128xi32, #tpu.memory_space<vmem>>) semaphore(%arg28 : memref<!tpu.dma_semaphore, #tpu.memory_space<semaphore_mem>>)
    %scan3A_117 = arith.constant 0 : i32
    %scan3A_118 = arith.constant 0 : i32
    %scan3A_119 = arith.constant 8 : i32
    %scan3A_120 = arith.addi %scan3A_118, %scan3A_119 : i32
    %scan3A_121 = arith.constant 1 : i32
    scf.for %scan3A_123 = %scan3A_118 to %scan3A_120 step %scan3A_121  : i32 {
      %add3A_124 = arith.constant 1 : i32
      %add3A_125 = arith.addi %scan3A_123, %add3A_124 : i32
      %lt3A = arith.constant 8 : i32
      %lt3A_126 = arith.cmpi slt, %add3A_125, %lt3A : i32
      %convert_element_type3A_127 = arith.extui %lt3A_126 : i1 to i32
      %cond3A_128 = arith.constant 0 : i32
      %cond3A_129 = arith.cmpi ne, %convert_element_type3A_127, %cond3A_128 : i32
      scf.if %cond3A_129 {
        %rem3A_144 = arith.constant 2 : i32
        %rem3A_145 = arith.remsi %scan3A_123, %rem3A_144 : i32
        %eq3A_146 = arith.constant 0 : i32
        %eq3A_147 = arith.cmpi eq, %rem3A_145, %eq3A_146 : i32
        %convert_element_type3A_148 = arith.extui %eq3A_147 : i1 to i32
        %cond3A_149 = arith.constant 0 : i32
        %cond3A_150 = arith.cmpi ne, %convert_element_type3A_148, %cond3A_149 : i32
        scf.if %cond3A_150 {
          %add3A_158 = arith.constant 1 : i32
          %add3A_159 = arith.addi %scan3A_123, %add3A_158 : i32
          %dma_start3A_160 = arith.constant 0 : i32
          %dma_start3A_161 = arith.constant 0 : i32
          %dma_start3A_162 = tpu.memref_slice %arg11[%dma_start3A_160, %dma_start3A_161] : memref<168x128xf32, #tpu.memory_space<vmem>> -> memref<128x128xf32, #tpu.memory_space<vmem>>
          %dma_start3A_163 = arith.constant 0 : i32
          %dma_start3A_164 = tpu.memref_slice %arg18[%add3A_159, %dma_start3A_163] : memref<8x128xi32, #tpu.memory_space<vmem>> -> memref<1x128xi32, #tpu.memory_space<vmem>>
          %dma_start3A_165 = tpu.memref_squeeze %dma_start3A_164 : memref<1x128xi32, #tpu.memory_space<vmem>> -> memref<128xi32, #tpu.memory_space<vmem>>
          %dma_start3A_166 = arith.constant 0 : i32
          %dma_start3A_167 = arith.constant 0 : i32
          %dma_start3A_168 = tpu.memref_slice %arg5[%dma_start3A_166, %dma_start3A_167] : memref<1000x128xf32, #tpu.memory_space<hbm>> -> memref<1000x128xf32, #tpu.memory_space<hbm>>
          tpu.enqueue_indirect_dma source(%dma_start3A_168 : memref<1000x128xf32, #tpu.memory_space<hbm>>) target(%dma_start3A_162 : memref<128x128xf32, #tpu.memory_space<vmem>>) offsets(%dma_start3A_165 : memref<128xi32, #tpu.memory_space<vmem>>) semaphore(%arg29 : memref<!tpu.dma_semaphore, #tpu.memory_space<semaphore_mem>>)
        } else {
        }
        %rem3A_151 = arith.constant 2 : i32
        %rem3A_152 = arith.remsi %scan3A_123, %rem3A_151 : i32
        %eq3A_153 = arith.constant 1 : i32
        %eq3A_154 = arith.cmpi eq, %rem3A_152, %eq3A_153 : i32
        %convert_element_type3A_155 = arith.extui %eq3A_154 : i1 to i32
        %cond3A_156 = arith.constant 0 : i32
        %cond3A_157 = arith.cmpi ne, %convert_element_type3A_155, %cond3A_156 : i32
        scf.if %cond3A_157 {
          %add3A_158 = arith.constant 1 : i32
          %add3A_159 = arith.addi %scan3A_123, %add3A_158 : i32
          %dma_start3A_160 = arith.constant 0 : i32
          %dma_start3A_161 = arith.constant 0 : i32
          %dma_start3A_162 = tpu.memref_slice %arg10[%dma_start3A_160, %dma_start3A_161] : memref<168x128xf32, #tpu.memory_space<vmem>> -> memref<128x128xf32, #tpu.memory_space<vmem>>
          %dma_start3A_163 = arith.constant 0 : i32
          %dma_start3A_164 = tpu.memref_slice %arg18[%add3A_159, %dma_start3A_163] : memref<8x128xi32, #tpu.memory_space<vmem>> -> memref<1x128xi32, #tpu.memory_space<vmem>>
          %dma_start3A_165 = tpu.memref_squeeze %dma_start3A_164 : memref<1x128xi32, #tpu.memory_space<vmem>> -> memref<128xi32, #tpu.memory_space<vmem>>
          %dma_start3A_166 = arith.constant 0 : i32
          %dma_start3A_167 = arith.constant 0 : i32
          %dma_start3A_168 = tpu.memref_slice %arg5[%dma_start3A_166, %dma_start3A_167] : memref<1000x128xf32, #tpu.memory_space<hbm>> -> memref<1000x128xf32, #tpu.memory_space<hbm>>
          tpu.enqueue_indirect_dma source(%dma_start3A_168 : memref<1000x128xf32, #tpu.memory_space<hbm>>) target(%dma_start3A_162 : memref<128x128xf32, #tpu.memory_space<vmem>>) offsets(%dma_start3A_165 : memref<128xi32, #tpu.memory_space<vmem>>) semaphore(%arg28 : memref<!tpu.dma_semaphore, #tpu.memory_space<semaphore_mem>>)
        } else {
        }
      } else {
      }
      %rem3A_130 = arith.constant 2 : i32
      %rem3A_131 = arith.remsi %scan3A_123, %rem3A_130 : i32
      %eq3A_132 = arith.constant 0 : i32
      %eq3A_133 = arith.cmpi eq, %rem3A_131, %eq3A_132 : i32
      %convert_element_type3A_134 = arith.extui %eq3A_133 : i1 to i32
      %cond3A_135 = arith.constant 0 : i32
      %cond3A_136 = arith.cmpi ne, %convert_element_type3A_134, %cond3A_135 : i32
      scf.if %cond3A_136 {
        %dma_wait3A_144 = arith.constant 0 : i32
        %dma_wait3A_145 = arith.constant 0 : i32
        %dma_wait3A_146 = arith.constant 0 : i32
        %dma_wait3A_147 = tpu.memref_slice %arg10[%dma_wait3A_145, %dma_wait3A_146] : memref<168x128xf32, #tpu.memory_space<vmem>> -> memref<128x128xf32, #tpu.memory_space<vmem>>
        %dma_wait3A_148 = arith.constant 0 : i32
        %dma_wait3A_149 = tpu.memref_slice %arg18[%dma_wait3A_144, %dma_wait3A_148] : memref<8x128xi32, #tpu.memory_space<vmem>> -> memref<1x128xi32, #tpu.memory_space<vmem>>
        %dma_wait3A_150 = tpu.memref_squeeze %dma_wait3A_149 : memref<1x128xi32, #tpu.memory_space<vmem>> -> memref<128xi32, #tpu.memory_space<vmem>>
        %dma_wait3A_151 = arith.constant 0 : i32
        %dma_wait3A_152 = arith.constant 0 : i32
        %dma_wait3A_153 = tpu.memref_slice %arg5[%dma_wait3A_151, %dma_wait3A_152] : memref<1000x128xf32, #tpu.memory_space<hbm>> -> memref<1000x128xf32, #tpu.memory_space<hbm>>
        tpu.wait_indirect_dma semaphore(%arg28 : memref<!tpu.dma_semaphore, #tpu.memory_space<semaphore_mem>>) src(%dma_wait3A_153 : memref<1000x128xf32, #tpu.memory_space<hbm>>) dst(%dma_wait3A_147 : memref<128x128xf32, #tpu.memory_space<vmem>>)
        %mul3A_154 = arith.constant 1024 : i32
        %mul3A_155 = arith.muli %add3A, %mul3A_154 : i32
        %mul3A_156 = arith.constant 128 : i32
        %mul3A_157 = arith.muli %scan3A_123, %mul3A_156 : i32
        %add3A_158 = arith.addi %mul3A_155, %mul3A_157 : i32
        "tpu.region"() ({
          %run_scoped3A = tpu.sem_alloc : memref<!tpu.dma_semaphore, #tpu.memory_space<semaphore_mem>>
          %dma_start3A_159 = arith.constant 0 : i32
          %dma_start3A_160 = arith.constant 0 : i32
          %dma_start3A_161 = tpu.memref_slice %arg10[%dma_start3A_159, %dma_start3A_160] : memref<168x128xf32, #tpu.memory_space<vmem>> -> memref<128x128xf32, #tpu.memory_space<vmem>>
          %dma_start3A_162 = arith.constant 0 : i32
          %dma_start3A_163 = tpu.memref_slice %arg7[%add3A_158, %dma_start3A_162] : memref<32768x128xf32, #tpu.memory_space<hbm>> -> memref<128x128xf32, #tpu.memory_space<hbm>>
          %dma_start3A_164 = arith.constant 0 : i32
          %dma_start3A_165 = tpu.memref_slice %arg7[%add3A_158, %dma_start3A_164] : memref<32768x128xf32, #tpu.memory_space<hbm>> -> memref<128x128xf32, #tpu.memory_space<hbm>>
          %dma_start3A_166 = arith.constant 0 : i32
          %dma_start3A_167 = arith.constant 0 : i32
          %dma_start3A_168 = tpu.memref_slice %arg10[%dma_start3A_166, %dma_start3A_167] : memref<168x128xf32, #tpu.memory_space<vmem>> -> memref<128x128xf32, #tpu.memory_space<vmem>>
          tpu.enqueue_dma source(%dma_start3A_168 : memref<128x128xf32, #tpu.memory_space<vmem>>) target(%dma_start3A_165 : memref<128x128xf32, #tpu.memory_space<hbm>>) target_semaphore(%run_scoped3A : memref<!tpu.dma_semaphore, #tpu.memory_space<semaphore_mem>>)
          %dma_wait3A_169 = arith.constant 0 : i32
          %dma_wait3A_170 = arith.constant 0 : i32
          %dma_wait3A_171 = tpu.memref_slice %arg10[%dma_wait3A_169, %dma_wait3A_170] : memref<168x128xf32, #tpu.memory_space<vmem>> -> memref<128x128xf32, #tpu.memory_space<vmem>>
          %dma_wait3A_172 = arith.constant 0 : i32
          %dma_wait3A_173 = tpu.memref_slice %arg7[%add3A_158, %dma_wait3A_172] : memref<32768x128xf32, #tpu.memory_space<hbm>> -> memref<128x128xf32, #tpu.memory_space<hbm>>
          %dma_wait3A_174 = arith.constant 0 : i32
          %dma_wait3A_175 = tpu.memref_slice %arg7[%add3A_158, %dma_wait3A_174] : memref<32768x128xf32, #tpu.memory_space<hbm>> -> memref<128x128xf32, #tpu.memory_space<hbm>>
          %dma_wait3A_176 = arith.constant 0 : i32
          %dma_wait3A_177 = arith.constant 0 : i32
          %dma_wait3A_178 = tpu.memref_slice %arg10[%dma_wait3A_176, %dma_wait3A_177] : memref<168x128xf32, #tpu.memory_space<vmem>> -> memref<128x128xf32, #tpu.memory_space<vmem>>
          tpu.wait_dma2 semaphore(%run_scoped3A : memref<!tpu.dma_semaphore, #tpu.memory_space<semaphore_mem>>) src(%dma_wait3A_178 : memref<128x128xf32, #tpu.memory_space<vmem>>) dst(%dma_wait3A_175 : memref<128x128xf32, #tpu.memory_space<hbm>>)
          tpu.yield
        }) : () -> ()
      } else {
      }
      %rem3A_137 = arith.constant 2 : i32
      %rem3A_138 = arith.remsi %scan3A_123, %rem3A_137 : i32
      %eq3A_139 = arith.constant 1 : i32
      %eq3A_140 = arith.cmpi eq, %rem3A_138, %eq3A_139 : i32
      %convert_element_type3A_141 = arith.extui %eq3A_140 : i1 to i32
      %cond3A_142 = arith.constant 0 : i32
      %cond3A_143 = arith.cmpi ne, %convert_element_type3A_141, %cond3A_142 : i32
      scf.if %cond3A_143 {
        %dma_wait3A_144 = arith.constant 0 : i32
        %dma_wait3A_145 = arith.constant 0 : i32
        %dma_wait3A_146 = arith.constant 0 : i32
        %dma_wait3A_147 = tpu.memref_slice %arg11[%dma_wait3A_145, %dma_wait3A_146] : memref<168x128xf32, #tpu.memory_space<vmem>> -> memref<128x128xf32, #tpu.memory_space<vmem>>
        %dma_wait3A_148 = arith.constant 0 : i32
        %dma_wait3A_149 = tpu.memref_slice %arg18[%dma_wait3A_144, %dma_wait3A_148] : memref<8x128xi32, #tpu.memory_space<vmem>> -> memref<1x128xi32, #tpu.memory_space<vmem>>
        %dma_wait3A_150 = tpu.memref_squeeze %dma_wait3A_149 : memref<1x128xi32, #tpu.memory_space<vmem>> -> memref<128xi32, #tpu.memory_space<vmem>>
        %dma_wait3A_151 = arith.constant 0 : i32
        %dma_wait3A_152 = arith.constant 0 : i32
        %dma_wait3A_153 = tpu.memref_slice %arg5[%dma_wait3A_151, %dma_wait3A_152] : memref<1000x128xf32, #tpu.memory_space<hbm>> -> memref<1000x128xf32, #tpu.memory_space<hbm>>
        tpu.wait_indirect_dma semaphore(%arg29 : memref<!tpu.dma_semaphore, #tpu.memory_space<semaphore_mem>>) src(%dma_wait3A_153 : memref<1000x128xf32, #tpu.memory_space<hbm>>) dst(%dma_wait3A_147 : memref<128x128xf32, #tpu.memory_space<vmem>>)
        %mul3A_154 = arith.constant 1024 : i32
        %mul3A_155 = arith.muli %add3A, %mul3A_154 : i32
        %mul3A_156 = arith.constant 128 : i32
        %mul3A_157 = arith.muli %scan3A_123, %mul3A_156 : i32
        %add3A_158 = arith.addi %mul3A_155, %mul3A_157 : i32
        "tpu.region"() ({
          %run_scoped3A = tpu.sem_alloc : memref<!tpu.dma_semaphore, #tpu.memory_space<semaphore_mem>>
          %dma_start3A_159 = arith.constant 0 : i32
          %dma_start3A_160 = arith.constant 0 : i32
          %dma_start3A_161 = tpu.memref_slice %arg11[%dma_start3A_159, %dma_start3A_160] : memref<168x128xf32, #tpu.memory_space<vmem>> -> memref<128x128xf32, #tpu.memory_space<vmem>>
          %dma_start3A_162 = arith.constant 0 : i32
          %dma_start3A_163 = tpu.memref_slice %arg7[%add3A_158, %dma_start3A_162] : memref<32768x128xf32, #tpu.memory_space<hbm>> -> memref<128x128xf32, #tpu.memory_space<hbm>>
          %dma_start3A_164 = arith.constant 0 : i32
          %dma_start3A_165 = tpu.memref_slice %arg7[%add3A_158, %dma_start3A_164] : memref<32768x128xf32, #tpu.memory_space<hbm>> -> memref<128x128xf32, #tpu.memory_space<hbm>>
          %dma_start3A_166 = arith.constant 0 : i32
          %dma_start3A_167 = arith.constant 0 : i32
          %dma_start3A_168 = tpu.memref_slice %arg11[%dma_start3A_166, %dma_start3A_167] : memref<168x128xf32, #tpu.memory_space<vmem>> -> memref<128x128xf32, #tpu.memory_space<vmem>>
          tpu.enqueue_dma source(%dma_start3A_168 : memref<128x128xf32, #tpu.memory_space<vmem>>) target(%dma_start3A_165 : memref<128x128xf32, #tpu.memory_space<hbm>>) target_semaphore(%run_scoped3A : memref<!tpu.dma_semaphore, #tpu.memory_space<semaphore_mem>>)
          %dma_wait3A_169 = arith.constant 0 : i32
          %dma_wait3A_170 = arith.constant 0 : i32
          %dma_wait3A_171 = tpu.memref_slice %arg11[%dma_wait3A_169, %dma_wait3A_170] : memref<168x128xf32, #tpu.memory_space<vmem>> -> memref<128x128xf32, #tpu.memory_space<vmem>>
          %dma_wait3A_172 = arith.constant 0 : i32
          %dma_wait3A_173 = tpu.memref_slice %arg7[%add3A_158, %dma_wait3A_172] : memref<32768x128xf32, #tpu.memory_space<hbm>> -> memref<128x128xf32, #tpu.memory_space<hbm>>
          %dma_wait3A_174 = arith.constant 0 : i32
          %dma_wait3A_175 = tpu.memref_slice %arg7[%add3A_158, %dma_wait3A_174] : memref<32768x128xf32, #tpu.memory_space<hbm>> -> memref<128x128xf32, #tpu.memory_space<hbm>>
          %dma_wait3A_176 = arith.constant 0 : i32
          %dma_wait3A_177 = arith.constant 0 : i32
          %dma_wait3A_178 = tpu.memref_slice %arg11[%dma_wait3A_176, %dma_wait3A_177] : memref<168x128xf32, #tpu.memory_space<vmem>> -> memref<128x128xf32, #tpu.memory_space<vmem>>
          tpu.wait_dma2 semaphore(%run_scoped3A : memref<!tpu.dma_semaphore, #tpu.memory_space<semaphore_mem>>) src(%dma_wait3A_178 : memref<128x128xf32, #tpu.memory_space<vmem>>) dst(%dma_wait3A_175 : memref<128x128xf32, #tpu.memory_space<hbm>>)
          tpu.yield
        }) : () -> ()
      } else {
      }
    }
    %scan3A_122 = arith.constant 8 : i32
    return
  }
}

module attributes {stable_mosaic.version = 14 : i64} {
  func.func @_tc_body(%arg0: i32, %arg1: memref<1024x256xf32, #tpu.memory_space<vmem>>, %arg2: memref<1024x256xf32, #tpu.memory_space<vmem>>, %arg3: memref<1024x256xf32, #tpu.memory_space<vmem>>, %arg4: memref<1024x256xf32, #tpu.memory_space<vmem>>, %arg5: memref<1024x128xf32, #tpu.memory_space<vmem>>, %arg6: memref<1024x128xf32, #tpu.memory_space<vmem>>, %arg7: memref<256x128xf32, #tpu.memory_space<vmem>>, %arg8: memref<1x128xf32, #tpu.memory_space<vmem>>, %arg9: memref<1x1xf32, #tpu.memory_space<smem>>) attributes {dimension_semantics = [#tpu.dimension_semantics<arbitrary>], iteration_bounds = array<i64: 16>, scalar_prefetch = 0 : i64, scratch_operands = 0 : i64, tpu.core_type = #tpu.core_type<tc>, window_params = [{transform_indices = @transform_0, window_bounds = array<i64: 1024, 256>}, {transform_indices = @transform_1, window_bounds = array<i64: 1024, 256>}, {transform_indices = @transform_2, window_bounds = array<i64: 1024, 256>}, {transform_indices = @transform_3, window_bounds = array<i64: 1024, 256>}, {transform_indices = @transform_4, window_bounds = array<i64: 1024, 128>}, {transform_indices = @transform_5, window_bounds = array<i64: 1024, 128>}, {pipeline_mode = #tpu.pipeline_mode<synchronous>, transform_indices = @transform_6, window_bounds = array<i64: 256, 128>}, {pipeline_mode = #tpu.pipeline_mode<synchronous>, transform_indices = @transform_7, window_bounds = array<i64: 1, 128>}, {transform_indices = @transform_8, window_bounds = array<i64: 1, 1>}]} {
    %get3A = arith.constant 0 : index
    %get3A_0 = arith.constant 0 : index
    %get3A_1 = vector.load %arg1[%get3A, %get3A_0] : memref<1024x256xf32, #tpu.memory_space<vmem>>, vector<1024x256xf32>
    %get3A_2 = arith.constant 0 : index
    %get3A_3 = arith.constant 0 : index
    %get3A_4 = vector.load %arg7[%get3A_2, %get3A_3] : memref<256x128xf32, #tpu.memory_space<vmem>>, vector<256x128xf32>
    %dot_general3A = arith.constant dense<0.000000e+00> : vector<1024x128xf32>
    %dot_general3A_5 = tpu.matmul %get3A_1, %get3A_4, %dot_general3A {dimension_numbers = #tpu.dot_dimension_numbers<[1], [0], [0], [1], [0, 0, 1, 1], [], []>, transpose_lhs_hint = false} : vector<1024x256xf32>, vector<256x128xf32>, vector<1024x128xf32> -> vector<1024x128xf32>
    %get3A_6 = arith.constant 0 : index
    %get3A_7 = arith.constant 0 : index
    %get3A_8 = vector.load %arg8[%get3A_6, %get3A_7] : memref<1x128xf32, #tpu.memory_space<vmem>>, vector<1x128xf32>
    %add3A = vector.broadcast %get3A_8 : vector<1x128xf32> to vector<1024x128xf32>
    %add3A_9 = arith.addf %dot_general3A_5, %add3A : vector<1024x128xf32>
    %max3A = arith.constant 0.000000e+00 : f32
    %max3A_10 = vector.broadcast %max3A : f32 to vector<1024x128xf32>
    %max3A_11 = arith.maximumf %add3A_9, %max3A_10 : vector<1024x128xf32>
    %get3A_12 = arith.constant 0 : index
    %get3A_13 = arith.constant 0 : index
    %get3A_14 = vector.load %arg2[%get3A_12, %get3A_13] : memref<1024x256xf32, #tpu.memory_space<vmem>>, vector<1024x256xf32>
    %get3A_15 = arith.constant 0 : index
    %get3A_16 = arith.constant 0 : index
    %get3A_17 = vector.load %arg7[%get3A_15, %get3A_16] : memref<256x128xf32, #tpu.memory_space<vmem>>, vector<256x128xf32>
    %dot_general3A_18 = arith.constant dense<0.000000e+00> : vector<1024x128xf32>
    %dot_general3A_19 = tpu.matmul %get3A_14, %get3A_17, %dot_general3A_18 {dimension_numbers = #tpu.dot_dimension_numbers<[1], [0], [0], [1], [0, 0, 1, 1], [], []>, transpose_lhs_hint = false} : vector<1024x256xf32>, vector<256x128xf32>, vector<1024x128xf32> -> vector<1024x128xf32>
    %get3A_20 = arith.constant 0 : index
    %get3A_21 = arith.constant 0 : index
    %get3A_22 = vector.load %arg8[%get3A_20, %get3A_21] : memref<1x128xf32, #tpu.memory_space<vmem>>, vector<1x128xf32>
    %add3A_23 = vector.broadcast %get3A_22 : vector<1x128xf32> to vector<1024x128xf32>
    %add3A_24 = arith.addf %dot_general3A_19, %add3A_23 : vector<1024x128xf32>
    %max3A_25 = arith.constant 0.000000e+00 : f32
    %max3A_26 = vector.broadcast %max3A_25 : f32 to vector<1024x128xf32>
    %max3A_27 = arith.maximumf %add3A_24, %max3A_26 : vector<1024x128xf32>
    %get3A_28 = arith.constant 0 : index
    %get3A_29 = arith.constant 0 : index
    %get3A_30 = vector.load %arg3[%get3A_28, %get3A_29] : memref<1024x256xf32, #tpu.memory_space<vmem>>, vector<1024x256xf32>
    %get3A_31 = arith.constant 0 : index
    %get3A_32 = arith.constant 0 : index
    %get3A_33 = vector.load %arg7[%get3A_31, %get3A_32] : memref<256x128xf32, #tpu.memory_space<vmem>>, vector<256x128xf32>
    %dot_general3A_34 = arith.constant dense<0.000000e+00> : vector<1024x128xf32>
    %dot_general3A_35 = tpu.matmul %get3A_30, %get3A_33, %dot_general3A_34 {dimension_numbers = #tpu.dot_dimension_numbers<[1], [0], [0], [1], [0, 0, 1, 1], [], []>, transpose_lhs_hint = false} : vector<1024x256xf32>, vector<256x128xf32>, vector<1024x128xf32> -> vector<1024x128xf32>
    %get3A_36 = arith.constant 0 : index
    %get3A_37 = arith.constant 0 : index
    %get3A_38 = vector.load %arg8[%get3A_36, %get3A_37] : memref<1x128xf32, #tpu.memory_space<vmem>>, vector<1x128xf32>
    %add3A_39 = vector.broadcast %get3A_38 : vector<1x128xf32> to vector<1024x128xf32>
    %add3A_40 = arith.addf %dot_general3A_35, %add3A_39 : vector<1024x128xf32>
    %max3A_41 = arith.constant 0.000000e+00 : f32
    %max3A_42 = vector.broadcast %max3A_41 : f32 to vector<1024x128xf32>
    %max3A_43 = arith.maximumf %add3A_40, %max3A_42 : vector<1024x128xf32>
    %get3A_44 = arith.constant 0 : index
    %get3A_45 = arith.constant 0 : index
    %get3A_46 = vector.load %arg4[%get3A_44, %get3A_45] : memref<1024x256xf32, #tpu.memory_space<vmem>>, vector<1024x256xf32>
    %get3A_47 = arith.constant 0 : index
    %get3A_48 = arith.constant 0 : index
    %get3A_49 = vector.load %arg7[%get3A_47, %get3A_48] : memref<256x128xf32, #tpu.memory_space<vmem>>, vector<256x128xf32>
    %dot_general3A_50 = arith.constant dense<0.000000e+00> : vector<1024x128xf32>
    %dot_general3A_51 = tpu.matmul %get3A_46, %get3A_49, %dot_general3A_50 {dimension_numbers = #tpu.dot_dimension_numbers<[1], [0], [0], [1], [0, 0, 1, 1], [], []>, transpose_lhs_hint = false} : vector<1024x256xf32>, vector<256x128xf32>, vector<1024x128xf32> -> vector<1024x128xf32>
    %get3A_52 = arith.constant 0 : index
    %get3A_53 = arith.constant 0 : index
    %get3A_54 = vector.load %arg8[%get3A_52, %get3A_53] : memref<1x128xf32, #tpu.memory_space<vmem>>, vector<1x128xf32>
    %add3A_55 = vector.broadcast %get3A_54 : vector<1x128xf32> to vector<1024x128xf32>
    %add3A_56 = arith.addf %dot_general3A_51, %add3A_55 : vector<1024x128xf32>
    %max3A_57 = arith.constant 0.000000e+00 : f32
    %max3A_58 = vector.broadcast %max3A_57 : f32 to vector<1024x128xf32>
    %max3A_59 = arith.maximumf %add3A_56, %max3A_58 : vector<1024x128xf32>
    %get3A_60 = arith.constant 0 : index
    %get3A_61 = arith.constant 0 : index
    %get3A_62 = vector.load %arg5[%get3A_60, %get3A_61] : memref<1024x128xf32, #tpu.memory_space<vmem>>, vector<1024x128xf32>
    %add3A_63 = arith.addf %max3A_11, %get3A_62 : vector<1024x128xf32>
    %sub3A = arith.subf %add3A_63, %max3A_43 : vector<1024x128xf32>
    %get3A_64 = arith.constant 0 : index
    %get3A_65 = arith.constant 0 : index
    %get3A_66 = vector.load %arg6[%get3A_64, %get3A_65] : memref<1024x128xf32, #tpu.memory_space<vmem>>, vector<1024x128xf32>
    %add3A_67 = arith.addf %max3A_27, %get3A_66 : vector<1024x128xf32>
    %sub3A_68 = arith.subf %add3A_67, %max3A_59 : vector<1024x128xf32>
    %mul3A = arith.mulf %sub3A, %sub3A : vector<1024x128xf32>
    %reduce_sum3A = arith.constant dense<0.000000e+00> : vector<1024xf32>
    %reduce_sum3A_69 = vector.multi_reduction <add>, %mul3A, %reduce_sum3A [1] : vector<1024x128xf32> to vector<1024xf32>
    %add3A_70 = arith.constant 9.99999996E-13 : f32
    %add3A_71 = vector.broadcast %add3A_70 : f32 to vector<1024xf32>
    %add3A_72 = arith.addf %reduce_sum3A_69, %add3A_71 : vector<1024xf32>
    %sqrt3A = math.sqrt %add3A_72 : vector<1024xf32>
    %neg3A = arith.constant 0.000000e+00 : f32
    %neg3A_73 = vector.broadcast %neg3A : f32 to vector<1024xf32>
    %neg3A_74 = arith.subf %neg3A_73, %sqrt3A : vector<1024xf32>
    %mul3A_75 = arith.mulf %sub3A_68, %sub3A_68 : vector<1024x128xf32>
    %reduce_sum3A_76 = arith.constant dense<0.000000e+00> : vector<1024xf32>
    %reduce_sum3A_77 = vector.multi_reduction <add>, %mul3A_75, %reduce_sum3A_76 [1] : vector<1024x128xf32> to vector<1024xf32>
    %add3A_78 = arith.constant 9.99999996E-13 : f32
    %add3A_79 = vector.broadcast %add3A_78 : f32 to vector<1024xf32>
    %add3A_80 = arith.addf %reduce_sum3A_77, %add3A_79 : vector<1024xf32>
    %sqrt3A_81 = math.sqrt %add3A_80 : vector<1024xf32>
    %neg3A_82 = arith.constant 0.000000e+00 : f32
    %neg3A_83 = vector.broadcast %neg3A_82 : f32 to vector<1024xf32>
    %neg3A_84 = arith.subf %neg3A_83, %sqrt3A_81 : vector<1024xf32>
    %sub3A_85 = arith.subf %neg3A_84, %neg3A_74 : vector<1024xf32>
    %add3A_86 = arith.constant 1.000000e+00 : f32
    %add3A_87 = vector.broadcast %add3A_86 : f32 to vector<1024xf32>
    %add3A_88 = arith.addf %sub3A_85, %add3A_87 : vector<1024xf32>
    %max3A_89 = arith.constant 0.000000e+00 : f32
    %max3A_90 = vector.broadcast %max3A_89 : f32 to vector<1024xf32>
    %max3A_91 = arith.maximumf %max3A_90, %add3A_88 : vector<1024xf32>
    %reduce_sum3A_92 = vector.shape_cast %max3A_91 : vector<1024xf32> to vector<1x1024xf32>
    %reduce_sum3A_93 = arith.constant dense<0.000000e+00> : vector<1xf32>
    %reduce_sum3A_94 = vector.multi_reduction <add>, %reduce_sum3A_92, %reduce_sum3A_93 [1] : vector<1x1024xf32> to vector<1xf32>
    %reduce_sum3A_95 = vector.shape_cast %reduce_sum3A_94 : vector<1xf32> to vector<1x1xf32>
    %reduce_sum3A_96 = vector.extract %reduce_sum3A_95[0, 0] : f32 from vector<1x1xf32>
    %mul3A_97 = arith.constant 6.10351563E-5 : f32
    %mul3A_98 = arith.mulf %reduce_sum3A_96, %mul3A_97 : f32
    %eq3A = arith.constant 0 : i32
    %eq3A_99 = arith.cmpi eq, %arg0, %eq3A : i32
    %convert_element_type3A = arith.extui %eq3A_99 : i1 to i32
    %cond3A = arith.constant 0 : i32
    %cond3A_100 = arith.cmpi ne, %convert_element_type3A, %cond3A : i32
    scf.if %cond3A_100 {
      %swap3A_107 = arith.constant 0.000000e+00 : f32
      %swap3A_108 = arith.constant 0 : index
      %swap3A_109 = arith.constant 0 : index
      %swap3A_110 = memref.load %arg9[%swap3A_108, %swap3A_109] : memref<1x1xf32, #tpu.memory_space<smem>>
      memref.store %swap3A_107, %arg9[%swap3A_108, %swap3A_109] : memref<1x1xf32, #tpu.memory_space<smem>>
    } else {
    }
    %get3A_101 = arith.constant 0 : index
    %get3A_102 = arith.constant 0 : index
    %get3A_103 = memref.load %arg9[%get3A_101, %get3A_102] : memref<1x1xf32, #tpu.memory_space<smem>>
    %add3A_104 = arith.addf %get3A_103, %mul3A_98 : f32
    %swap3A = arith.constant 0 : index
    %swap3A_105 = arith.constant 0 : index
    %swap3A_106 = memref.load %arg9[%swap3A, %swap3A_105] : memref<1x1xf32, #tpu.memory_space<smem>>
    memref.store %add3A_104, %arg9[%swap3A, %swap3A_105] : memref<1x1xf32, #tpu.memory_space<smem>>
    return
  }
  func.func @transform_0(%arg0: i32) -> (i32, i32) {
    %add3A = arith.constant 0 : i32
    %add3A_0 = arith.addi %arg0, %add3A : i32
    %c0_i32 = arith.constant 0 : i32
    %c0_i32_1 = arith.constant 0 : i32
    return %add3A_0, %c0_i32 : i32, i32
  }
  func.func @transform_1(%arg0: i32) -> (i32, i32) {
    %add3A = arith.constant 16 : i32
    %add3A_0 = arith.addi %arg0, %add3A : i32
    %c0_i32 = arith.constant 0 : i32
    %c0_i32_1 = arith.constant 0 : i32
    return %add3A_0, %c0_i32 : i32, i32
  }
  func.func @transform_2(%arg0: i32) -> (i32, i32) {
    %add3A = arith.constant 32 : i32
    %add3A_0 = arith.addi %arg0, %add3A : i32
    %c0_i32 = arith.constant 0 : i32
    %c0_i32_1 = arith.constant 0 : i32
    return %add3A_0, %c0_i32 : i32, i32
  }
  func.func @transform_3(%arg0: i32) -> (i32, i32) {
    %add3A = arith.constant 48 : i32
    %add3A_0 = arith.addi %arg0, %add3A : i32
    %c0_i32 = arith.constant 0 : i32
    %c0_i32_1 = arith.constant 0 : i32
    return %add3A_0, %c0_i32 : i32, i32
  }
  func.func @transform_4(%arg0: i32) -> (i32, i32) {
    %add3A = arith.constant 0 : i32
    %add3A_0 = arith.addi %arg0, %add3A : i32
    %c0_i32 = arith.constant 0 : i32
    %c0_i32_1 = arith.constant 0 : i32
    return %add3A_0, %c0_i32 : i32, i32
  }
  func.func @transform_5(%arg0: i32) -> (i32, i32) {
    %add3A = arith.constant 16 : i32
    %add3A_0 = arith.addi %arg0, %add3A : i32
    %c0_i32 = arith.constant 0 : i32
    %c0_i32_1 = arith.constant 0 : i32
    return %add3A_0, %c0_i32 : i32, i32
  }
  func.func @transform_6(%arg0: i32) -> (i32, i32) {
    %c0_i32 = arith.constant 0 : i32
    %c0_i32_0 = arith.constant 0 : i32
    %c0_i32_1 = arith.constant 0 : i32
    return %c0_i32, %c0_i32_0 : i32, i32
  }
  func.func @transform_7(%arg0: i32) -> (i32, i32) {
    %c0_i32 = arith.constant 0 : i32
    %c0_i32_0 = arith.constant 0 : i32
    %c0_i32_1 = arith.constant 0 : i32
    return %c0_i32, %c0_i32_0 : i32, i32
  }
  func.func @transform_8(%arg0: i32) -> (i32, i32) {
    %c0_i32 = arith.constant 0 : i32
    %c0_i32_0 = arith.constant 0 : i32
    %c0_i32_1 = arith.constant 0 : i32
    return %c0_i32, %c0_i32_0 : i32, i32
  }
}

</mosaic_0001>

<sc_bundles>
// kernel: kernel.4.cloned.1.call-start
scs
__scs_entry_jumppad:
0x0: {  	(pc) =	sbr.rel $0x88, $3  }
0x1: {  	(tag) =	ssettag $0x0;
	lr =	simm.s32 $0x1  }
0x2: {  	[smem:$0x3F99] =	sst lr;
	_ =	strace $0xD0000000  }
0x3: {  	_ = 	snop  }
0x4: {  	_ = 	snop  }
0x5: {  	_ = 	snop  }
0x6: {  	_ = 	snop  }
0x7: {  	_ = 	snop  }
__scs_overlays_trampoline_lowered:
0x8: {  	[smem:$0x3FA8] =	sst s0  }
0x9: {  	[smem:$0x3FA9] =	sst s1  }
0xa: {  	[smem:$0x3FAA] =	sst s2  }
0xb: {  	[smem:$0x3FAB] =	sst s3  }
0xc: {  	[smem:$0x3FAC] =	sst s4  }
0xd: {  	[smem:$0x3FAD] =	sst s5  }
0xe: {  	[smem:$0x3FAE] =	sst s6  }
0xf: {  	[smem:$0x3FAF] =	sst s7  }
0x10: {  	[smem:$0x3FB0] =	sst s8  }
0x11: {  	[smem:$0x3FB1] =	sst s9;
	s0 =	simm.s32 @!p0 $0x0  }
0x12: {  	s1 =	sld [smem:$0x3F97];
	s0 =	simm.s32 @p0 $0x1  }
0x13: {  	[smem:$0x3FB2] =	sst s0;
	s0 =	simm.s32 @!p1 $0x0  }
0x14: {  	s2 =	sld [smem:$0x3F96];
	s0 =	simm.s32 @p1 $0x1  }
0x15: {  	[smem:$0x3FB3] =	sst s0;
	s0 =	simm.s32 @!p2 $0x0  }
0x16: {  	s3 =	sld [smem:$0x3FDB];
	s0 =	simm.s32 @p2 $0x1  }
0x17: {  	s4 =	simm.s32 $0x1BF5;
	[smem:$0x3FB5] =	sst s0  }
0x18: {  	s0 =	sld [smem:$0x3F98];
	_ =	swait.ge [sflag:s4], $0x0  }
0x19: {  	s7 =	sld [smem:$0x3F99]  }
0x1a: {  	s8 =	sadd.s32 $0xFFFFE003, lr  }
0x1b: {  	s9 =	sadd.s32 $0xFFFFFEF7, lr;
	s5 =	simm.s32 $0xFFFFFFFF;
	p2 =	slt.u32 s8, $0xFFFFF086  }
0x1c: {  	p1 =	slt.u32 s9, $0xF7A;
	s5 =	simm.s32 @!p2 $0x0  }
0x1d: {  	s5 =	simm.s32 @p1 $0x1;
	p0 =	seq.s32 s7, s2  }
0x1e: {  	s7 =	smul.u32 @!p0 $0xF7A, s2;
	p2 =	seq.s32 @!p0 s5, $0x0  }
0x1f: {  	s9 =	smul.u32 $0xF7A, s1;
	s8 =	simm.s32 @!p0 $0x1BF5;
	p2 =	por !p2, p0  }
0x20: {  	[sflag:s8] =	ssyncset.s32 @!p0 $0xFFFFF086;
	s6 =	sadd.s32 @!p0 s3, s7;
	s7 =	simm.s32 @!p0 $0x108  }
0x21: {  	s3 =	sadd.s32 s3, s9;
	s6 =	sadd.s32 @!p0 $0x88, s6;
	s7 =	simm.s32 @p2 $0x1082  }
0x22: {  	[simem:s7], [sflag:s8] =	dma.local @!p0 [hbm:s6], $0xF7A  }
0x23: {  	s9 =	sor.u32 $0xD0000000, s2;
	s6 =	simm.s32 $0x108;
	_ =	swait.ge @!p0 [sflag:s8], $0x0  }
0x24: {  	s3 =	sadd.s32 $0x88, s3;
	s6 =	simm.s32 @!p1 $0x1082;
	[sflag:s4] =	ssyncset.s32 $0xFFFFF086  }
0x25: {  	[simem:s6], [sflag:s4] =	dma.local [hbm:s3], $0xF7A  }
0x26: {  	[smem:$0x3F99] =	sst s1;
	(tag) =	ssettag s2;
	_ =	strace s9  }
0x27: {  	s1 =	sld [smem:$0x3FA9]  }
0x28: {  	s2 =	sld [smem:$0x3FAA]  }
0x29: {  	s4 =	sld [smem:$0x3FAC]  }
0x2a: {  	p0 =	seq.s32 s5, $0x0;
	s5 =	sld [smem:$0x3FAD]  }
0x2b: {  	s6 =	sld [smem:$0x3FAE]  }
0x2c: {  	s7 =	sld [smem:$0x3FAF]  }
0x2d: {  	s3 =	simm.s32 $0x108;
	s8 =	sld [smem:$0x3FB0]  }
0x2e: {  	s3 =	simm.s32 @!p0 $0x1082;
	s9 =	sld [smem:$0x3FB1]  }
0x2f: {  	lr =	sadd.s32 s0, s3;
	s0 =	sld [smem:$0x3FA8]  }
0x30: {  	s3 =	sld [smem:$0x3FAB]  }
0x31: {  	[smem:$0x3FB4] =	sst s10  }
0x32: {  	s10 =	sld [smem:$0x3FB2];
	_ =	sdelay $0x3  }
0x33: {  	p0 =	seq.s32 s10, $0x1;
	s10 =	sld [smem:$0x3FB4];
	_ =	sdelay $0x3  }
0x34: {  	[smem:$0x3FB4] =	sst s10  }
0x35: {  	s10 =	sld [smem:$0x3FB3];
	_ =	sdelay $0x3  }
0x36: {  	p1 =	seq.s32 s10, $0x1;
	s10 =	sld [smem:$0x3FB4];
	_ =	sdelay $0x3  }
0x37: {  	[smem:$0x3FB4] =	sst s10  }
0x38: {  	s10 =	sld [smem:$0x3FB5]  }
0x39: {  	_ = 	snop;
	(pc) =	sbr.ind lr, $3  }
0x3a: {  	_ = 	snop  }
0x3b: {  	_ = 	snop  }
0x3c: {  	p2 =	seq.s32 s10, $0x1;
	s10 =	sld [smem:$0x3FB4]  }
0x3d: {  	_ =	shalt  }
0x3e: {  	_ =	shalt  }
0x3f: {  	_ =	shalt  }
0x40: {  	_ =	shalt  }
0x41: {  	_ =	shalt  }
0x42: {  	_ =	shalt  }
0x43: {  	_ =	shalt  }
0x44: {  	_ =	shalt  }
0x45: {  	_ =	shalt  }
0x46: {  	_ =	shalt  }
0x47: {  	_ =	shalt  }
0x48: {  	_ =	shalt  }
0x49: {  	_ =	shalt  }
0x4a: {  	_ =	shalt  }
0x4b: {  	_ =	shalt  }
0x4c: {  	_ =	shalt  }
0x4d: {  	_ =	shalt  }
0x4e: {  	_ =	shalt  }
0x4f: {  	_ =	shalt  }
0x50: {  	_ =	shalt  }
0x51: {  	_ =	shalt  }
0x52: {  	_ =	shalt  }
0x53: {  	_ =	shalt  }
0x54: {  	_ =	shalt  }
0x55: {  	_ =	shalt  }
0x56: {  	_ =	shalt  }
0x57: {  	_ =	shalt  }
0x58: {  	_ =	shalt  }
0x59: {  	_ =	shalt  }
0x5a: {  	_ =	shalt  }
0x5b: {  	_ =	shalt  }
0x5c: {  	_ =	shalt  }
0x5d: {  	_ =	shalt  }
0x5e: {  	_ =	shalt  }
0x5f: {  	_ =	shalt  }
0x60: {  	_ =	shalt  }
0x61: {  	_ =	shalt  }
0x62: {  	_ =	shalt  }
0x63: {  	_ =	shalt  }
0x64: {  	_ =	shalt  }
0x65: {  	_ =	shalt  }
0x66: {  	_ =	shalt  }
0x67: {  	_ =	shalt  }
0x68: {  	_ =	shalt  }
0x69: {  	_ =	shalt  }
0x6a: {  	_ =	shalt  }
0x6b: {  	_ =	shalt  }
0x6c: {  	_ =	shalt  }
0x6d: {  	_ =	shalt  }
0x6e: {  	_ =	shalt  }
0x6f: {  	_ =	shalt  }
0x70: {  	_ =	shalt  }
0x71: {  	_ =	shalt  }
0x72: {  	_ =	shalt  }
0x73: {  	_ =	shalt  }
0x74: {  	_ =	shalt  }
0x75: {  	_ =	shalt  }
0x76: {  	_ =	shalt  }
0x77: {  	_ =	shalt  }
0x78: {  	_ =	shalt  }
0x79: {  	_ =	shalt  }
0x7a: {  	_ =	shalt  }
0x7b: {  	_ =	shalt  }
0x7c: {  	_ =	shalt  }
0x7d: {  	_ =	shalt  }
0x7e: {  	_ =	shalt  }
0x7f: {  	_ =	shalt  }
0x80: {  	_ =	shalt  }
0x81: {  	_ =	shalt  }
0x82: {  	_ =	shalt  }
0x83: {  	_ =	shalt  }
0x84: {  	_ =	shalt  }
0x85: {  	_ =	shalt  }
0x86: {  	_ =	shalt  }
0x87: {  	_ =	shalt  }
.Lfunc_end0:
.L_simem_size_0:
called_computation_lowered:
.L_overlay_start_0:
0x88: {  	s2 =	sld [smem:$0x3FD9]  }
0x89: {  	s3 =	sld [smem:$0x3FFE];
	_ =	sdelay $0x1  }
0x8a: {  	s1 =	srdreg.scid  }
0x8b: {  	s0 =	sand.u32 $0x1, s1  }
0x8c: {  	s17 =	sshll.u32 s0, $0xA;
	s2 =	sadd.s32 s3, s2  }
0x8d: {  	s2 =	sadd.s32 s2, s17  }
0x8e: {  	[smem:$0x3FC0] =	sst s2  }
0x8f: {  	_ = 	snop  }
0x90: {  	s2 =	sld [smem:$0x3FC5]  }
0x91: {  	s18 =	sld [smem:$0x3FC4];
	(tm) =	ssettm $0x1  }
0x92: {  	s4 =	sld [smem:$0x3FFB];
	_ =	sdelay $0x3  }
0x93: {  	_ =	strace s4  }
0x94: {  	s4 =	sld [smem:$0x3FFC];
	_ =	sdelay $0x3  }
0x95: {  	_ =	strace s4  }
0x96: {  	s4 =	sld [smem:$0x3FFD];
	_ =	sdelay $0x3  }
0x97: {  	_ =	strace s4  }
0x98: {  	_ =	strace $0x8FFFFFFF  }
0x99: {  	s19 =	sld [smem:$0x3FDB];
	_ =	sdelay $0x1  }
0x9a: {  	s5 =	simm.s32 $_scs_section_size  }
0x9b: {  	s6 =	simm.s32 $_size__tile_overlayer_lowered;
	s7 =	simm.s32 $_tile_overlayer_lowered  }
0x9c: {  	s22 =	simm.s32 $0x1BFF;
	s21 =	sshll.u32 s7, $0x1;
	s4 =	sadd.s32 s5, s19  }
0x9d: {  	s8 =	simm.s32 $0x0;
	s20 =	sshll.u32 s6, $0x1;
	s6 =	sadd.s32 s21, s4  }
0x9e: {  	[timem:s8], [sflag:s22] =	dma.local [hbm:s6], s20  }
0x9f: {  	_ =	swait.ge [sflag:s22], s20  }
0xa0: {  	s5 =	ssub.s32 $0x0, s20;
	[sflag:s22] =	ssyncset.done $0x0  }
0xa1: {  	[sflag:s22] =	ssyncadd.s32 s5;
	_ =	sdelay $0x1  }
0xa2: {  	s23 =	simm.s32 $0x1B8B  }
0xa3: {  	_ =	swait.ge [sflag:s23], $0x1  }
0xa4: {  	[sflag:s23] =	ssyncset.done $0x0  }
0xa5: {  	s25 =	simm.s32 $0x1B8E;
	s24 =	sld [smem:$0x3FFE];
	[sflag:s23] =	ssyncadd.s32 $0xFFFFFFFF  }
0xa6: {  	s26 =	simm.s32 $execute0_lowered;
	[smem:$0x3FD2] =	sst s25  }
0xa7: {  	s6 =	sshll.u32 s26, $0x1;
	_ =	strace $0x80000046;
	[dreg:$0x1] =	wrdreg $0xFFFFFFFF  }
0xa8: {  	s28 =	simm.s32 $_size_execute0_lowered;
	s4 =	sadd.s32 s4, s6;
	[dreg:$0x0] =	wrdreg $0x0  }
0xa9: {  	s6 =	sshll.u32 s28, $0x1;
	[dreg:$0x2] =	wrdreg s4  }
0xaa: {  	[dreg:$0x3] =	wrdreg s6  }
0xab: {  	[dreg:$0x4] =	wrdreg $0xC0  }
0xac: {  	_ =	task [dreg:s8], $0x5FFFF  }
0xad: {  	[dreg:$0x1] =	wrdreg $0xFFFFFFFF  }
0xae: {  	[dreg:$0x0] =	wrdreg $0x60  }
0xaf: {  	[dreg:$0x2] =	wrdreg s24  }
0xb0: {  	[dreg:$0x3] =	wrdreg s2  }
0xb1: {  	[dreg:$0x4] =	wrdreg s18  }
0xb2: {  	[dreg:$0x5] =	wrdreg $0x9  }
0xb3: {  	_ =	task.clear_ibuf [dreg:s8], $0x6FFFF;
	_ =	strace $0x90000046  }
0xb4: {  	s29 =	simm.s32 $0x9;
	_ =	strace $0x80000048  }
0xb5: {  	_ =	swait.ge [sflag:s29], $0x1  }
0xb6: {  	[sflag:s29] =	ssyncadd.s32 $0xFFFFFFFF  }
0xb7: {  	_ =	strace $0x90000048  }
0xb8: {  	_ =	sfence  }
0xb9: {  	s30 =	sld [smem:$0x0];
	_ =	sdelay $0x2  }
0xba: {  	s31 =	sshll.u32 s1, $0xD;
	s1 =	sshrl.u32 s1, $0x2  }
0xbb: {  	s3 =	sand.u32 $0x4000, s31;
	s1 =	sadd.s32 s1, s30  }
0xbc: {  	s0 =	sor.u32 s3, s0;
	s1 =	sshll.u32 s1, $0x11  }
0xbd: {  	s0 =	sor.u32 s1, s0  }
0xbe: {  	s0 =	sadd.s32 $0x8F2B, s0  }
0xbf: {  	[sflag:s0] =	ssyncadd.remote.s32 $0x1  }
0xc0: {  	_ =	sfence.sel $0xFFFF  }
0xc1: {  	[dreg:$0x0] =	wrdreg $0xFFFFFFFF;
	(pc) =	sbr.abs _section_cstart, $3  }
0xc2: {  	[dreg:$0x1] =	wrdreg $0xFFFFFFFF  }
0xc3: {  	_ =	task.clear_ibuf [dreg:s8], $0x2FFFF;
	_ =	strace $0x9FFFFFFF  }
0xc4: {  	(tm) =	ssettm $0x7FFFFFFF  }
0xc5: {  	_ =	shalt  }
tec
execute0_lowered:
.L_overlay_start_1:
0x0: {  	(tag) =	ssettag $0x1  }
0x1: {  	s0 =	rddreg [dreg:$0x0]  }
0x2: {  	s2 =	rddreg [dreg:$0x1]  }
0x3: {  	s1 =	srdreg.scid;
	s3 =	stileid.u32  }
0x4: {  	s4 =	simm.s32 $0x0;
	s15 =	simm.s32 $0xAC00;
	s30 =	simm.s32 $0x1  }
0x5: {  	s31 =	simm.s32 $0x15400;
	s28 =	simm.s32 $0x1B800;
	s29 =	simm.s32 $0x4  }
0x6: {  	s11 =	simm.s32 $0x5;
	s1 =	sand.u32 $0x1, s1;
	s3 =	sshll.u32 s3, $0x1  }
0x7: {  	[smem:$0x7FF] =	sst s4;
	s6 =	sadd.s32 $0xE00, s0;
	s3 =	sor.u32 s1, s3  }
0x8: {  	_ =	strace $0x80000047;
	s1 =	ssub.s32 $0x2, s1;
	s7 =	sshll.u32 s3, $0x7  }
0x9: {  	s9 =	sshll.u32 s3, $0xE;
	s17 =	sshrl.u32 s1, $0x1;
	s8 =	sadd.s32 s7, s0  }
0xa: {  	s7 =	sadd.s32 $0xADE00, s0;
	s0 =	sadd.s32 s9, s0;
	s19 =	sadd.s32 $0x2CE00, s8  }
0xb: {  	s1 =	ssub.s32 s1, s17;
	s20 =	sadd.s32 $0x2DE00, s0;
	[dreg:$0x6] =	wrdreg s19  }
0xc: {  	s12 =	simm.s32 $0x6;
	s1 =	smax.u32 s1, $0x1;
	[dreg:$0x7] =	wrdreg s20  }
0xd: {  	s13 =	simm.s32 $0x7;
	s21 =	sadd.s32 $0x2E600, s0;
	[dreg:$0x8] =	wrdreg s1  }
0xe: {  	s14 =	simm.s32 $0x8;
	s22 =	sadd.s32 $0x2EE00, s0;
	[dreg:$0x9] =	wrdreg s21  }
0xf: {  	s5 =	smul.u32 $0xB000, s3;
	s23 =	sadd.s32 $0x2F600, s0;
	[dreg:$0xa] =	wrdreg s22  }
0x10: {  	s9 =	sshll.u32 s3, $0x8;
	s24 =	sadd.s32 $0x2FE00, s0;
	[dreg:$0xb] =	wrdreg s23  }
0x11: {  	s10 =	sshrl.u32 s5, $0x3;
	s25 =	sadd.s32 $0x30600, s0;
	[dreg:$0xc] =	wrdreg s24  }
0x12: {  	s26 =	sadd.s32 $0x30E00, s0;
	s0 =	sadd.s32 $0x31600, s0;
	[dreg:$0xd] =	wrdreg s25  }
0x13: {  	s8 =	simm.s32 $0x0;
	s10 =	sadd.s32 s6, s10;
	[dreg:$0xe] =	wrdreg s26  }
0x14: {  	[dreg:$0xf] =	wrdreg s0;
	s21 =	simm.s32 $0x9;
	s23 =	simm.s32 $0xA8  }
0x15: {  	s24 =	simm.s32 $0x5800;
	s0 =	simm.s32 $0x1A800;
	s1 =	simm.s32 $0x2  }
0x16: {  	s22 =	simm.s32 $0x1B000;
	[dreg:$0x4] =	wrdreg s10;
	s18 =	sadd.s32 $0x580, s10  }
0x17: {  	s25 =	simm.s32 $0x3;
	s10 =	simm.s32 $0x1C000;
	[dreg:$0x5] =	wrdreg s18  }
.LBB2_1:
0x18: {  	[dreg:$0x10] =	wrdreg s8  }
0x19: {  	s3 =	rddreg [dreg:$0x4]  }
0x1a: {  	[tilespmem:s4], [sflag:$0x9] =	stream.linear.gather [hbm4b:s3+s4], $0x2C00, $0x38;
	[tilespmem:$0x1CC00] =	vst v63  }
0x1b: {  	_ =	swait.ge [sflag:s21], $0x2C00  }
0x1c: {  	[sflag:s21] =	ssyncset.done $0x0  }
0x1d: {  	s18 =	simm.s32 $0x2C00;
	s17 =	rddreg [dreg:$0x5];
	[sflag:s21] =	ssyncadd.s32 $0xFFFFD400  }
0x1e: {  	[tilespmem:s18], [sflag:$0x9] =	stream.linear.gather [hbm4b:s17+s4], $0x2C00, $0x38;
	[tilespmem:$0x1CC00] =	vst v63  }
0x1f: {  	_ = 	snop  }
0x20: {  	[tilespmem:s24], [sflag:$0x1] =	stream.indirect.gather [hbm4b:s2+s23], $0x80, s4, s23, $0xb8;
	[tilespmem:$0x1CC00] =	vst v63  }
0x21: {  	s19 =	simm.s32 $0xB0  }
0x22: {  	[tilespmem:s15], [sflag:$0x2] =	stream.indirect.gather [hbm4b:s2+s23], $0x80, s19, s23, $0xb8;
	[tilespmem:$0x1CC00] =	vst v63  }
0x23: {  	s20 =	simm.s32 $0x160;
	s26 =	simm.s32 $0x10000;
	s8 =	simm.s32 $0x0  }
0x24: {  	[tilespmem:s26], [sflag:$0x3] =	stream.indirect.gather [hbm4b:s2+s23], $0x80, s20, s23, $0xb8;
	[tilespmem:$0x1CC00] =	vst v63  }
.LBB2_2:
0x25: {  	s15 =	sand.u32 $0x10, s8  }
0x26: {  	p0 =	seq.s32 s15, $0x0  }
.Ltmp0:
0x27: {  	_ = 	snop;
	(pc) =	sbr.rel @!p0 .LBB2_3-.Ltmp0, $4  }
0x28: {  	_ = 	snop  }
0x29: {  	_ =	swait.ge [sflag:s30], $0x5400;
	s3 =	sshllo.u32 s8, $0x2  }
0x2a: {  	[sflag:s30] =	ssyncset.done $0x0;
	s16 =	sand.u32 $0x3F, s3  }
0x2b: {  	[sflag:s30] =	ssyncadd.s32 $0xFFFFAC00;
	s15 =	smul.u32 $0xB0, s16  }
0x2c: {  	p0 =	seq.s32 s8, $0x0  }
.Ltmp1:
0x2d: {  	_ = 	snop;
	(pc) =	sbr.rel @!p0 .LBB2_4-.Ltmp1, $2  }
0x2e: {  	_ =	sdelay $0x2  }
0x2f: {  	[tilespmem:s31], [sflag:$0x4] =	stream.indirect.gather [hbm4b:s2+s23], $0x80, s15, s23, $0xb8;
	[tilespmem:$0x1CC00] =	vst v63  }
.Ltmp2:
0x30: {  	(pc) =	sbr.rel .LBB2_7-.Ltmp2, $2  }
0x31: {  	_ =	sdelay $0x2  }
0x32: {  	p1 =	por $0x1, $0x1  }
.LBB2_3:
0x33: {  	_ = 	snop  }
0x34: {  	s15 =	sadd.s32 $0x2C00, s15  }
0x35: {  	[tilespmem:s31], [sflag:$0x4] =	stream.indirect.gather [hbm4b:s2+s23], $0x80, s15, s23, $0xb8;
	[tilespmem:$0x1CC00] =	vst v63  }
.LBB2_4:
0x36: {  	_ =	swait.ge [sflag:s11], $0x800  }
0x37: {  	[sflag:s11] =	ssyncset.done $0x0  }
0x38: {  	p1 =	por $0x0, $0x0;
	[sflag:s11] =	ssyncadd.s32 $0xFFFFF800  }
.LBB2_7:
0x39: {  	s16 =	sshll.u32 s8, $0x2;
	s26 =	simm.s32 $0x0;
	s17 =	simm.s32 $0x58C0  }
.LBB2_8:
0x3a: {  	s15 =	smul.u32 $0x2800, s26;
	_ =	sdelay $0x1  }
0x3b: {  	s18 =	sshra.s32 s15, $0x2  }
0x3c: {  	v14 =	vld [tilespmem:s18+$0x5800]  }
0x3d: {  	v12 =	vld [tilespmem:s18+$0x5810]  }
0x3e: {  	v10 =	vld [tilespmem:s18+$0x5820]  }
0x3f: {  	v13 =	vmov s17;
	v6 =	vld [tilespmem:s18+$0x5830]  }
0x40: {  	v5 =	vld [tilespmem:s18+$0x5840]  }
0x41: {  	v4 =	vld [tilespmem:s18+$0x5850]  }
0x42: {  	v1 =	vld [tilespmem:s18+$0x5860]  }
0x43: {  	s19 =	simm.s32 $0x0;
	v0 =	vld [tilespmem:s18+$0x5870]  }
0x44: {  	v11 =	vld.idx.msk [tilespmem:v13+s19+$0x40 ss:$0x1], $0xffff  }
0x45: {  	v9 =	vld.idx.msk [tilespmem:v13+s19+$0x50 ss:$0x1], $0xffff  }
0x46: {  	v7 =	vld.idx.msk [tilespmem:v13+s19+$0x60 ss:$0x1], $0xffff  }
0x47: {  	v8 =	vld.idx.msk [tilespmem:v13+s19+$0x70 ss:$0x1], $0xffff  }
0x48: {  	v3 =	vld.idx.msk [tilespmem:v13+s19+$0x80 ss:$0x1], $0xffff  }
0x49: {  	v2 =	vld.idx.msk [tilespmem:v13+s19+$0x90 ss:$0x1], $0xffff  }
0x4a: {  	v21 =	vld.idx.msk [tilespmem:v13+s19+$0xFFFFFFC0 ss:$0x1], $0xffff  }
0x4b: {  	v20 =	vld.idx.msk [tilespmem:v13+s19+$0xFFFFFFD0 ss:$0x1], $0xffff  }
0x4c: {  	v19 =	vld.idx.msk [tilespmem:v13+s19+$0xFFFFFFE0 ss:$0x1], $0xffff  }
0x4d: {  	v18 =	vld.idx.msk [tilespmem:v13+s19+$0xFFFFFFF0 ss:$0x1], $0xffff  }
0x4e: {  	v17 =	vld.idx.msk [tilespmem:v13+s19+$0x0 ss:$0x1], $0xffff  }
0x4f: {  	v16 =	vld.idx.msk [tilespmem:v13+s19+$0x10 ss:$0x1], $0xffff  }
0x50: {  	s20 =	simm.s32 $0x400;
	v15 =	vld.idx.msk [tilespmem:v13+s19+$0x20 ss:$0x1], $0xffff  }
.LBB2_9:
0x51: {  	p0 =	sne.s32 s20, $0x2000;
	v22 =	vld.idx.msk [tilespmem:v13+s19+$0x30 ss:$0x1], $0xffff  }
0x52: {  	v14 =	vadd.f32 v21, v14;
	v12 =	vadd.f32 v20, v12;
	v20 =	vld.idx.msk [tilespmem:v13+s19+$0xA0 ss:$0x1], $0xffff  }
0x53: {  	v10 =	vadd.f32 v19, v10;
	v6 =	vadd.f32 v18, v6;
	v18 =	vld.idx.msk [tilespmem:v13+s19+$0xB0 ss:$0x1], $0xffff;
	s19 =	sshra.s32 s20, $0x2  }
0x54: {  	v14 =	vadd.f32 v11, v14;
	v12 =	vadd.f32 v9, v12;
	v11 =	vld.idx.msk [tilespmem:v13+s19+$0x40 ss:$0x1], $0xffff  }
0x55: {  	v10 =	vadd.f32 v7, v10;
	v6 =	vadd.f32 v8, v6;
	v9 =	vld.idx.msk [tilespmem:v13+s19+$0x50 ss:$0x1], $0xffff  }
0x56: {  	v5 =	vadd.f32 v17, v5;
	v4 =	vadd.f32 v16, v4;
	v7 =	vld.idx.msk [tilespmem:v13+s19+$0x60 ss:$0x1], $0xffff  }
0x57: {  	v1 =	vadd.f32 v15, v1;
	v0 =	vadd.f32 v22, v0;
	v8 =	vld.idx.msk [tilespmem:v13+s19+$0x70 ss:$0x1], $0xffff  }
0x58: {  	v5 =	vadd.f32 v3, v5;
	v4 =	vadd.f32 v2, v4;
	v3 =	vld.idx.msk [tilespmem:v13+s19+$0x80 ss:$0x1], $0xffff  }
0x59: {  	v1 =	vadd.f32 v20, v1;
	v0 =	vadd.f32 v18, v0;
	v2 =	vld.idx.msk [tilespmem:v13+s19+$0x90 ss:$0x1], $0xffff  }
0x5a: {  	v21 =	vld.idx.msk [tilespmem:v13+s19+$0xFFFFFFC0 ss:$0x1], $0xffff  }
0x5b: {  	v20 =	vld.idx.msk [tilespmem:v13+s19+$0xFFFFFFD0 ss:$0x1], $0xffff  }
.Ltmp3:
0x5c: {  	v19 =	vld.idx.msk [tilespmem:v13+s19+$0xFFFFFFE0 ss:$0x1], $0xffff;
	(pc) =	sbr.rel @p0 .LBB2_9-.Ltmp3, $4  }
0x5d: {  	v18 =	vld.idx.msk [tilespmem:v13+s19+$0xFFFFFFF0 ss:$0x1], $0xffff  }
0x5e: {  	v17 =	vld.idx.msk [tilespmem:v13+s19+$0x0 ss:$0x1], $0xffff  }
0x5f: {  	v16 =	vld.idx.msk [tilespmem:v13+s19+$0x10 ss:$0x1], $0xffff  }
0x60: {  	s20 =	sadd.s32 $0x400, s20;
	v15 =	vld.idx.msk [tilespmem:v13+s19+$0x20 ss:$0x1], $0xffff  }
0x61: {  	_ =	sdelay $0x3  }
0x62: {  	v22 =	vld.idx.msk [tilespmem:v13+s19+$0x30 ss:$0x1], $0xffff  }
0x63: {  	v23 =	vld.idx.msk [tilespmem:v13+s19+$0xA0 ss:$0x1], $0xffff  }
0x64: {  	v51 =	vld.idx.msk [tilespmem:v13+s19+$0xB0 ss:$0x1], $0xffff  }
0x65: {  	v24 =	vld [tilespmem:s18+$0x6180]  }
0x66: {  	v25 =	vld [tilespmem:s18+$0x6190]  }
0x67: {  	v26 =	vld [tilespmem:s18+$0x61A0]  }
0x68: {  	v27 =	vld [tilespmem:s18+$0x61B0]  }
0x69: {  	v52 =	vld [tilespmem:s18+$0x61C0]  }
0x6a: {  	v28 =	vld [tilespmem:s18+$0x61D0]  }
0x6b: {  	v54 =	vld [tilespmem:s18+$0x61E0]  }
0x6c: {  	s15 =	sshll.u32 s26, $0x7;
	v56 =	vld [tilespmem:s18+$0x61F0]  }
0x6d: {  	v53 =	vld [tilespmem:s15+$0xA800]  }
0x6e: {  	v55 =	vld [tilespmem:s15+$0xA810]  }
0x6f: {  	v57 =	vld [tilespmem:s15+$0xA820]  }
0x70: {  	v58 =	vld [tilespmem:s15+$0xA830]  }
0x71: {  	v60 =	vld [tilespmem:s15+$0xA840]  }
0x72: {  	v61 =	vld [tilespmem:s15+$0xA850];
	[tilespmem:s15+$0x1A800] =	vst v53  }
0x73: {  	v14 =	vadd.f32 v21, v14;
	v12 =	vadd.f32 v20, v12;
	v62 =	vld [tilespmem:s15+$0xA860];
	[tilespmem:s15+$0x1A810] =	vst v55  }
0x74: {  	v10 =	vadd.f32 v19, v10;
	v6 =	vadd.f32 v18, v6;
	v63 =	vld [tilespmem:s15+$0xA870];
	[tilespmem:s15+$0x1A820] =	vst v57  }
0x75: {  	v11 =	vadd.f32 v11, v14;
	v9 =	vadd.f32 v9, v12;
	[tilespmem:s15+$0x1A830] =	vst v58  }
0x76: {  	v7 =	vadd.f32 v7, v10;
	v5 =	vadd.f32 v17, v5;
	[tilespmem:s15+$0x1A840] =	vst v60  }
0x77: {  	v6 =	vadd.f32 v8, v6;
	v4 =	vadd.f32 v16, v4;
	[tilespmem:s15+$0x1A850] =	vst v61  }
0x78: {  	v3 =	vadd.f32 v3, v5;
	v11 =	vadd.f32 v24, v11;
	[tilespmem:s15+$0x1A860] =	vst v62  }
0x79: {  	v1 =	vadd.f32 v15, v1;
	v9 =	vadd.f32 v25, v9;
	[tilespmem:s15+$0x1A870] =	vst v63  }
0x7a: {  	v7 =	vadd.f32 v26, v7;
	v59 =	vadd.f32 v27, v6;
	[tilespmem:s15+$0x1AC00] =	vst v11  }
0x7b: {  	s26 =	sadd.s32 $0x1, s26;
	v2 =	vadd.f32 v2, v4;
	v0 =	vadd.f32 v22, v0;
	[tilespmem:s15+$0x1AC10] =	vst v9  }
0x7c: {  	p0 =	sne.s32 s26, $0x8;
	v3 =	vadd.f32 v52, v3;
	v1 =	vadd.f32 v23, v1;
	[tilespmem:s15+$0x1AC20] =	vst v7  }
.Ltmp4:
0x7d: {  	[tilespmem:s15+$0x1AC30] =	vst v59;
	v2 =	vadd.f32 v28, v2;
	v0 =	vadd.f32 v51, v0;
	(pc) =	sbr.rel @p0 .LBB2_8-.Ltmp4, $4  }
0x7e: {  	[tilespmem:s15+$0x1AC40] =	vst v3;
	v1 =	vadd.f32 v54, v1  }
0x7f: {  	[tilespmem:s15+$0x1AC50] =	vst v2;
	v0 =	vadd.f32 v56, v0  }
0x80: {  	[tilespmem:s15+$0x1AC60] =	vst v1  }
0x81: {  	s17 =	sadd.s32 $0xA00, s17;
	[tilespmem:s15+$0x1AC70] =	vst v0  }
0x82: {  	s15 =	sadd.s32 s9, s16  }
0x83: {  	s15 =	sshll.u32 s15, $0x8  }
0x84: {  	s15 =	sadd.s32 s7, s15  }
0x85: {  	[hbm4b:s15+s4] =	stream.linear.scatter [tilespmem:s0], [sflag:$0x5], $0x800, $0x38;
	[tilespmem:$0x1CC00] =	vst v63  }
0x86: {  	s15 =	sadd.s32 $0x4, s16  }
0x87: {  	p0 =	seq.s32 s8, $0x3F;
	s17 =	sand.u32 $0x3C, s15  }
0x88: {  	p2 =	sne.s32 @!p0 s17, $0x0  }
0x89: {  	p2 =	por p0, p2  }
.Ltmp5:
0x8a: {  	_ = 	snop;
	(pc) =	sbr.rel @p2 .LBB2_13-.Ltmp5, $4  }
0x8b: {  	_ = 	snop  }
0x8c: {  	_ =	swait.ge [sflag:s1], $0x5400  }
0x8d: {  	[sflag:s1] =	ssyncset.done $0x0  }
0x8e: {  	[sflag:s1] =	ssyncadd.s32 $0xFFFFAC00  }
0x8f: {  	_ =	swait.ge [sflag:s21], $0x2C00  }
0x90: {  	[sflag:s21] =	ssyncset.done $0x0  }
0x91: {  	[sflag:s21] =	ssyncadd.s32 $0xFFFFD400  }
.LBB2_14:
0x92: {  	s17 =	smul.u32 $0x2C0, s17  }
.Ltmp6:
0x93: {  	s15 =	sshll.u32 s15, $0x19;
	(pc) =	sbr.rel @p1 .LBB2_16-.Ltmp6, $4  }
.Ltmp7:
0x94: {  	s15 =	sshra.s32 s15, $0x1F;
	(pc) =	sbr.rel @!p1 .LBB2_15-.Ltmp7, $4  }
0x95: {  	s15 =	sand.u32 $0x2C00, s15;
	s17 =	sshrl.u32 s17, $0x2  }
0x96: {  	s15 =	sadd.s32 s17, s15  }
0x97: {  	[tilespmem:s24], [sflag:$0x1] =	stream.indirect.gather [hbm4b:s2+s23], $0x80, s15, s23, $0xb8;
	[tilespmem:$0x1CC00] =	vst v63  }
0x98: {  	_ = 	snop  }
.LBB2_13:
.Ltmp8:
0x99: {  	(pc) =	sbr.rel @!p0 .LBB2_14-.Ltmp8, $1  }
0x9a: {  	_ =	sdelay $0x3  }
.LBB2_15:
0x9b: {  	_ =	swait.ge [sflag:s12], $0x800  }
0x9c: {  	[sflag:s12] =	ssyncset.done $0x0  }
0x9d: {  	[sflag:s12] =	ssyncadd.s32 $0xFFFFF800  }
.LBB2_16:
0x9e: {  	s26 =	sor.u32 $0x1, s16;
	s17 =	simm.s32 $0x0;
	s18 =	simm.s32 $0xACC0  }
.LBB2_17:
0x9f: {  	s15 =	smul.u32 $0x2800, s17;
	_ =	sdelay $0x1  }
0xa0: {  	s19 =	sshra.s32 s15, $0x2  }
0xa1: {  	v14 =	vld [tilespmem:s19+$0xAC00]  }
0xa2: {  	v12 =	vld [tilespmem:s19+$0xAC10]  }
0xa3: {  	v10 =	vld [tilespmem:s19+$0xAC20]  }
0xa4: {  	v13 =	vmov s18;
	v6 =	vld [tilespmem:s19+$0xAC30]  }
0xa5: {  	v5 =	vld [tilespmem:s19+$0xAC40]  }
0xa6: {  	v4 =	vld [tilespmem:s19+$0xAC50]  }
0xa7: {  	v1 =	vld [tilespmem:s19+$0xAC60]  }
0xa8: {  	s20 =	simm.s32 $0x0;
	v0 =	vld [tilespmem:s19+$0xAC70]  }
0xa9: {  	v11 =	vld.idx.msk [tilespmem:v13+s20+$0x40 ss:$0x1], $0xffff  }
0xaa: {  	v9 =	vld.idx.msk [tilespmem:v13+s20+$0x50 ss:$0x1], $0xffff  }
0xab: {  	v7 =	vld.idx.msk [tilespmem:v13+s20+$0x60 ss:$0x1], $0xffff  }
0xac: {  	v8 =	vld.idx.msk [tilespmem:v13+s20+$0x70 ss:$0x1], $0xffff  }
0xad: {  	v3 =	vld.idx.msk [tilespmem:v13+s20+$0x80 ss:$0x1], $0xffff  }
0xae: {  	v2 =	vld.idx.msk [tilespmem:v13+s20+$0x90 ss:$0x1], $0xffff  }
0xaf: {  	v21 =	vld.idx.msk [tilespmem:v13+s20+$0xFFFFFFC0 ss:$0x1], $0xffff  }
0xb0: {  	v20 =	vld.idx.msk [tilespmem:v13+s20+$0xFFFFFFD0 ss:$0x1], $0xffff  }
0xb1: {  	v19 =	vld.idx.msk [tilespmem:v13+s20+$0xFFFFFFE0 ss:$0x1], $0xffff  }
0xb2: {  	v18 =	vld.idx.msk [tilespmem:v13+s20+$0xFFFFFFF0 ss:$0x1], $0xffff  }
0xb3: {  	v17 =	vld.idx.msk [tilespmem:v13+s20+$0x0 ss:$0x1], $0xffff  }
0xb4: {  	v16 =	vld.idx.msk [tilespmem:v13+s20+$0x10 ss:$0x1], $0xffff  }
0xb5: {  	s15 =	simm.s32 $0x400;
	v15 =	vld.idx.msk [tilespmem:v13+s20+$0x20 ss:$0x1], $0xffff  }
.LBB2_18:
0xb6: {  	p2 =	sne.s32 s15, $0x2000;
	v22 =	vld.idx.msk [tilespmem:v13+s20+$0x30 ss:$0x1], $0xffff  }
0xb7: {  	v14 =	vadd.f32 v21, v14;
	v12 =	vadd.f32 v20, v12;
	v20 =	vld.idx.msk [tilespmem:v13+s20+$0xA0 ss:$0x1], $0xffff  }
0xb8: {  	v10 =	vadd.f32 v19, v10;
	v6 =	vadd.f32 v18, v6;
	v18 =	vld.idx.msk [tilespmem:v13+s20+$0xB0 ss:$0x1], $0xffff;
	s20 =	sshra.s32 s15, $0x2  }
0xb9: {  	v14 =	vadd.f32 v11, v14;
	v12 =	vadd.f32 v9, v12;
	v11 =	vld.idx.msk [tilespmem:v13+s20+$0x40 ss:$0x1], $0xffff  }
0xba: {  	v10 =	vadd.f32 v7, v10;
	v6 =	vadd.f32 v8, v6;
	v9 =	vld.idx.msk [tilespmem:v13+s20+$0x50 ss:$0x1], $0xffff  }
0xbb: {  	v5 =	vadd.f32 v17, v5;
	v4 =	vadd.f32 v16, v4;
	v7 =	vld.idx.msk [tilespmem:v13+s20+$0x60 ss:$0x1], $0xffff  }
0xbc: {  	v1 =	vadd.f32 v15, v1;
	v0 =	vadd.f32 v22, v0;
	v8 =	vld.idx.msk [tilespmem:v13+s20+$0x70 ss:$0x1], $0xffff  }
0xbd: {  	v5 =	vadd.f32 v3, v5;
	v4 =	vadd.f32 v2, v4;
	v3 =	vld.idx.msk [tilespmem:v13+s20+$0x80 ss:$0x1], $0xffff  }
0xbe: {  	v1 =	vadd.f32 v20, v1;
	v0 =	vadd.f32 v18, v0;
	v2 =	vld.idx.msk [tilespmem:v13+s20+$0x90 ss:$0x1], $0xffff  }
0xbf: {  	v21 =	vld.idx.msk [tilespmem:v13+s20+$0xFFFFFFC0 ss:$0x1], $0xffff  }
0xc0: {  	v20 =	vld.idx.msk [tilespmem:v13+s20+$0xFFFFFFD0 ss:$0x1], $0xffff  }
.Ltmp9:
0xc1: {  	v19 =	vld.idx.msk [tilespmem:v13+s20+$0xFFFFFFE0 ss:$0x1], $0xffff;
	(pc) =	sbr.rel @p2 .LBB2_18-.Ltmp9, $4  }
0xc2: {  	v18 =	vld.idx.msk [tilespmem:v13+s20+$0xFFFFFFF0 ss:$0x1], $0xffff  }
0xc3: {  	v17 =	vld.idx.msk [tilespmem:v13+s20+$0x0 ss:$0x1], $0xffff  }
0xc4: {  	v16 =	vld.idx.msk [tilespmem:v13+s20+$0x10 ss:$0x1], $0xffff  }
0xc5: {  	s15 =	sadd.s32 $0x400, s15;
	v15 =	vld.idx.msk [tilespmem:v13+s20+$0x20 ss:$0x1], $0xffff  }
0xc6: {  	_ =	sdelay $0x3  }
0xc7: {  	v22 =	vld.idx.msk [tilespmem:v13+s20+$0x30 ss:$0x1], $0xffff  }
0xc8: {  	v23 =	vld.idx.msk [tilespmem:v13+s20+$0xA0 ss:$0x1], $0xffff  }
0xc9: {  	v51 =	vld.idx.msk [tilespmem:v13+s20+$0xB0 ss:$0x1], $0xffff  }
0xca: {  	v24 =	vld [tilespmem:s19+$0xB580]  }
0xcb: {  	v25 =	vld [tilespmem:s19+$0xB590]  }
0xcc: {  	v26 =	vld [tilespmem:s19+$0xB5A0]  }
0xcd: {  	v27 =	vld [tilespmem:s19+$0xB5B0]  }
0xce: {  	v52 =	vld [tilespmem:s19+$0xB5C0]  }
0xcf: {  	v28 =	vld [tilespmem:s19+$0xB5D0]  }
0xd0: {  	v54 =	vld [tilespmem:s19+$0xB5E0]  }
0xd1: {  	s15 =	sshll.u32 s17, $0x7;
	v56 =	vld [tilespmem:s19+$0xB5F0]  }
0xd2: {  	v53 =	vld [tilespmem:s15+$0xFC00]  }
0xd3: {  	v55 =	vld [tilespmem:s15+$0xFC10]  }
0xd4: {  	v57 =	vld [tilespmem:s15+$0xFC20]  }
0xd5: {  	v58 =	vld [tilespmem:s15+$0xFC30]  }
0xd6: {  	v60 =	vld [tilespmem:s15+$0xFC40]  }
0xd7: {  	v61 =	vld [tilespmem:s15+$0xFC50];
	[tilespmem:s15+$0x1B000] =	vst v53  }
0xd8: {  	v14 =	vadd.f32 v21, v14;
	v12 =	vadd.f32 v20, v12;
	v62 =	vld [tilespmem:s15+$0xFC60];
	[tilespmem:s15+$0x1B010] =	vst v55  }
0xd9: {  	v10 =	vadd.f32 v19, v10;
	v6 =	vadd.f32 v18, v6;
	v63 =	vld [tilespmem:s15+$0xFC70];
	[tilespmem:s15+$0x1B020] =	vst v57  }
0xda: {  	v11 =	vadd.f32 v11, v14;
	v9 =	vadd.f32 v9, v12;
	[tilespmem:s15+$0x1B030] =	vst v58  }
0xdb: {  	v7 =	vadd.f32 v7, v10;
	v5 =	vadd.f32 v17, v5;
	[tilespmem:s15+$0x1B040] =	vst v60  }
0xdc: {  	v6 =	vadd.f32 v8, v6;
	v4 =	vadd.f32 v16, v4;
	[tilespmem:s15+$0x1B050] =	vst v61  }
0xdd: {  	v3 =	vadd.f32 v3, v5;
	v11 =	vadd.f32 v24, v11;
	[tilespmem:s15+$0x1B060] =	vst v62  }
0xde: {  	v1 =	vadd.f32 v15, v1;
	v9 =	vadd.f32 v25, v9;
	[tilespmem:s15+$0x1B070] =	vst v63  }
0xdf: {  	v7 =	vadd.f32 v26, v7;
	v59 =	vadd.f32 v27, v6;
	[tilespmem:s15+$0x1B400] =	vst v11  }
0xe0: {  	s17 =	sadd.s32 $0x1, s17;
	v2 =	vadd.f32 v2, v4;
	v0 =	vadd.f32 v22, v0;
	[tilespmem:s15+$0x1B410] =	vst v9  }
0xe1: {  	p2 =	sne.s32 s17, $0x8;
	v3 =	vadd.f32 v52, v3;
	v1 =	vadd.f32 v23, v1;
	[tilespmem:s15+$0x1B420] =	vst v7  }
.Ltmp10:
0xe2: {  	[tilespmem:s15+$0x1B430] =	vst v59;
	v2 =	vadd.f32 v28, v2;
	v0 =	vadd.f32 v51, v0;
	(pc) =	sbr.rel @p2 .LBB2_17-.Ltmp10, $4  }
0xe3: {  	[tilespmem:s15+$0x1B440] =	vst v3;
	v1 =	vadd.f32 v54, v1  }
0xe4: {  	[tilespmem:s15+$0x1B450] =	vst v2;
	v0 =	vadd.f32 v56, v0  }
0xe5: {  	[tilespmem:s15+$0x1B460] =	vst v1  }
0xe6: {  	s18 =	sadd.s32 $0xA00, s18;
	[tilespmem:s15+$0x1B470] =	vst v0  }
0xe7: {  	s15 =	sadd.s32 s9, s26  }
0xe8: {  	s15 =	sshll.u32 s15, $0x8  }
0xe9: {  	s15 =	sand.u32 $0x1FFFFD00, s15  }
0xea: {  	s15 =	sadd.s32 s7, s15  }
0xeb: {  	[hbm4b:s15+s4] =	stream.linear.scatter [tilespmem:s22], [sflag:$0x6], $0x800, $0x38;
	[tilespmem:$0x1CC00] =	vst v63  }
0xec: {  	s15 =	sadd.s32 @!p0 $0x5, s16  }
0xed: {  	s17 =	sand.u32 @!p0 $0x3D, s15  }
0xee: {  	s18 =	simm.s32 @!p0 $0xAC00;
	s15 =	sshll.u32 @!p0 s15, $0x19;
	s17 =	smul.u32 @!p0 $0x2C0, s17  }
0xef: {  	p1 =	por p0, !p1;
	_ =	swait.ge [sflag:s25], $0x5400;
	s15 =	sshra.s32 @!p0 s15, $0x1F  }
0xf0: {  	[sflag:s25] =	ssyncset.done $0x0;
	s15 =	sand.u32 @!p0 $0x2C00, s15;
	s17 =	sshrl.u32 @!p0 s17, $0x2  }
0xf1: {  	[sflag:s25] =	ssyncadd.s32 $0xFFFFAC00;
	s15 =	sadd.s32 @!p0 s17, s15;
	s17 =	simm.s32 @!p0 $0xA8  }
0xf2: {  	[tilespmem:s18], [sflag:$0x2] =	stream.indirect.gather @!p0 [hbm4b:s2+s17], $0x80, s15, s17, $0xb8;
	[tilespmem:$0x1CC00] =	vst v63  }
0xf3: {  	_ =	swait.ge @p1 [sflag:s13], $0x800  }
0xf4: {  	s26 =	sor.u32 $0x2, s16;
	[sflag:s13] =	ssyncset.done @p1 $0x0  }
0xf5: {  	s17 =	simm.s32 $0x0;
	s18 =	simm.s32 $0x100C0;
	[sflag:s13] =	ssyncadd.s32 @p1 $0xFFFFF800  }
.LBB2_21:
0xf6: {  	s15 =	smul.u32 $0x2800, s17;
	_ =	sdelay $0x1  }
0xf7: {  	s19 =	sshra.s32 s15, $0x2  }
0xf8: {  	v14 =	vld [tilespmem:s19+$0x10000]  }
0xf9: {  	v12 =	vld [tilespmem:s19+$0x10010]  }
0xfa: {  	v10 =	vld [tilespmem:s19+$0x10020]  }
0xfb: {  	v13 =	vmov s18;
	v6 =	vld [tilespmem:s19+$0x10030]  }
0xfc: {  	v5 =	vld [tilespmem:s19+$0x10040]  }
0xfd: {  	v4 =	vld [tilespmem:s19+$0x10050]  }
0xfe: {  	v1 =	vld [tilespmem:s19+$0x10060]  }
0xff: {  	s20 =	simm.s32 $0x0;
	v0 =	vld [tilespmem:s19+$0x10070]  }
0x100: {  	v11 =	vld.idx.msk [tilespmem:v13+s20+$0x40 ss:$0x1], $0xffff  }
0x101: {  	v9 =	vld.idx.msk [tilespmem:v13+s20+$0x50 ss:$0x1], $0xffff  }
0x102: {  	v7 =	vld.idx.msk [tilespmem:v13+s20+$0x60 ss:$0x1], $0xffff  }
0x103: {  	v8 =	vld.idx.msk [tilespmem:v13+s20+$0x70 ss:$0x1], $0xffff  }
0x104: {  	v3 =	vld.idx.msk [tilespmem:v13+s20+$0x80 ss:$0x1], $0xffff  }
0x105: {  	v2 =	vld.idx.msk [tilespmem:v13+s20+$0x90 ss:$0x1], $0xffff  }
0x106: {  	v21 =	vld.idx.msk [tilespmem:v13+s20+$0xFFFFFFC0 ss:$0x1], $0xffff  }
0x107: {  	v20 =	vld.idx.msk [tilespmem:v13+s20+$0xFFFFFFD0 ss:$0x1], $0xffff  }
0x108: {  	v19 =	vld.idx.msk [tilespmem:v13+s20+$0xFFFFFFE0 ss:$0x1], $0xffff  }
0x109: {  	v18 =	vld.idx.msk [tilespmem:v13+s20+$0xFFFFFFF0 ss:$0x1], $0xffff  }
0x10a: {  	v17 =	vld.idx.msk [tilespmem:v13+s20+$0x0 ss:$0x1], $0xffff  }
0x10b: {  	v16 =	vld.idx.msk [tilespmem:v13+s20+$0x10 ss:$0x1], $0xffff  }
0x10c: {  	s15 =	simm.s32 $0x400;
	v15 =	vld.idx.msk [tilespmem:v13+s20+$0x20 ss:$0x1], $0xffff  }
.LBB2_22:
0x10d: {  	p2 =	sne.s32 s15, $0x2000;
	v22 =	vld.idx.msk [tilespmem:v13+s20+$0x30 ss:$0x1], $0xffff  }
0x10e: {  	v14 =	vadd.f32 v21, v14;
	v12 =	vadd.f32 v20, v12;
	v20 =	vld.idx.msk [tilespmem:v13+s20+$0xA0 ss:$0x1], $0xffff  }
0x10f: {  	v10 =	vadd.f32 v19, v10;
	v6 =	vadd.f32 v18, v6;
	v18 =	vld.idx.msk [tilespmem:v13+s20+$0xB0 ss:$0x1], $0xffff;
	s20 =	sshra.s32 s15, $0x2  }
0x110: {  	v14 =	vadd.f32 v11, v14;
	v12 =	vadd.f32 v9, v12;
	v11 =	vld.idx.msk [tilespmem:v13+s20+$0x40 ss:$0x1], $0xffff  }
0x111: {  	v10 =	vadd.f32 v7, v10;
	v6 =	vadd.f32 v8, v6;
	v9 =	vld.idx.msk [tilespmem:v13+s20+$0x50 ss:$0x1], $0xffff  }
0x112: {  	v5 =	vadd.f32 v17, v5;
	v4 =	vadd.f32 v16, v4;
	v7 =	vld.idx.msk [tilespmem:v13+s20+$0x60 ss:$0x1], $0xffff  }
0x113: {  	v1 =	vadd.f32 v15, v1;
	v0 =	vadd.f32 v22, v0;
	v8 =	vld.idx.msk [tilespmem:v13+s20+$0x70 ss:$0x1], $0xffff  }
0x114: {  	v5 =	vadd.f32 v3, v5;
	v4 =	vadd.f32 v2, v4;
	v3 =	vld.idx.msk [tilespmem:v13+s20+$0x80 ss:$0x1], $0xffff  }
0x115: {  	v1 =	vadd.f32 v20, v1;
	v0 =	vadd.f32 v18, v0;
	v2 =	vld.idx.msk [tilespmem:v13+s20+$0x90 ss:$0x1], $0xffff  }
0x116: {  	v21 =	vld.idx.msk [tilespmem:v13+s20+$0xFFFFFFC0 ss:$0x1], $0xffff  }
0x117: {  	v20 =	vld.idx.msk [tilespmem:v13+s20+$0xFFFFFFD0 ss:$0x1], $0xffff  }
.Ltmp11:
0x118: {  	v19 =	vld.idx.msk [tilespmem:v13+s20+$0xFFFFFFE0 ss:$0x1], $0xffff;
	(pc) =	sbr.rel @p2 .LBB2_22-.Ltmp11, $4  }
0x119: {  	v18 =	vld.idx.msk [tilespmem:v13+s20+$0xFFFFFFF0 ss:$0x1], $0xffff  }
0x11a: {  	v17 =	vld.idx.msk [tilespmem:v13+s20+$0x0 ss:$0x1], $0xffff  }
0x11b: {  	v16 =	vld.idx.msk [tilespmem:v13+s20+$0x10 ss:$0x1], $0xffff  }
0x11c: {  	s15 =	sadd.s32 $0x400, s15;
	v15 =	vld.idx.msk [tilespmem:v13+s20+$0x20 ss:$0x1], $0xffff  }
0x11d: {  	_ =	sdelay $0x3  }
0x11e: {  	v22 =	vld.idx.msk [tilespmem:v13+s20+$0x30 ss:$0x1], $0xffff  }
0x11f: {  	v23 =	vld.idx.msk [tilespmem:v13+s20+$0xA0 ss:$0x1], $0xffff  }
0x120: {  	v51 =	vld.idx.msk [tilespmem:v13+s20+$0xB0 ss:$0x1], $0xffff  }
0x121: {  	v24 =	vld [tilespmem:s19+$0x10980]  }
0x122: {  	v25 =	vld [tilespmem:s19+$0x10990]  }
0x123: {  	v26 =	vld [tilespmem:s19+$0x109A0]  }
0x124: {  	v27 =	vld [tilespmem:s19+$0x109B0]  }
0x125: {  	v52 =	vld [tilespmem:s19+$0x109C0]  }
0x126: {  	v28 =	vld [tilespmem:s19+$0x109D0]  }
0x127: {  	v54 =	vld [tilespmem:s19+$0x109E0]  }
0x128: {  	s15 =	sshll.u32 s17, $0x7;
	v56 =	vld [tilespmem:s19+$0x109F0]  }
0x129: {  	v53 =	vld [tilespmem:s15+$0x15000]  }
0x12a: {  	v55 =	vld [tilespmem:s15+$0x15010]  }
0x12b: {  	v57 =	vld [tilespmem:s15+$0x15020]  }
0x12c: {  	v58 =	vld [tilespmem:s15+$0x15030]  }
0x12d: {  	v60 =	vld [tilespmem:s15+$0x15040]  }
0x12e: {  	v61 =	vld [tilespmem:s15+$0x15050];
	[tilespmem:s15+$0x1B800] =	vst v53  }
0x12f: {  	v14 =	vadd.f32 v21, v14;
	v12 =	vadd.f32 v20, v12;
	v62 =	vld [tilespmem:s15+$0x15060];
	[tilespmem:s15+$0x1B810] =	vst v55  }
0x130: {  	v10 =	vadd.f32 v19, v10;
	v6 =	vadd.f32 v18, v6;
	v63 =	vld [tilespmem:s15+$0x15070];
	[tilespmem:s15+$0x1B820] =	vst v57  }
0x131: {  	v11 =	vadd.f32 v11, v14;
	v9 =	vadd.f32 v9, v12;
	[tilespmem:s15+$0x1B830] =	vst v58  }
0x132: {  	v7 =	vadd.f32 v7, v10;
	v5 =	vadd.f32 v17, v5;
	[tilespmem:s15+$0x1B840] =	vst v60  }
0x133: {  	v6 =	vadd.f32 v8, v6;
	v4 =	vadd.f32 v16, v4;
	[tilespmem:s15+$0x1B850] =	vst v61  }
0x134: {  	v3 =	vadd.f32 v3, v5;
	v11 =	vadd.f32 v24, v11;
	[tilespmem:s15+$0x1B860] =	vst v62  }
0x135: {  	v1 =	vadd.f32 v15, v1;
	v9 =	vadd.f32 v25, v9;
	[tilespmem:s15+$0x1B870] =	vst v63  }
0x136: {  	v7 =	vadd.f32 v26, v7;
	v59 =	vadd.f32 v27, v6;
	[tilespmem:s15+$0x1BC00] =	vst v11  }
0x137: {  	s17 =	sadd.s32 $0x1, s17;
	v2 =	vadd.f32 v2, v4;
	v0 =	vadd.f32 v22, v0;
	[tilespmem:s15+$0x1BC10] =	vst v9  }
0x138: {  	p2 =	sne.s32 s17, $0x8;
	v3 =	vadd.f32 v52, v3;
	v1 =	vadd.f32 v23, v1;
	[tilespmem:s15+$0x1BC20] =	vst v7  }
.Ltmp12:
0x139: {  	[tilespmem:s15+$0x1BC30] =	vst v59;
	v2 =	vadd.f32 v28, v2;
	v0 =	vadd.f32 v51, v0;
	(pc) =	sbr.rel @p2 .LBB2_21-.Ltmp12, $4  }
0x13a: {  	[tilespmem:s15+$0x1BC40] =	vst v3;
	v1 =	vadd.f32 v54, v1  }
0x13b: {  	[tilespmem:s15+$0x1BC50] =	vst v2;
	v0 =	vadd.f32 v56, v0  }
0x13c: {  	[tilespmem:s15+$0x1BC60] =	vst v1  }
0x13d: {  	s18 =	sadd.s32 $0xA00, s18;
	[tilespmem:s15+$0x1BC70] =	vst v0  }
0x13e: {  	s15 =	sadd.s32 s9, s26  }
0x13f: {  	s15 =	sshll.u32 s15, $0x8  }
0x140: {  	s15 =	sand.u32 $0x1FFFFE00, s15  }
0x141: {  	s15 =	sadd.s32 s7, s15  }
0x142: {  	[hbm4b:s15+s4] =	stream.linear.scatter [tilespmem:s28], [sflag:$0x7], $0x800, $0x38;
	[tilespmem:$0x1CC00] =	vst v63  }
0x143: {  	s15 =	sadd.s32 @!p0 $0x6, s16  }
0x144: {  	s18 =	simm.s32 @!p0 $0x2C00;
	s16 =	sshrl.u32 @!p0 s15, $0x6  }
0x145: {  	s15 =	sand.u32 @!p0 $0x3E, s15;
	_ =	swait.ge [sflag:s29], $0x5400;
	s17 =	sand.u32 @!p0 $0x1, s16  }
0x146: {  	[sflag:s29] =	ssyncset.done $0x0;
	p2 =	seq.s32 @!p0 s17, $0x1;
	s17 =	smul.u32 @!p0 $0x2C0, s15  }
0x147: {  	s19 =	simm.s32 @!p0 $0x10000;
	[sflag:s29] =	ssyncadd.s32 $0xFFFFAC00;
	p2 =	por !p2, p0  }
0x148: {  	s18 =	simm.s32 @p2 $0x0;
	s17 =	sshrl.u32 @!p0 s17, $0x2;
	p2 =	sgt.u32 @!p0 s8, $0x2E  }
0x149: {  	s17 =	sadd.s32 @!p0 s17, s18;
	s18 =	simm.s32 @!p0 $0xA8;
	p3 =	por p2, p0  }
0x14a: {  	[tilespmem:s19], [sflag:$0x3] =	stream.indirect.gather @!p0 [hbm4b:s2+s18], $0x80, s17, s18, $0xb8;
	[tilespmem:$0x1CC00] =	vst v63  }
0x14b: {  	p4 =	sne.s32 @!p3 s15, $0x2  }
0x14c: {  	p5 =	por @!p0 p4, p2  }
0x14d: {  	p5 =	por p5, p0  }
0x14e: {  	s15 =	sadd.s32 @!p5 $0x1, s16  }
0x14f: {  	s16 =	sand.u32 @!p5 $0x1, s15  }
0x150: {  	s15 =	smul.u32 @!p5 $0x2C00, s15;
	p6 =	seq.s32 @!p5 s16, $0x1  }
0x151: {  	p3 =	por @!p3 !p6, p4  }
0x152: {  	s15 =	sadd.s32 @!p5 s5, s15;
	p2 =	por @!p0 !p3, p2  }
0x153: {  	s16 =	simm.s32 @!p5 $0x2C00;
	s15 =	sshrl.u32 @!p5 s15, $0x3;
	p0 =	por !p2, p0  }
0x154: {  	s17 =	simm.s32 @!p5 $0x0;
	s15 =	sadd.s32 @!p5 s6, s15;
	s16 =	simm.s32 @p0 $0x0  }
0x155: {  	[tilespmem:s16], [sflag:$0x9] =	stream.linear.gather @!p5 [hbm4b:s15+s17], $0x2C00, $0x38;
	[tilespmem:$0x1CC00] =	vst v63  }
0x156: {  	_ =	swait.ge @p1 [sflag:s14], $0x800  }
0x157: {  	[sflag:s14] =	ssyncset.done @p1 $0x0  }
0x158: {  	s16 =	simm.s32 $0x0;
	s17 =	simm.s32 $0x154C0;
	[sflag:s14] =	ssyncadd.s32 @p1 $0xFFFFF800  }
.LBB2_25:
0x159: {  	s15 =	smul.u32 $0x2800, s16;
	_ =	sdelay $0x1  }
0x15a: {  	s18 =	sshra.s32 s15, $0x2  }
0x15b: {  	v14 =	vld [tilespmem:s18+$0x15400]  }
0x15c: {  	v12 =	vld [tilespmem:s18+$0x15410]  }
0x15d: {  	v10 =	vld [tilespmem:s18+$0x15420]  }
0x15e: {  	v13 =	vmov s17;
	v6 =	vld [tilespmem:s18+$0x15430]  }
0x15f: {  	v5 =	vld [tilespmem:s18+$0x15440]  }
0x160: {  	v4 =	vld [tilespmem:s18+$0x15450]  }
0x161: {  	v1 =	vld [tilespmem:s18+$0x15460]  }
0x162: {  	s19 =	simm.s32 $0x0;
	v0 =	vld [tilespmem:s18+$0x15470]  }
0x163: {  	v11 =	vld.idx.msk [tilespmem:v13+s19+$0x40 ss:$0x1], $0xffff  }
0x164: {  	v9 =	vld.idx.msk [tilespmem:v13+s19+$0x50 ss:$0x1], $0xffff  }
0x165: {  	v7 =	vld.idx.msk [tilespmem:v13+s19+$0x60 ss:$0x1], $0xffff  }
0x166: {  	v8 =	vld.idx.msk [tilespmem:v13+s19+$0x70 ss:$0x1], $0xffff  }
0x167: {  	v3 =	vld.idx.msk [tilespmem:v13+s19+$0x80 ss:$0x1], $0xffff  }
0x168: {  	v2 =	vld.idx.msk [tilespmem:v13+s19+$0x90 ss:$0x1], $0xffff  }
0x169: {  	v21 =	vld.idx.msk [tilespmem:v13+s19+$0xFFFFFFC0 ss:$0x1], $0xffff  }
0x16a: {  	v20 =	vld.idx.msk [tilespmem:v13+s19+$0xFFFFFFD0 ss:$0x1], $0xffff  }
0x16b: {  	v19 =	vld.idx.msk [tilespmem:v13+s19+$0xFFFFFFE0 ss:$0x1], $0xffff  }
0x16c: {  	v18 =	vld.idx.msk [tilespmem:v13+s19+$0xFFFFFFF0 ss:$0x1], $0xffff  }
0x16d: {  	v17 =	vld.idx.msk [tilespmem:v13+s19+$0x0 ss:$0x1], $0xffff  }
0x16e: {  	v16 =	vld.idx.msk [tilespmem:v13+s19+$0x10 ss:$0x1], $0xffff  }
0x16f: {  	s15 =	simm.s32 $0x400;
	v15 =	vld.idx.msk [tilespmem:v13+s19+$0x20 ss:$0x1], $0xffff  }
.LBB2_26:
0x170: {  	p0 =	sne.s32 s15, $0x2000;
	v22 =	vld.idx.msk [tilespmem:v13+s19+$0x30 ss:$0x1], $0xffff  }
0x171: {  	v14 =	vadd.f32 v21, v14;
	v12 =	vadd.f32 v20, v12;
	v20 =	vld.idx.msk [tilespmem:v13+s19+$0xA0 ss:$0x1], $0xffff  }
0x172: {  	v10 =	vadd.f32 v19, v10;
	v6 =	vadd.f32 v18, v6;
	v18 =	vld.idx.msk [tilespmem:v13+s19+$0xB0 ss:$0x1], $0xffff;
	s19 =	sshra.s32 s15, $0x2  }
0x173: {  	v14 =	vadd.f32 v11, v14;
	v12 =	vadd.f32 v9, v12;
	v11 =	vld.idx.msk [tilespmem:v13+s19+$0x40 ss:$0x1], $0xffff  }
0x174: {  	v10 =	vadd.f32 v7, v10;
	v6 =	vadd.f32 v8, v6;
	v9 =	vld.idx.msk [tilespmem:v13+s19+$0x50 ss:$0x1], $0xffff  }
0x175: {  	v5 =	vadd.f32 v17, v5;
	v4 =	vadd.f32 v16, v4;
	v7 =	vld.idx.msk [tilespmem:v13+s19+$0x60 ss:$0x1], $0xffff  }
0x176: {  	v1 =	vadd.f32 v15, v1;
	v0 =	vadd.f32 v22, v0;
	v8 =	vld.idx.msk [tilespmem:v13+s19+$0x70 ss:$0x1], $0xffff  }
0x177: {  	v5 =	vadd.f32 v3, v5;
	v4 =	vadd.f32 v2, v4;
	v3 =	vld.idx.msk [tilespmem:v13+s19+$0x80 ss:$0x1], $0xffff  }
0x178: {  	v1 =	vadd.f32 v20, v1;
	v0 =	vadd.f32 v18, v0;
	v2 =	vld.idx.msk [tilespmem:v13+s19+$0x90 ss:$0x1], $0xffff  }
0x179: {  	v21 =	vld.idx.msk [tilespmem:v13+s19+$0xFFFFFFC0 ss:$0x1], $0xffff  }
0x17a: {  	v20 =	vld.idx.msk [tilespmem:v13+s19+$0xFFFFFFD0 ss:$0x1], $0xffff  }
.Ltmp13:
0x17b: {  	v19 =	vld.idx.msk [tilespmem:v13+s19+$0xFFFFFFE0 ss:$0x1], $0xffff;
	(pc) =	sbr.rel @p0 .LBB2_26-.Ltmp13, $4  }
0x17c: {  	v18 =	vld.idx.msk [tilespmem:v13+s19+$0xFFFFFFF0 ss:$0x1], $0xffff  }
0x17d: {  	v17 =	vld.idx.msk [tilespmem:v13+s19+$0x0 ss:$0x1], $0xffff  }
0x17e: {  	v16 =	vld.idx.msk [tilespmem:v13+s19+$0x10 ss:$0x1], $0xffff  }
0x17f: {  	s15 =	sadd.s32 $0x400, s15;
	v15 =	vld.idx.msk [tilespmem:v13+s19+$0x20 ss:$0x1], $0xffff  }
0x180: {  	_ =	sdelay $0x3  }
0x181: {  	v22 =	vld.idx.msk [tilespmem:v13+s19+$0x30 ss:$0x1], $0xffff  }
0x182: {  	v23 =	vld.idx.msk [tilespmem:v13+s19+$0xA0 ss:$0x1], $0xffff  }
0x183: {  	v51 =	vld.idx.msk [tilespmem:v13+s19+$0xB0 ss:$0x1], $0xffff  }
0x184: {  	v24 =	vld [tilespmem:s18+$0x15D80]  }
0x185: {  	v25 =	vld [tilespmem:s18+$0x15D90]  }
0x186: {  	v26 =	vld [tilespmem:s18+$0x15DA0]  }
0x187: {  	v27 =	vld [tilespmem:s18+$0x15DB0]  }
0x188: {  	v52 =	vld [tilespmem:s18+$0x15DC0]  }
0x189: {  	v28 =	vld [tilespmem:s18+$0x15DD0]  }
0x18a: {  	v54 =	vld [tilespmem:s18+$0x15DE0]  }
0x18b: {  	s15 =	sshll.u32 s16, $0x7;
	v56 =	vld [tilespmem:s18+$0x15DF0]  }
0x18c: {  	v53 =	vld [tilespmem:s15+$0x1A400]  }
0x18d: {  	v55 =	vld [tilespmem:s15+$0x1A410]  }
0x18e: {  	v57 =	vld [tilespmem:s15+$0x1A420]  }
0x18f: {  	v58 =	vld [tilespmem:s15+$0x1A430]  }
0x190: {  	v60 =	vld [tilespmem:s15+$0x1A440]  }
0x191: {  	v61 =	vld [tilespmem:s15+$0x1A450];
	[tilespmem:s15+$0x1C000] =	vst v53  }
0x192: {  	v14 =	vadd.f32 v21, v14;
	v12 =	vadd.f32 v20, v12;
	v62 =	vld [tilespmem:s15+$0x1A460];
	[tilespmem:s15+$0x1C010] =	vst v55  }
0x193: {  	v10 =	vadd.f32 v19, v10;
	v6 =	vadd.f32 v18, v6;
	v63 =	vld [tilespmem:s15+$0x1A470];
	[tilespmem:s15+$0x1C020] =	vst v57  }
0x194: {  	v11 =	vadd.f32 v11, v14;
	v9 =	vadd.f32 v9, v12;
	[tilespmem:s15+$0x1C030] =	vst v58  }
0x195: {  	v7 =	vadd.f32 v7, v10;
	v5 =	vadd.f32 v17, v5;
	[tilespmem:s15+$0x1C040] =	vst v60  }
0x196: {  	v6 =	vadd.f32 v8, v6;
	v4 =	vadd.f32 v16, v4;
	[tilespmem:s15+$0x1C050] =	vst v61  }
0x197: {  	v3 =	vadd.f32 v3, v5;
	v11 =	vadd.f32 v24, v11;
	[tilespmem:s15+$0x1C060] =	vst v62  }
0x198: {  	v1 =	vadd.f32 v15, v1;
	v9 =	vadd.f32 v25, v9;
	[tilespmem:s15+$0x1C070] =	vst v63  }
0x199: {  	v7 =	vadd.f32 v26, v7;
	v59 =	vadd.f32 v27, v6;
	[tilespmem:s15+$0x1C400] =	vst v11  }
0x19a: {  	s16 =	sadd.s32 $0x1, s16;
	v2 =	vadd.f32 v2, v4;
	v0 =	vadd.f32 v22, v0;
	[tilespmem:s15+$0x1C410] =	vst v9  }
0x19b: {  	p0 =	sne.s32 s16, $0x8;
	v3 =	vadd.f32 v52, v3;
	v1 =	vadd.f32 v23, v1;
	[tilespmem:s15+$0x1C420] =	vst v7  }
.Ltmp14:
0x19c: {  	[tilespmem:s15+$0x1C430] =	vst v59;
	v2 =	vadd.f32 v28, v2;
	v0 =	vadd.f32 v51, v0;
	(pc) =	sbr.rel @p0 .LBB2_25-.Ltmp14, $4  }
0x19d: {  	[tilespmem:s15+$0x1C440] =	vst v3;
	v1 =	vadd.f32 v54, v1  }
0x19e: {  	[tilespmem:s15+$0x1C450] =	vst v2;
	v0 =	vadd.f32 v56, v0  }
0x19f: {  	[tilespmem:s15+$0x1C460] =	vst v1  }
0x1a0: {  	s17 =	sadd.s32 $0xA00, s17;
	[tilespmem:s15+$0x1C470] =	vst v0  }
0x1a1: {  	s8 =	sadd.s32 $0x1, s8  }
0x1a2: {  	p0 =	sne.s32 s8, $0x40  }
.Ltmp15:
0x1a3: {  	s3 =	sadd.s32 s9, s3;
	(pc) =	sbr.rel @p0 .LBB2_2-.Ltmp15, $4  }
0x1a4: {  	s3 =	sshll.u32 s3, $0x8  }
0x1a5: {  	s3 =	sand.u32 $0x1FFFFF00, s3  }
0x1a6: {  	s3 =	sadd.s32 s7, s3  }
0x1a7: {  	[hbm4b:s3+s4] =	stream.linear.scatter [tilespmem:s10], [sflag:$0x8], $0x800, $0x38;
	[tilespmem:$0x1CC00] =	vst v63  }
0x1a8: {  	_ =	swait.ge [sflag:s11], $0x800  }
0x1a9: {  	[sflag:s11] =	ssyncset.done $0x0  }
0x1aa: {  	[sflag:s11] =	ssyncadd.s32 $0xFFFFF800  }
0x1ab: {  	_ =	swait.ge [sflag:s12], $0x800  }
0x1ac: {  	[sflag:s12] =	ssyncset.done $0x0  }
0x1ad: {  	[sflag:s12] =	ssyncadd.s32 $0xFFFFF800  }
0x1ae: {  	_ =	swait.ge [sflag:s13], $0x800  }
0x1af: {  	[sflag:s13] =	ssyncset.done $0x0  }
0x1b0: {  	[sflag:s13] =	ssyncadd.s32 $0xFFFFF800  }
0x1b1: {  	_ =	swait.ge [sflag:s14], $0x800  }
0x1b2: {  	[sflag:s14] =	ssyncset.done $0x0  }
0x1b3: {  	s8 =	simm.s32 $0x1C800;
	s3 =	rddreg [dreg:$0x6];
	[sflag:s14] =	ssyncadd.s32 $0xFFFFF800  }
0x1b4: {  	[tilespmem:s8], [sflag:$0x9] =	stream.linear.gather [hbm4b:s3+s4], $0x400, $0x38;
	[tilespmem:$0x1CC00] =	vst v63  }
0x1b5: {  	_ =	swait.ge [sflag:s21], $0x400  }
0x1b6: {  	[sflag:s21] =	ssyncset.done $0x0  }
0x1b7: {  	[sflag:s21] =	ssyncadd.s32 $0xFFFFFC00  }
0x1b8: {  	s16 =	simm.s32 $0x80;
	s3 =	rddreg [dreg:$0x2]  }
0x1b9: {  	[tilespmem:s24], [sflag:$0xA] =	stream.indirect.gather [hbm4b:s3+s16], $0x80, s8, s16, $0xb8;
	[tilespmem:$0x1CC00] =	vst v63  }
0x1ba: {  	s15 =	simm.s32 $0xAC00;
	s17 =	simm.s32 $0x1C880  }
0x1bb: {  	[tilespmem:s15], [sflag:$0xB] =	stream.indirect.gather [hbm4b:s3+s16], $0x80, s17, s16, $0xb8;
	[tilespmem:$0x1CC00] =	vst v63  }
0x1bc: {  	s17 =	simm.s32 $0xA  }
0x1bd: {  	_ =	swait.ge [sflag:s17], $0x4000  }
0x1be: {  	[sflag:s17] =	ssyncset.done $0x0  }
0x1bf: {  	s18 =	rddreg [dreg:$0x7];
	[sflag:s17] =	ssyncadd.s32 $0xFFFFC000  }
0x1c0: {  	[hbm4b:s18+s4] =	stream.linear.scatter [tilespmem:s24], [sflag:$0xD], $0x4000, $0x38;
	[tilespmem:$0x1CC00] =	vst v63  }
0x1c1: {  	s18 =	simm.s32 $0xD  }
0x1c2: {  	_ =	swait.ge [sflag:s18], $0x4000  }
0x1c3: {  	[sflag:s18] =	ssyncset.done $0x0  }
0x1c4: {  	s19 =	simm.s32 $0x1C900;
	[sflag:s18] =	ssyncadd.s32 $0xFFFFC000  }
0x1c5: {  	[tilespmem:s24], [sflag:$0xA] =	stream.indirect.gather [hbm4b:s3+s16], $0x80, s19, s16, $0xb8;
	[tilespmem:$0x1CC00] =	vst v63  }
0x1c6: {  	s19 =	simm.s32 $0xB  }
0x1c7: {  	_ =	swait.ge [sflag:s19], $0x4000  }
0x1c8: {  	[sflag:s19] =	ssyncset.done $0x0  }
0x1c9: {  	s20 =	rddreg [dreg:$0x9];
	[sflag:s19] =	ssyncadd.s32 $0xFFFFC000  }
0x1ca: {  	[hbm4b:s20+s4] =	stream.linear.scatter [tilespmem:s15], [sflag:$0xC], $0x4000, $0x38;
	[tilespmem:$0x1CC00] =	vst v63  }
0x1cb: {  	s20 =	simm.s32 $0xC  }
0x1cc: {  	_ =	swait.ge [sflag:s20], $0x4000  }
0x1cd: {  	[sflag:s20] =	ssyncset.done $0x0  }
0x1ce: {  	s26 =	simm.s32 $0x1C980;
	[sflag:s20] =	ssyncadd.s32 $0xFFFFC000  }
0x1cf: {  	[tilespmem:s15], [sflag:$0xB] =	stream.indirect.gather [hbm4b:s3+s16], $0x80, s26, s16, $0xb8;
	[tilespmem:$0x1CC00] =	vst v63  }
0x1d0: {  	_ =	swait.ge [sflag:s17], $0x4000  }
0x1d1: {  	[sflag:s17] =	ssyncset.done $0x0  }
0x1d2: {  	s26 =	rddreg [dreg:$0xa];
	[sflag:s17] =	ssyncadd.s32 $0xFFFFC000  }
0x1d3: {  	[hbm4b:s26+s4] =	stream.linear.scatter [tilespmem:s24], [sflag:$0xD], $0x4000, $0x38;
	[tilespmem:$0x1CC00] =	vst v63  }
0x1d4: {  	_ =	swait.ge [sflag:s18], $0x4000  }
0x1d5: {  	[sflag:s18] =	ssyncset.done $0x0  }
0x1d6: {  	s26 =	simm.s32 $0x1CA00;
	[sflag:s18] =	ssyncadd.s32 $0xFFFFC000  }
0x1d7: {  	[tilespmem:s24], [sflag:$0xA] =	stream.indirect.gather [hbm4b:s3+s16], $0x80, s26, s16, $0xb8;
	[tilespmem:$0x1CC00] =	vst v63  }
0x1d8: {  	_ =	swait.ge [sflag:s19], $0x4000  }
0x1d9: {  	[sflag:s19] =	ssyncset.done $0x0  }
0x1da: {  	s26 =	rddreg [dreg:$0xb];
	[sflag:s19] =	ssyncadd.s32 $0xFFFFC000  }
0x1db: {  	[hbm4b:s26+s4] =	stream.linear.scatter [tilespmem:s15], [sflag:$0xC], $0x4000, $0x38;
	[tilespmem:$0x1CC00] =	vst v63  }
0x1dc: {  	_ =	swait.ge [sflag:s20], $0x4000  }
0x1dd: {  	[sflag:s20] =	ssyncset.done $0x0  }
0x1de: {  	s26 =	simm.s32 $0x1CA80;
	[sflag:s20] =	ssyncadd.s32 $0xFFFFC000  }
0x1df: {  	[tilespmem:s15], [sflag:$0xB] =	stream.indirect.gather [hbm4b:s3+s16], $0x80, s26, s16, $0xb8;
	[tilespmem:$0x1CC00] =	vst v63  }
0x1e0: {  	_ =	swait.ge [sflag:s17], $0x4000  }
0x1e1: {  	[sflag:s17] =	ssyncset.done $0x0  }
0x1e2: {  	s26 =	rddreg [dreg:$0xc];
	[sflag:s17] =	ssyncadd.s32 $0xFFFFC000  }
0x1e3: {  	[hbm4b:s26+s4] =	stream.linear.scatter [tilespmem:s24], [sflag:$0xD], $0x4000, $0x38;
	[tilespmem:$0x1CC00] =	vst v63  }
0x1e4: {  	_ =	swait.ge [sflag:s18], $0x4000  }
0x1e5: {  	[sflag:s18] =	ssyncset.done $0x0  }
0x1e6: {  	s26 =	simm.s32 $0x1CB00;
	[sflag:s18] =	ssyncadd.s32 $0xFFFFC000  }
0x1e7: {  	[tilespmem:s24], [sflag:$0xA] =	stream.indirect.gather [hbm4b:s3+s16], $0x80, s26, s16, $0xb8;
	[tilespmem:$0x1CC00] =	vst v63  }
0x1e8: {  	_ =	swait.ge [sflag:s19], $0x4000  }
0x1e9: {  	[sflag:s19] =	ssyncset.done $0x0  }
0x1ea: {  	s26 =	rddreg [dreg:$0xd];
	[sflag:s19] =	ssyncadd.s32 $0xFFFFC000  }
0x1eb: {  	[hbm4b:s26+s4] =	stream.linear.scatter [tilespmem:s15], [sflag:$0xC], $0x4000, $0x38;
	[tilespmem:$0x1CC00] =	vst v63  }
0x1ec: {  	_ =	swait.ge [sflag:s20], $0x4000  }
0x1ed: {  	[sflag:s20] =	ssyncset.done $0x0  }
0x1ee: {  	s26 =	simm.s32 $0x1CB80;
	[sflag:s20] =	ssyncadd.s32 $0xFFFFC000  }
0x1ef: {  	[tilespmem:s15], [sflag:$0xB] =	stream.indirect.gather [hbm4b:s3+s16], $0x80, s26, s16, $0xb8;
	[tilespmem:$0x1CC00] =	vst v63  }
0x1f0: {  	_ =	swait.ge [sflag:s17], $0x4000  }
0x1f1: {  	[sflag:s17] =	ssyncset.done $0x0  }
0x1f2: {  	[sflag:s17] =	ssyncadd.s32 $0xFFFFC000;
	s17 =	rddreg [dreg:$0xe]  }
0x1f3: {  	[hbm4b:s17+s4] =	stream.linear.scatter [tilespmem:s24], [sflag:$0xD], $0x4000, $0x38;
	[tilespmem:$0x1CC00] =	vst v63  }
0x1f4: {  	_ =	swait.ge [sflag:s18], $0x4000  }
0x1f5: {  	[sflag:s18] =	ssyncset.done $0x0  }
0x1f6: {  	[sflag:s18] =	ssyncadd.s32 $0xFFFFC000  }
0x1f7: {  	_ =	swait.ge [sflag:s19], $0x4000  }
0x1f8: {  	[sflag:s19] =	ssyncset.done $0x0  }
0x1f9: {  	s18 =	rddreg [dreg:$0xf];
	[sflag:s19] =	ssyncadd.s32 $0xFFFFC000  }
0x1fa: {  	[hbm4b:s18+s4] =	stream.linear.scatter [tilespmem:s15], [sflag:$0xC], $0x4000, $0x38;
	[tilespmem:$0x1CC00] =	vst v63  }
0x1fb: {  	_ =	swait.ge [sflag:s20], $0x4000  }
0x1fc: {  	s19 =	rddreg [dreg:$0x10]  }
0x1fd: {  	s26 =	rddreg [dreg:$0x8];
	s8 =	sadd.s32 $0x1, s19  }
0x1fe: {  	p0 =	sne.s32 s8, s26  }
.Ltmp16:
0x1ff: {  	_ = 	snop;
	(pc) =	sbr.rel @p0 .LBB2_1-.Ltmp16, $3  }
0x200: {  	_ =	sdelay $0x1  }
0x201: {  	[sflag:s20] =	ssyncset.done $0x0  }
0x202: {  	[sflag:s20] =	ssyncadd.s32 $0xFFFFC000  }
0x203: {  	_ =	sfence.sel $0x180000  }
0x204: {  	[bflag:$0x0] =	sbarrier.arrive $0xFFFF  }
0x205: {  	_ =	strace $0x90000047  }
0x206: {  	s0 =	stileid.u32;
	[bflag:$0x2] =	sbarrier.arrive $0xFFFF  }
0x207: {  	p0 =	sne.s32 s0, $0x0;
	s0 =	rddreg [dreg:$0x3]  }
0x208: {  	s0 =	sadd.s32 @!p0 $0x100000, s0  }
0x209: {  	[sflag:s0] =	ssyncadd.tile.s32 @!p0 $0x1;
	_ =	shalt  }
.Lfunc_end2:
_tile_overlayer_lowered:
.L_overlay_start_2:
0x20a: {  	(tag) =	ssettag $0x2  }
0x20b: {  	s0 =	rddreg [dreg:$0x0];
	s2 =	stileid.u32  }
0x20c: {  	s1 =	rddreg [dreg:$0x1];
	p0 =	sne.s32 s2, $0x0  }
0x20d: {  	s3 =	rddreg [dreg:$0x2];
	[bflag:$0x3] =	sbarrier.arrive $0xFFFF;
	s2 =	simm.s32 @!p0 $0x1C0C  }
0x20e: {  	[timem:s3], [sflag:s2] =	dma.local @!p0 [hbm:s0], s1  }
0x20f: {  	s0 =	simm.s32 @!p0 $0xC  }
0x210: {  	_ =	swait.ge @!p0 [sflag:s0], s1  }
0x211: {  	s1 =	ssub.s32 @!p0 $0x0, s1;
	[sflag:s0] =	ssyncset.done @!p0 $0x0  }
0x212: {  	[sflag:s0] =	ssyncadd.s32 @!p0 s1  }
0x213: {  	[bflag:$0x3] =	sbarrier.arrive $0xFFFF  }
0x214: {  	_ =	shalt  }

</sc_bundles>
